<compile_context>
chip_gen: v7x
topology: tpu7x:2x2x1
jax: 0.10.2.dev20260603
libtpu: 0.0.44.dev20260713+nightly
codegen_flags: <defaults>
</compile_context>

<pallas_src>
import functools

import jax
import jax.numpy as jnp
from jax import lax
from jax.experimental import pallas as pl
from jax.experimental.pallas import tpu as pltpu
from jax.experimental.pallas import tpu_sc as plsc

B = 16384
IN_DIM = 52
N_EMB = 26
VOCAB = 100000
EMB = 16
OUT_DIM = N_EMB * EMB + N_EMB
NROW = N_EMB * VOCAB

NC = 2
NS = 16
L = 16
NW = NC * NS
RPW = B // NW
NCHUNK = RPW // L
IDXW = 128
NIDX = RPW // IDXW
PERW = RPW * N_EMB
HRPW = RPW // 2
HPERW = HRPW * N_EMB

VT = VOCAB // 128
UNITS = N_EMB * VT
NBUF = 4
PADK = 636
TAILV = VOCAB - VT * 128


def _tp_body(x_hbm, tabt_hbm, packed_hbm, idxf_hbm, ptf_hbm,
             xs_v, idxs_v, pts_v, stage, p_v, st_t, p_t,
             sin0, sin1, sin2, sin3, sout0, sout1, sout2, sout3):
    w = lax.axis_index("s") * NC + lax.axis_index("c")
    base = w * RPW

    iota = lax.iota(jnp.int32, L)

    def half_body(cb, c):
        pltpu.sync_copy(x_hbm.at[:, pl.ds(base + cb * HRPW, HRPW)], xs_v)

        @plsc.parallel_loop(0, N_EMB * (HRPW // L), unroll=4)
        def _(ik):
            i = ik // (HRPW // L)
            k = ik % (HRPW // L)
            vals = xs_v[i, pl.ds(k * L, L)] + i * VOCAB
            idxs_v[pl.ds(i * HRPW + k * L, L)] = vals

        @plsc.parallel_loop(0, N_EMB * (HRPW // L), unroll=4)
        def _(jk):
            j = jk // (HRPW // L)
            k = jk % (HRPW // L)
            vals = xs_v[N_EMB + j, pl.ds(k * L, L)].astype(jnp.float32)
            pos = (k * L + iota) * N_EMB + j
            plsc.store_scatter(pts_v, [pos], vals)

        pltpu.sync_copy(idxs_v, idxf_hbm.at[pl.ds(w * PERW + cb * HPERW, HPERW)])
        pltpu.sync_copy(pts_v, ptf_hbm.at[pl.ds(w * PERW + cb * HPERW, HPERW)])
        return c
    lax.fori_loop(0, 2, half_body, 0)

    sins = (sin0, sin1, sin2, sin3)
    souts = (sout0, sout1, sout2, sout3)

    def unit_coords(k):
        u = w + k * NW
        u = lax.select(u < UNITS, u, w)
        i = u // VT
        vt = u % VT
        return i * 16, vt * 128, i * VOCAB + vt * 128

    def issue_load(k, b):
        f0, v0, _ = unit_coords(k)
        pltpu.async_copy(
            tabt_hbm.at[pl.ds(f0, 16), pl.ds(v0, 128)], stage.at[b], sins[b]
        )

    def shuffle(b):
        bfull = jnp.full((L,), b, jnp.int32)

        @plsc.parallel_loop(0, 128, unroll=8)
        def _(j):
            m = (j & ~15) + ((j + iota) & 15)
            vals = plsc.load_gather(stage, [bfull, iota, m])
            plsc.store_scatter(p_v, [bfull, m * L + iota], vals)

    for b in range(NBUF):
        issue_load(b, b)

    def pipe_body(kk, c):
        for b in range(NBUF):
            k = kk * NBUF + b
            pltpu.make_async_copy(
                tabt_hbm.at[pl.ds(0, 16), pl.ds(0, 128)], stage.at[b], sins[b]
            ).wait()

            @pl.when(kk > 0)
            def _():
                pltpu.make_async_copy(
                    p_v.at[b], packed_hbm.at[pl.ds(0, 128 * EMB)], souts[b]
                ).wait()

            shuffle(b)
            _, _, q0 = unit_coords(k)
            pltpu.async_copy(
                p_v.at[b], packed_hbm.at[pl.ds(q0 * EMB, 128 * EMB)], souts[b]
            )

            @pl.when(k < PADK - NBUF)
            def _():
                issue_load(k + NBUF, b)
        return c

    lax.fori_loop(0, PADK // NBUF, pipe_body, 0)
    for b in range(NBUF):
        pltpu.make_async_copy(
            p_v.at[b], packed_hbm.at[pl.ds(0, 128 * EMB)], souts[b]
        ).wait()

    @pl.when(w < N_EMB)
    def _():
        pltpu.sync_copy(
            tabt_hbm.at[pl.ds(w * 16, 16), pl.ds(VT * 128, TAILV)], st_t
        )
        @plsc.parallel_loop(0, TAILV, unroll=4)
        def _(j):
            blk = (j // 16) * 16
            m = blk + ((j % 16) + iota) % 16
            vals = plsc.load_gather(st_t, [iota, m])
            plsc.store_scatter(p_t, [m * L + iota], vals)
        pltpu.sync_copy(
            p_t, packed_hbm.at[pl.ds((w * VOCAB + VT * 128) * EMB, TAILV * EMB)]
        )


def _gt_body(idxf_hbm, ptf_hbm, packed_hbm, out_hbm,
             idx_v, g_v, f_v, pt1_v, si0, si1, sg0, sg1, sw0, sw1):
    w = lax.axis_index("s") * NC + lax.axis_index("c")
    base = w * RPW
    sis = (si0, si1)
    sgs = (sg0, sg1)
    sws = (sw0, sw1)

    pltpu.sync_copy(ptf_hbm.at[pl.ds(w * PERW, PERW)], pt1_v)

    @plsc.parallel_loop(0, RPW, unroll=4)
    def _(r):
        f_v[r, pl.ds(0, L)] = pt1_v[pl.ds(r * N_EMB, L)]
        f_v[r, pl.ds(10, L)] = pt1_v[pl.ds(r * N_EMB + 10, L)]
    pltpu.sync_copy(f_v, out_hbm.at[pl.ds(base, RPW), pl.ds(N_EMB * EMB, N_EMB)])

    def load_idx(i, b, s):
        src0 = idxf_hbm.at[pl.ds(w * PERW + i * HRPW, HRPW)]
        src1 = idxf_hbm.at[pl.ds(w * PERW + HPERW + i * HRPW, HRPW)]
        if s:
            pltpu.sync_copy(src0, idx_v.at[b, pl.ds(0, HRPW)])
            pltpu.sync_copy(src1, idx_v.at[b, pl.ds(HRPW, HRPW)])
        else:
            pltpu.async_copy(src0, idx_v.at[b, pl.ds(0, HRPW)], sis[b])
            pltpu.async_copy(src1, idx_v.at[b, pl.ds(HRPW, HRPW)], sis[b])

    def wait_idx(b):
        for h in range(2):
            pltpu.make_async_copy(
                idxf_hbm.at[pl.ds(0, HRPW)], idx_v.at[b, pl.ds(0, HRPW)], sis[b]
            ).wait()

    def issue_gathers(b):
        for j in range(NIDX):
            pltpu.async_copy(
                packed_hbm.at[idx_v.at[b, pl.ds(j * IDXW, IDXW)]],
                g_v.at[b, pl.ds(j * IDXW, IDXW), :],
                sgs[b],
            )

    def wait_gathers(b):
        for j in range(NIDX):
            pltpu.make_async_copy(
                packed_hbm.at[idx_v.at[b, pl.ds(0, IDXW)]],
                g_v.at[b, pl.ds(0, IDXW), :],
                sgs[b],
            ).wait()

    def wait_write(b):
        pltpu.make_async_copy(
            g_v.at[b], out_hbm.at[pl.ds(base, RPW), pl.ds(0, EMB)], sws[b]
        ).wait()

    load_idx(0, 0, True)
    issue_gathers(0)
    load_idx(1, 1, False)

    def col_body(ii, carry):
        for b in range(2):
            i = ii * 2 + b
            nb = 1 - b
            wait_gathers(b)
            pltpu.async_copy(
                g_v.at[b], out_hbm.at[pl.ds(base, RPW), pl.ds(i * EMB, EMB)], sws[b]
            )

            @pl.when(i + 1 < N_EMB)
            def _():
                wait_idx(nb)

                @pl.when(i >= 1)
                def _():
                    wait_write(nb)
                issue_gathers(nb)

            @pl.when(i + 2 < N_EMB)
            def _():
                load_idx(i + 2, b, False)
        return carry

    lax.fori_loop(0, N_EMB // 2, col_body, 0)
    wait_write(0)
    wait_write(1)


_mesh = plsc.VectorSubcoreMesh(core_axis_name="c", subcore_axis_name="s")

_repack = functools.partial(
    pl.kernel,
    mesh=_mesh,
    out_type=(
        jax.ShapeDtypeStruct((NROW * EMB,), jnp.float32),
        jax.ShapeDtypeStruct((B * N_EMB,), jnp.int32),
        jax.ShapeDtypeStruct((B * N_EMB,), jnp.float32),
    ),
    compiler_params=pltpu.CompilerParams(needs_layout_passes=False),
    scratch_types=[
        pltpu.VMEM((IN_DIM, HRPW), jnp.int32),
        pltpu.VMEM((HPERW,), jnp.int32),
        pltpu.VMEM((HPERW,), jnp.float32),
        pltpu.VMEM((NBUF, 16, 128), jnp.float32),
        pltpu.VMEM((NBUF, 128 * EMB), jnp.float32),
        pltpu.VMEM((16, TAILV), jnp.float32),
        pltpu.VMEM((TAILV * EMB,), jnp.float32),
        pltpu.SemaphoreType.DMA,
        pltpu.SemaphoreType.DMA,
        pltpu.SemaphoreType.DMA,
        pltpu.SemaphoreType.DMA,
        pltpu.SemaphoreType.DMA,
        pltpu.SemaphoreType.DMA,
        pltpu.SemaphoreType.DMA,
        pltpu.SemaphoreType.DMA,
    ],
)(_tp_body)

_gather = functools.partial(
    pl.kernel,
    mesh=_mesh,
    out_type=jax.ShapeDtypeStruct((B, OUT_DIM), jnp.float32),
    compiler_params=pltpu.CompilerParams(
        use_tc_tiling_on_sc=False, needs_layout_passes=False
    ),
    scratch_types=[
        pltpu.VMEM((2, RPW), jnp.int32),
        pltpu.VMEM((2, RPW, EMB), jnp.float32),
        pltpu.VMEM((RPW, N_EMB), jnp.float32),
        pltpu.VMEM((PERW,), jnp.float32),
        pltpu.SemaphoreType.DMA,
        pltpu.SemaphoreType.DMA,
        pltpu.SemaphoreType.DMA,
        pltpu.SemaphoreType.DMA,
        pltpu.SemaphoreType.DMA,
        pltpu.SemaphoreType.DMA,
    ],
)(_gt_body)


def kernel(x, emb_tables):
    tabt = jnp.transpose(emb_tables, (0, 2, 1)).reshape(N_EMB * EMB, VOCAB)
    packed, idxf, ptf = _repack(x.T, tabt)
    return _gather(idxf, ptf, packed.reshape(NROW, EMB))

# --- scband reference (transcript-rebuilt; emitter-appended) ---
"""Pipeline reference for scband-embeddings-module-37374805410601 (READ-ONLY COPY).

The authoritative reference and input builder live on the scoring server;
editing this copy changes nothing except your own understanding.
"""

import jax, jax.numpy as jnp
import numpy as np

B = 16384
INPUT_DIM = 52
N_EMB = (INPUT_DIM + 1) // 2  # 26
VOCAB = 100000
EMB = 16


def setup_inputs(seed: int = 0) -> dict:
    key = jax.random.key(seed)
    k1, k2 = jax.random.split(key)
    x = jax.random.randint(k1, (B, INPUT_DIM), 0, VOCAB, dtype=jnp.int32)
    # 26 embedding tables of shape [VOCAB, EMB], stacked
    emb_tables = jax.random.normal(k2, (N_EMB, VOCAB, EMB), dtype=jnp.float32)
    return {"x": x, "emb_tables": emb_tables}


def reference(x, emb_tables):
    # torch: half_1, half_2 = x.int().chunk(2, dim=1)
    xi = x.astype(jnp.int32)
    half1 = xi[:, :N_EMB]          # [B, 26] -> indices into per-column tables
    half2 = xi[:, N_EMB:]          # [B, 26] -> passed through (cast to float by cat promotion)
    # per-column embedding lookup: e_i(half1[:, i]) for each i, concatenated along -1
    gathered = jax.vmap(lambda table, idx: table[idx], in_axes=(0, 1), out_axes=1)(emb_tables, half1)  # [B, N_EMB, EMB]
    gathered = gathered.reshape(xi.shape[0], N_EMB * EMB)
    out = jnp.concatenate([gathered, half2.astype(jnp.float32)], axis=-1)  # [B, N_EMB*EMB + 26]
    return out

if __name__ == "__main__":
    import jax
    _d = setup_inputs()
    print(jax.jit(kernel)(*tuple(_d.values())))

</pallas_src>

<mosaic_0001>
#map = affine_map<(d0, d1) -> (0, 0)>
#map1 = affine_map<(d0, d1) -> (0)>
module attributes {stable_mosaic.version = 14 : i64} {
  func.func @_tp_body(%arg0: i32, %arg1: i32, %arg2: memref<52x16384xi32, #tpu.memory_space<hbm>>, %arg3: memref<416x100000xf32, #tpu.memory_space<hbm>>, %arg4: memref<41600000xf32, #tpu.memory_space<hbm>>, %arg5: memref<425984xi32, #tpu.memory_space<hbm>>, %arg6: memref<425984xf32, #tpu.memory_space<hbm>>, %arg7: memref<52x256xi32, #tpu.memory_space<vmem>>, %arg8: memref<6656xi32, #tpu.memory_space<vmem>>, %arg9: memref<6656xf32, #tpu.memory_space<vmem>>, %arg10: memref<4x16x128xf32, #tpu.memory_space<vmem>>, %arg11: memref<4x2048xf32, #tpu.memory_space<vmem>>, %arg12: memref<16x32xf32, #tpu.memory_space<vmem>>, %arg13: memref<512xf32, #tpu.memory_space<vmem>>, %arg14: memref<!tpu.dma_semaphore, #tpu.memory_space<semaphore_mem>>, %arg15: memref<!tpu.dma_semaphore, #tpu.memory_space<semaphore_mem>>, %arg16: memref<!tpu.dma_semaphore, #tpu.memory_space<semaphore_mem>>, %arg17: memref<!tpu.dma_semaphore, #tpu.memory_space<semaphore_mem>>, %arg18: memref<!tpu.dma_semaphore, #tpu.memory_space<semaphore_mem>>, %arg19: memref<!tpu.dma_semaphore, #tpu.memory_space<semaphore_mem>>, %arg20: memref<!tpu.dma_semaphore, #tpu.memory_space<semaphore_mem>>, %arg21: memref<!tpu.dma_semaphore, #tpu.memory_space<semaphore_mem>>) attributes {dimension_semantics = [#tpu.dimension_semantics<core_parallel>, #tpu.dimension_semantics<subcore_parallel>], iteration_bounds = array<i64: 2, 16>, scalar_prefetch = 0 : i64, scratch_operands = 15 : i64, tpu.core_type = #tpu.core_type<sc_vector_subcore>, window_params = [{transform_indices = #map}, {transform_indices = #map}, {transform_indices = #map1}, {transform_indices = #map1}, {transform_indices = #map1}]} {
    %mul3A = arith.constant 2 : i32
    %mul3A_0 = arith.muli %arg1, %mul3A : i32
    %add3A = arith.addi %mul3A_0, %arg0 : i32
    %mul3A_1 = arith.constant 512 : i32
    %mul3A_2 = arith.muli %add3A, %mul3A_1 : i32
    %iota3A = tpu.iota {dimensions = array<i32: 0>} : vector<16xi32>
    %scan3A = arith.constant 0 : i32
    %scan3A_3 = arith.constant 0 : i32
    %scan3A_4 = arith.constant 2 : i32
    %scan3A_5 = arith.addi %scan3A_3, %scan3A_4 : i32
    %scan3A_6 = arith.constant 1 : i32
    scf.for %scan3A_309 = %scan3A_3 to %scan3A_5 step %scan3A_6  : i32 {
      %mul3A_310 = arith.constant 256 : i32
      %mul3A_311 = arith.muli %scan3A_309, %mul3A_310 : i32
      %add3A_312 = arith.addi %mul3A_2, %mul3A_311 : i32
      "tpu.region"() ({
        %run_scoped3A = tpu.sem_alloc : memref<!tpu.dma_semaphore, #tpu.memory_space<semaphore_mem>>
        %dma_start3A_328 = arith.constant 0 : i32
        %dma_start3A_329 = tpu.memref_slice %arg2[%dma_start3A_328, %add3A_312] : memref<52x16384xi32, #tpu.memory_space<hbm>> -> memref<52x256xi32, #tpu.memory_space<hbm>>
        %dma_start3A_330 = arith.constant 0 : i32
        %dma_start3A_331 = tpu.memref_slice %arg2[%dma_start3A_330, %add3A_312] : memref<52x16384xi32, #tpu.memory_space<hbm>> -> memref<52x256xi32, #tpu.memory_space<hbm>>
        tpu.enqueue_dma source(%dma_start3A_331 : memref<52x256xi32, #tpu.memory_space<hbm>>) target(%arg7 : memref<52x256xi32, #tpu.memory_space<vmem>>) target_semaphore(%run_scoped3A : memref<!tpu.dma_semaphore, #tpu.memory_space<semaphore_mem>>)
        %dma_wait3A_332 = arith.constant 0 : i32
        %dma_wait3A_333 = tpu.memref_slice %arg2[%dma_wait3A_332, %add3A_312] : memref<52x16384xi32, #tpu.memory_space<hbm>> -> memref<52x256xi32, #tpu.memory_space<hbm>>
        %dma_wait3A_334 = arith.constant 0 : i32
        %dma_wait3A_335 = tpu.memref_slice %arg2[%dma_wait3A_334, %add3A_312] : memref<52x16384xi32, #tpu.memory_space<hbm>> -> memref<52x256xi32, #tpu.memory_space<hbm>>
        tpu.wait_dma2 semaphore(%run_scoped3A : memref<!tpu.dma_semaphore, #tpu.memory_space<semaphore_mem>>) src(%dma_wait3A_335 : memref<52x256xi32, #tpu.memory_space<hbm>>) dst(%arg7 : memref<52x256xi32, #tpu.memory_space<vmem>>)
        tpu.yield
      }) : () -> ()
      %parallel_loop3A = arith.constant 0 : i32
      %parallel_loop3A_313 = arith.constant 416 : i32
      %parallel_loop3A_314 = arith.constant 1 : i32
      scf.for %parallel_loop3A_328 = %parallel_loop3A to %parallel_loop3A_313 step %parallel_loop3A_314  : i32 {
        %parallel_loop3A_329 = arith.constant 16 : i32
        %parallel_loop3A_330 = arith.divsi %parallel_loop3A_328, %parallel_loop3A_329 : i32
        %parallel_loop3A_331 = arith.constant 0 : i32
        %parallel_loop3A_332 = arith.cmpi sgt, %parallel_loop3A_328, %parallel_loop3A_331 : i32
        %parallel_loop3A_333 = arith.extui %parallel_loop3A_332 : i1 to i32
        %parallel_loop3A_334 = arith.constant 0 : i32
        %parallel_loop3A_335 = arith.cmpi slt, %parallel_loop3A_328, %parallel_loop3A_334 : i32
        %parallel_loop3A_336 = arith.extui %parallel_loop3A_335 : i1 to i32
        %parallel_loop3A_337 = arith.subi %parallel_loop3A_333, %parallel_loop3A_336 : i32
        %parallel_loop3A_338 = arith.constant 0 : i32
        %parallel_loop3A_339 = arith.cmpi sgt, %parallel_loop3A_329, %parallel_loop3A_338 : i32
        %parallel_loop3A_340 = arith.extui %parallel_loop3A_339 : i1 to i32
        %parallel_loop3A_341 = arith.constant 0 : i32
        %parallel_loop3A_342 = arith.cmpi slt, %parallel_loop3A_329, %parallel_loop3A_341 : i32
        %parallel_loop3A_343 = arith.extui %parallel_loop3A_342 : i1 to i32
        %parallel_loop3A_344 = arith.subi %parallel_loop3A_340, %parallel_loop3A_343 : i32
        %parallel_loop3A_345 = arith.cmpi ne, %parallel_loop3A_337, %parallel_loop3A_344 : i32
        %parallel_loop3A_346 = arith.remsi %parallel_loop3A_328, %parallel_loop3A_329 : i32
        %parallel_loop3A_347 = arith.constant 0 : i32
        %parallel_loop3A_348 = arith.cmpi ne, %parallel_loop3A_346, %parallel_loop3A_347 : i32
        %parallel_loop3A_349 = arith.andi %parallel_loop3A_345, %parallel_loop3A_348 : i1
        %parallel_loop3A_350 = arith.constant 1 : i32
        %parallel_loop3A_351 = arith.subi %parallel_loop3A_330, %parallel_loop3A_350 : i32
        %parallel_loop3A_352 = arith.select %parallel_loop3A_349, %parallel_loop3A_351, %parallel_loop3A_330 : i32
        %parallel_loop3A_353 = arith.constant 16 : i32
        %parallel_loop3A_354 = arith.constant 0 : i32
        %parallel_loop3A_355 = arith.cmpi eq, %parallel_loop3A_353, %parallel_loop3A_354 : i32
        %parallel_loop3A_356 = arith.constant 1 : i32
        %parallel_loop3A_357 = arith.select %parallel_loop3A_355, %parallel_loop3A_356, %parallel_loop3A_353 : i32
        %parallel_loop3A_358 = arith.remsi %parallel_loop3A_328, %parallel_loop3A_357 : i32
        %parallel_loop3A_359 = arith.constant 0 : i32
        %parallel_loop3A_360 = arith.cmpi ne, %parallel_loop3A_358, %parallel_loop3A_359 : i32
        %parallel_loop3A_361 = arith.constant 0 : i32
        %parallel_loop3A_362 = arith.cmpi slt, %parallel_loop3A_358, %parallel_loop3A_361 : i32
        %parallel_loop3A_363 = arith.constant 0 : i32
        %parallel_loop3A_364 = arith.cmpi slt, %parallel_loop3A_357, %parallel_loop3A_363 : i32
        %parallel_loop3A_365 = arith.xori %parallel_loop3A_362, %parallel_loop3A_364 : i1
        %parallel_loop3A_366 = arith.andi %parallel_loop3A_365, %parallel_loop3A_360 : i1
        %parallel_loop3A_367 = arith.addi %parallel_loop3A_358, %parallel_loop3A_357 : i32
        %parallel_loop3A_368 = arith.select %parallel_loop3A_366, %parallel_loop3A_367, %parallel_loop3A_358 : i32
        %parallel_loop3A_369 = arith.constant 16 : i32
        %parallel_loop3A_370 = arith.muli %parallel_loop3A_368, %parallel_loop3A_369 : i32
        %parallel_loop3A_371 = arith.index_cast %parallel_loop3A_352 : i32 to index
        %parallel_loop3A_372 = arith.index_cast %parallel_loop3A_370 : i32 to index
        %parallel_loop3A_373 = tpu.vector_load %arg7[%parallel_loop3A_371, %parallel_loop3A_372] {strides = array<i32>} : memref<52x256xi32, #tpu.memory_space<vmem>>, vector<16xi32>,
        %parallel_loop3A_374 = arith.constant 100000 : i32
        %parallel_loop3A_375 = arith.muli %parallel_loop3A_352, %parallel_loop3A_374 : i32
        %parallel_loop3A_376 = vector.broadcast %parallel_loop3A_375 : i32 to vector<16xi32>
        %parallel_loop3A_377 = arith.addi %parallel_loop3A_373, %parallel_loop3A_376 : vector<16xi32>
        %parallel_loop3A_378 = arith.constant 256 : i32
        %parallel_loop3A_379 = arith.muli %parallel_loop3A_352, %parallel_loop3A_378 : i32
        %parallel_loop3A_380 = arith.constant 16 : i32
        %parallel_loop3A_381 = arith.muli %parallel_loop3A_368, %parallel_loop3A_380 : i32
        %parallel_loop3A_382 = arith.addi %parallel_loop3A_379, %parallel_loop3A_381 : i32
        %parallel_loop3A_383 = arith.index_cast %parallel_loop3A_382 : i32 to index
        %parallel_loop3A_384 = tpu.vector_load %arg8[%parallel_loop3A_383] {strides = array<i32>} : memref<6656xi32, #tpu.memory_space<vmem>>, vector<16xi32>,
        tpu.vector_store %arg8[%parallel_loop3A_383], %parallel_loop3A_377 {strides = array<i32>} : memref<6656xi32, #tpu.memory_space<vmem>>, vector<16xi32>,
      } {sc.loop_unroll_factor = 4 : i64, sc.parallel_access}
      %parallel_loop3A_315 = arith.constant 0 : i32
      %parallel_loop3A_316 = arith.constant 416 : i32
      %parallel_loop3A_317 = arith.constant 1 : i32
      scf.for %parallel_loop3A_328 = %parallel_loop3A_315 to %parallel_loop3A_316 step %parallel_loop3A_317  : i32 {
        %parallel_loop3A_329 = arith.constant 16 : i32
        %parallel_loop3A_330 = arith.divsi %parallel_loop3A_328, %parallel_loop3A_329 : i32
        %parallel_loop3A_331 = arith.constant 0 : i32
        %parallel_loop3A_332 = arith.cmpi sgt, %parallel_loop3A_328, %parallel_loop3A_331 : i32
        %parallel_loop3A_333 = arith.extui %parallel_loop3A_332 : i1 to i32
        %parallel_loop3A_334 = arith.constant 0 : i32
        %parallel_loop3A_335 = arith.cmpi slt, %parallel_loop3A_328, %parallel_loop3A_334 : i32
        %parallel_loop3A_336 = arith.extui %parallel_loop3A_335 : i1 to i32
        %parallel_loop3A_337 = arith.subi %parallel_loop3A_333, %parallel_loop3A_336 : i32
        %parallel_loop3A_338 = arith.constant 0 : i32
        %parallel_loop3A_339 = arith.cmpi sgt, %parallel_loop3A_329, %parallel_loop3A_338 : i32
        %parallel_loop3A_340 = arith.extui %parallel_loop3A_339 : i1 to i32
        %parallel_loop3A_341 = arith.constant 0 : i32
        %parallel_loop3A_342 = arith.cmpi slt, %parallel_loop3A_329, %parallel_loop3A_341 : i32
        %parallel_loop3A_343 = arith.extui %parallel_loop3A_342 : i1 to i32
        %parallel_loop3A_344 = arith.subi %parallel_loop3A_340, %parallel_loop3A_343 : i32
        %parallel_loop3A_345 = arith.cmpi ne, %parallel_loop3A_337, %parallel_loop3A_344 : i32
        %parallel_loop3A_346 = arith.remsi %parallel_loop3A_328, %parallel_loop3A_329 : i32
        %parallel_loop3A_347 = arith.constant 0 : i32
        %parallel_loop3A_348 = arith.cmpi ne, %parallel_loop3A_346, %parallel_loop3A_347 : i32
        %parallel_loop3A_349 = arith.andi %parallel_loop3A_345, %parallel_loop3A_348 : i1
        %parallel_loop3A_350 = arith.constant 1 : i32
        %parallel_loop3A_351 = arith.subi %parallel_loop3A_330, %parallel_loop3A_350 : i32
        %parallel_loop3A_352 = arith.select %parallel_loop3A_349, %parallel_loop3A_351, %parallel_loop3A_330 : i32
        %parallel_loop3A_353 = arith.constant 16 : i32
        %parallel_loop3A_354 = arith.constant 0 : i32
        %parallel_loop3A_355 = arith.cmpi eq, %parallel_loop3A_353, %parallel_loop3A_354 : i32
        %parallel_loop3A_356 = arith.constant 1 : i32
        %parallel_loop3A_357 = arith.select %parallel_loop3A_355, %parallel_loop3A_356, %parallel_loop3A_353 : i32
        %parallel_loop3A_358 = arith.remsi %parallel_loop3A_328, %parallel_loop3A_357 : i32
        %parallel_loop3A_359 = arith.constant 0 : i32
        %parallel_loop3A_360 = arith.cmpi ne, %parallel_loop3A_358, %parallel_loop3A_359 : i32
        %parallel_loop3A_361 = arith.constant 0 : i32
        %parallel_loop3A_362 = arith.cmpi slt, %parallel_loop3A_358, %parallel_loop3A_361 : i32
        %parallel_loop3A_363 = arith.constant 0 : i32
        %parallel_loop3A_364 = arith.cmpi slt, %parallel_loop3A_357, %parallel_loop3A_363 : i32
        %parallel_loop3A_365 = arith.xori %parallel_loop3A_362, %parallel_loop3A_364 : i1
        %parallel_loop3A_366 = arith.andi %parallel_loop3A_365, %parallel_loop3A_360 : i1
        %parallel_loop3A_367 = arith.addi %parallel_loop3A_358, %parallel_loop3A_357 : i32
        %parallel_loop3A_368 = arith.select %parallel_loop3A_366, %parallel_loop3A_367, %parallel_loop3A_358 : i32
        %parallel_loop3A_369 = arith.constant 26 : i32
        %parallel_loop3A_370 = arith.addi %parallel_loop3A_369, %parallel_loop3A_352 : i32
        %parallel_loop3A_371 = arith.constant 16 : i32
        %parallel_loop3A_372 = arith.muli %parallel_loop3A_368, %parallel_loop3A_371 : i32
        %parallel_loop3A_373 = arith.index_cast %parallel_loop3A_370 : i32 to index
        %parallel_loop3A_374 = arith.index_cast %parallel_loop3A_372 : i32 to index
        %parallel_loop3A_375 = tpu.vector_load %arg7[%parallel_loop3A_373, %parallel_loop3A_374] {strides = array<i32>} : memref<52x256xi32, #tpu.memory_space<vmem>>, vector<16xi32>,
        %parallel_loop3A_376 = arith.sitofp %parallel_loop3A_375 : vector<16xi32> to vector<16xf32>
        %parallel_loop3A_377 = arith.constant 16 : i32
        %parallel_loop3A_378 = arith.muli %parallel_loop3A_368, %parallel_loop3A_377 : i32
        %parallel_loop3A_379 = vector.broadcast %parallel_loop3A_378 : i32 to vector<16xi32>
        %parallel_loop3A_380 = arith.addi %parallel_loop3A_379, %iota3A : vector<16xi32>
        %parallel_loop3A_381 = arith.constant 26 : i32
        %parallel_loop3A_382 = vector.broadcast %parallel_loop3A_381 : i32 to vector<16xi32>
        %parallel_loop3A_383 = arith.muli %parallel_loop3A_380, %parallel_loop3A_382 : vector<16xi32>
        %parallel_loop3A_384 = vector.broadcast %parallel_loop3A_352 : i32 to vector<16xi32>
        %parallel_loop3A_385 = arith.addi %parallel_loop3A_383, %parallel_loop3A_384 : vector<16xi32>
        tpu.vector_store_idx %arg9[%parallel_loop3A_385], %parallel_loop3A_376 : memref<6656xf32, #tpu.memory_space<vmem>>[vector<16xi32>], vector<16xf32>,
      } {sc.loop_unroll_factor = 4 : i64, sc.parallel_access}
      %mul3A_318 = arith.constant 13312 : i32
      %mul3A_319 = arith.muli %add3A, %mul3A_318 : i32
      %mul3A_320 = arith.constant 6656 : i32
      %mul3A_321 = arith.muli %scan3A_309, %mul3A_320 : i32
      %add3A_322 = arith.addi %mul3A_319, %mul3A_321 : i32
      "tpu.region"() ({
        %run_scoped3A = tpu.sem_alloc : memref<!tpu.dma_semaphore, #tpu.memory_space<semaphore_mem>>
        %dma_start3A_328 = tpu.memref_slice %arg5[%add3A_322] : memref<425984xi32, #tpu.memory_space<hbm>> -> memref<6656xi32, #tpu.memory_space<hbm>>
        %dma_start3A_329 = tpu.memref_slice %arg5[%add3A_322] : memref<425984xi32, #tpu.memory_space<hbm>> -> memref<6656xi32, #tpu.memory_space<hbm>>
        tpu.enqueue_dma source(%arg8 : memref<6656xi32, #tpu.memory_space<vmem>>) target(%dma_start3A_329 : memref<6656xi32, #tpu.memory_space<hbm>>) target_semaphore(%run_scoped3A : memref<!tpu.dma_semaphore, #tpu.memory_space<semaphore_mem>>)
        %dma_wait3A_330 = tpu.memref_slice %arg5[%add3A_322] : memref<425984xi32, #tpu.memory_space<hbm>> -> memref<6656xi32, #tpu.memory_space<hbm>>
        %dma_wait3A_331 = tpu.memref_slice %arg5[%add3A_322] : memref<425984xi32, #tpu.memory_space<hbm>> -> memref<6656xi32, #tpu.memory_space<hbm>>
        tpu.wait_dma2 semaphore(%run_scoped3A : memref<!tpu.dma_semaphore, #tpu.memory_space<semaphore_mem>>) src(%arg8 : memref<6656xi32, #tpu.memory_space<vmem>>) dst(%dma_wait3A_331 : memref<6656xi32, #tpu.memory_space<hbm>>)
        tpu.yield
      }) : () -> ()
      %mul3A_323 = arith.constant 13312 : i32
      %mul3A_324 = arith.muli %add3A, %mul3A_323 : i32
      %mul3A_325 = arith.constant 6656 : i32
      %mul3A_326 = arith.muli %scan3A_309, %mul3A_325 : i32
      %add3A_327 = arith.addi %mul3A_324, %mul3A_326 : i32
      "tpu.region"() ({
        %run_scoped3A = tpu.sem_alloc : memref<!tpu.dma_semaphore, #tpu.memory_space<semaphore_mem>>
        %dma_start3A_328 = tpu.memref_slice %arg6[%add3A_327] : memref<425984xf32, #tpu.memory_space<hbm>> -> memref<6656xf32, #tpu.memory_space<hbm>>
        %dma_start3A_329 = tpu.memref_slice %arg6[%add3A_327] : memref<425984xf32, #tpu.memory_space<hbm>> -> memref<6656xf32, #tpu.memory_space<hbm>>
        tpu.enqueue_dma source(%arg9 : memref<6656xf32, #tpu.memory_space<vmem>>) target(%dma_start3A_329 : memref<6656xf32, #tpu.memory_space<hbm>>) target_semaphore(%run_scoped3A : memref<!tpu.dma_semaphore, #tpu.memory_space<semaphore_mem>>)
        %dma_wait3A_330 = tpu.memref_slice %arg6[%add3A_327] : memref<425984xf32, #tpu.memory_space<hbm>> -> memref<6656xf32, #tpu.memory_space<hbm>>
        %dma_wait3A_331 = tpu.memref_slice %arg6[%add3A_327] : memref<425984xf32, #tpu.memory_space<hbm>> -> memref<6656xf32, #tpu.memory_space<hbm>>
        tpu.wait_dma2 semaphore(%run_scoped3A : memref<!tpu.dma_semaphore, #tpu.memory_space<semaphore_mem>>) src(%arg9 : memref<6656xf32, #tpu.memory_space<vmem>>) dst(%dma_wait3A_331 : memref<6656xf32, #tpu.memory_space<hbm>>)
        tpu.yield
      }) : () -> ()
    }
    %scan3A_7 = arith.constant 2 : i32
    %add3A_8 = arith.constant 0 : i32
    %add3A_9 = arith.addi %add3A, %add3A_8 : i32
    %lt3A = arith.constant 20306 : i32
    %lt3A_10 = arith.cmpi slt, %add3A_9, %lt3A : i32
    %select_n3A = arith.select %lt3A_10, %add3A_9, %add3A : i32
    %jit3A = arith.constant 781 : i32
    %div3A = arith.divsi %select_n3A, %jit3A : i32
    %sign3A = arith.constant 0 : i32
    %sign3A_11 = arith.cmpi sgt, %select_n3A, %sign3A : i32
    %sign3A_12 = arith.extui %sign3A_11 : i1 to i32
    %sign3A_13 = arith.constant 0 : i32
    %sign3A_14 = arith.cmpi slt, %select_n3A, %sign3A_13 : i32
    %sign3A_15 = arith.extui %sign3A_14 : i1 to i32
    %sign3A_16 = arith.subi %sign3A_12, %sign3A_15 : i32
    %sign3A_17 = arith.constant 0 : i32
    %sign3A_18 = arith.cmpi sgt, %jit3A, %sign3A_17 : i32
    %sign3A_19 = arith.extui %sign3A_18 : i1 to i32
    %sign3A_20 = arith.constant 0 : i32
    %sign3A_21 = arith.cmpi slt, %jit3A, %sign3A_20 : i32
    %sign3A_22 = arith.extui %sign3A_21 : i1 to i32
    %sign3A_23 = arith.subi %sign3A_19, %sign3A_22 : i32
    %ne3A = arith.cmpi ne, %sign3A_16, %sign3A_23 : i32
    %rem3A = arith.remsi %select_n3A, %jit3A : i32
    %ne3A_24 = arith.constant 0 : i32
    %ne3A_25 = arith.cmpi ne, %rem3A, %ne3A_24 : i32
    %and3A = arith.andi %ne3A, %ne3A_25 : i1
    %sub3A = arith.constant 1 : i32
    %sub3A_26 = arith.subi %div3A, %sub3A : i32
    %select_n3A_27 = arith.select %and3A, %sub3A_26, %div3A : i32
    %jit3A_28 = arith.constant 781 : i32
    %eq3A = arith.constant 0 : i32
    %eq3A_29 = arith.cmpi eq, %jit3A_28, %eq3A : i32
    %jit3A_30 = arith.constant 1 : i32
    %select_n3A_31 = arith.select %eq3A_29, %jit3A_30, %jit3A_28 : i32
    %rem3A_32 = arith.remsi %select_n3A, %select_n3A_31 : i32
    %ne3A_33 = arith.constant 0 : i32
    %ne3A_34 = arith.cmpi ne, %rem3A_32, %ne3A_33 : i32
    %lt3A_35 = arith.constant 0 : i32
    %lt3A_36 = arith.cmpi slt, %rem3A_32, %lt3A_35 : i32
    %lt3A_37 = arith.constant 0 : i32
    %lt3A_38 = arith.cmpi slt, %select_n3A_31, %lt3A_37 : i32
    %ne3A_39 = arith.xori %lt3A_36, %lt3A_38 : i1
    %and3A_40 = arith.andi %ne3A_39, %ne3A_34 : i1
    %add3A_41 = arith.addi %rem3A_32, %select_n3A_31 : i32
    %select_n3A_42 = arith.select %and3A_40, %add3A_41, %rem3A_32 : i32
    %mul3A_43 = arith.constant 16 : i32
    %mul3A_44 = arith.muli %select_n3A_27, %mul3A_43 : i32
    %mul3A_45 = arith.constant 128 : i32
    %mul3A_46 = arith.muli %select_n3A_42, %mul3A_45 : i32
    %mul3A_47 = arith.constant 100000 : i32
    %mul3A_48 = arith.muli %select_n3A_27, %mul3A_47 : i32
    %mul3A_49 = arith.constant 128 : i32
    %mul3A_50 = arith.muli %select_n3A_42, %mul3A_49 : i32
    %add3A_51 = arith.addi %mul3A_48, %mul3A_50 : i32
    %dma_start3A = arith.constant 0 : i32
    %dma_start3A_52 = arith.constant 0 : i32
    %dma_start3A_53 = arith.constant 0 : i32
    %dma_start3A_54 = tpu.memref_slice %arg10[%dma_start3A, %dma_start3A_52, %dma_start3A_53] : memref<4x16x128xf32, #tpu.memory_space<vmem>> -> memref<1x16x128xf32, #tpu.memory_space<vmem>>
    %dma_start3A_55 = tpu.memref_squeeze %dma_start3A_54 : memref<1x16x128xf32, #tpu.memory_space<vmem>> -> memref<16x128xf32, #tpu.memory_space<vmem>>
    %dma_start3A_56 = tpu.memref_slice %arg3[%mul3A_44, %mul3A_46] : memref<416x100000xf32, #tpu.memory_space<hbm>> -> memref<16x128xf32, #tpu.memory_space<hbm>>
    %dma_start3A_57 = arith.constant 0 : i32
    %dma_start3A_58 = arith.constant 0 : i32
    %dma_start3A_59 = tpu.memref_slice %arg10[%dma_start3A, %dma_start3A_57, %dma_start3A_58] : memref<4x16x128xf32, #tpu.memory_space<vmem>> -> memref<1x16x128xf32, #tpu.memory_space<vmem>>
    %dma_start3A_60 = tpu.memref_squeeze %dma_start3A_59 : memref<1x16x128xf32, #tpu.memory_space<vmem>> -> memref<16x128xf32, #tpu.memory_space<vmem>>
    %dma_start3A_61 = tpu.memref_slice %arg3[%mul3A_44, %mul3A_46] : memref<416x100000xf32, #tpu.memory_space<hbm>> -> memref<16x128xf32, #tpu.memory_space<hbm>>
    tpu.enqueue_dma source(%dma_start3A_61 : memref<16x128xf32, #tpu.memory_space<hbm>>) target(%dma_start3A_60 : memref<16x128xf32, #tpu.memory_space<vmem>>) target_semaphore(%arg14 : memref<!tpu.dma_semaphore, #tpu.memory_space<semaphore_mem>>)
    %add3A_62 = arith.constant 32 : i32
    %add3A_63 = arith.addi %add3A, %add3A_62 : i32
    %lt3A_64 = arith.constant 20306 : i32
    %lt3A_65 = arith.cmpi slt, %add3A_63, %lt3A_64 : i32
    %select_n3A_66 = arith.select %lt3A_65, %add3A_63, %add3A : i32
    %jit3A_67 = arith.constant 781 : i32
    %div3A_68 = arith.divsi %select_n3A_66, %jit3A_67 : i32
    %sign3A_69 = arith.constant 0 : i32
    %sign3A_70 = arith.cmpi sgt, %select_n3A_66, %sign3A_69 : i32
    %sign3A_71 = arith.extui %sign3A_70 : i1 to i32
    %sign3A_72 = arith.constant 0 : i32
    %sign3A_73 = arith.cmpi slt, %select_n3A_66, %sign3A_72 : i32
    %sign3A_74 = arith.extui %sign3A_73 : i1 to i32
    %sign3A_75 = arith.subi %sign3A_71, %sign3A_74 : i32
    %sign3A_76 = arith.constant 0 : i32
    %sign3A_77 = arith.cmpi sgt, %jit3A_67, %sign3A_76 : i32
    %sign3A_78 = arith.extui %sign3A_77 : i1 to i32
    %sign3A_79 = arith.constant 0 : i32
    %sign3A_80 = arith.cmpi slt, %jit3A_67, %sign3A_79 : i32
    %sign3A_81 = arith.extui %sign3A_80 : i1 to i32
    %sign3A_82 = arith.subi %sign3A_78, %sign3A_81 : i32
    %ne3A_83 = arith.cmpi ne, %sign3A_75, %sign3A_82 : i32
    %rem3A_84 = arith.remsi %select_n3A_66, %jit3A_67 : i32
    %ne3A_85 = arith.constant 0 : i32
    %ne3A_86 = arith.cmpi ne, %rem3A_84, %ne3A_85 : i32
    %and3A_87 = arith.andi %ne3A_83, %ne3A_86 : i1
    %sub3A_88 = arith.constant 1 : i32
    %sub3A_89 = arith.subi %div3A_68, %sub3A_88 : i32
    %select_n3A_90 = arith.select %and3A_87, %sub3A_89, %div3A_68 : i32
    %jit3A_91 = arith.constant 781 : i32
    %eq3A_92 = arith.constant 0 : i32
    %eq3A_93 = arith.cmpi eq, %jit3A_91, %eq3A_92 : i32
    %jit3A_94 = arith.constant 1 : i32
    %select_n3A_95 = arith.select %eq3A_93, %jit3A_94, %jit3A_91 : i32
    %rem3A_96 = arith.remsi %select_n3A_66, %select_n3A_95 : i32
    %ne3A_97 = arith.constant 0 : i32
    %ne3A_98 = arith.cmpi ne, %rem3A_96, %ne3A_97 : i32
    %lt3A_99 = arith.constant 0 : i32
    %lt3A_100 = arith.cmpi slt, %rem3A_96, %lt3A_99 : i32
    %lt3A_101 = arith.constant 0 : i32
    %lt3A_102 = arith.cmpi slt, %select_n3A_95, %lt3A_101 : i32
    %ne3A_103 = arith.xori %lt3A_100, %lt3A_102 : i1
    %and3A_104 = arith.andi %ne3A_103, %ne3A_98 : i1
    %add3A_105 = arith.addi %rem3A_96, %select_n3A_95 : i32
    %select_n3A_106 = arith.select %and3A_104, %add3A_105, %rem3A_96 : i32
    %mul3A_107 = arith.constant 16 : i32
    %mul3A_108 = arith.muli %select_n3A_90, %mul3A_107 : i32
    %mul3A_109 = arith.constant 128 : i32
    %mul3A_110 = arith.muli %select_n3A_106, %mul3A_109 : i32
    %mul3A_111 = arith.constant 100000 : i32
    %mul3A_112 = arith.muli %select_n3A_90, %mul3A_111 : i32
    %mul3A_113 = arith.constant 128 : i32
    %mul3A_114 = arith.muli %select_n3A_106, %mul3A_113 : i32
    %add3A_115 = arith.addi %mul3A_112, %mul3A_114 : i32
    %dma_start3A_116 = arith.constant 1 : i32
    %dma_start3A_117 = arith.constant 0 : i32
    %dma_start3A_118 = arith.constant 0 : i32
    %dma_start3A_119 = tpu.memref_slice %arg10[%dma_start3A_116, %dma_start3A_117, %dma_start3A_118] : memref<4x16x128xf32, #tpu.memory_space<vmem>> -> memref<1x16x128xf32, #tpu.memory_space<vmem>>
    %dma_start3A_120 = tpu.memref_squeeze %dma_start3A_119 : memref<1x16x128xf32, #tpu.memory_space<vmem>> -> memref<16x128xf32, #tpu.memory_space<vmem>>
    %dma_start3A_121 = tpu.memref_slice %arg3[%mul3A_108, %mul3A_110] : memref<416x100000xf32, #tpu.memory_space<hbm>> -> memref<16x128xf32, #tpu.memory_space<hbm>>
    %dma_start3A_122 = arith.constant 0 : i32
    %dma_start3A_123 = arith.constant 0 : i32
    %dma_start3A_124 = tpu.memref_slice %arg10[%dma_start3A_116, %dma_start3A_122, %dma_start3A_123] : memref<4x16x128xf32, #tpu.memory_space<vmem>> -> memref<1x16x128xf32, #tpu.memory_space<vmem>>
    %dma_start3A_125 = tpu.memref_squeeze %dma_start3A_124 : memref<1x16x128xf32, #tpu.memory_space<vmem>> -> memref<16x128xf32, #tpu.memory_space<vmem>>
    %dma_start3A_126 = tpu.memref_slice %arg3[%mul3A_108, %mul3A_110] : memref<416x100000xf32, #tpu.memory_space<hbm>> -> memref<16x128xf32, #tpu.memory_space<hbm>>
    tpu.enqueue_dma source(%dma_start3A_126 : memref<16x128xf32, #tpu.memory_space<hbm>>) target(%dma_start3A_125 : memref<16x128xf32, #tpu.memory_space<vmem>>) target_semaphore(%arg15 : memref<!tpu.dma_semaphore, #tpu.memory_space<semaphore_mem>>)
    %add3A_127 = arith.constant 64 : i32
    %add3A_128 = arith.addi %add3A, %add3A_127 : i32
    %lt3A_129 = arith.constant 20306 : i32
    %lt3A_130 = arith.cmpi slt, %add3A_128, %lt3A_129 : i32
    %select_n3A_131 = arith.select %lt3A_130, %add3A_128, %add3A : i32
    %jit3A_132 = arith.constant 781 : i32
    %div3A_133 = arith.divsi %select_n3A_131, %jit3A_132 : i32
    %sign3A_134 = arith.constant 0 : i32
    %sign3A_135 = arith.cmpi sgt, %select_n3A_131, %sign3A_134 : i32
    %sign3A_136 = arith.extui %sign3A_135 : i1 to i32
    %sign3A_137 = arith.constant 0 : i32
    %sign3A_138 = arith.cmpi slt, %select_n3A_131, %sign3A_137 : i32
    %sign3A_139 = arith.extui %sign3A_138 : i1 to i32
    %sign3A_140 = arith.subi %sign3A_136, %sign3A_139 : i32
    %sign3A_141 = arith.constant 0 : i32
    %sign3A_142 = arith.cmpi sgt, %jit3A_132, %sign3A_141 : i32
    %sign3A_143 = arith.extui %sign3A_142 : i1 to i32
    %sign3A_144 = arith.constant 0 : i32
    %sign3A_145 = arith.cmpi slt, %jit3A_132, %sign3A_144 : i32
    %sign3A_146 = arith.extui %sign3A_145 : i1 to i32
    %sign3A_147 = arith.subi %sign3A_143, %sign3A_146 : i32
    %ne3A_148 = arith.cmpi ne, %sign3A_140, %sign3A_147 : i32
    %rem3A_149 = arith.remsi %select_n3A_131, %jit3A_132 : i32
    %ne3A_150 = arith.constant 0 : i32
    %ne3A_151 = arith.cmpi ne, %rem3A_149, %ne3A_150 : i32
    %and3A_152 = arith.andi %ne3A_148, %ne3A_151 : i1
    %sub3A_153 = arith.constant 1 : i32
    %sub3A_154 = arith.subi %div3A_133, %sub3A_153 : i32
    %select_n3A_155 = arith.select %and3A_152, %sub3A_154, %div3A_133 : i32
    %jit3A_156 = arith.constant 781 : i32
    %eq3A_157 = arith.constant 0 : i32
    %eq3A_158 = arith.cmpi eq, %jit3A_156, %eq3A_157 : i32
    %jit3A_159 = arith.constant 1 : i32
    %select_n3A_160 = arith.select %eq3A_158, %jit3A_159, %jit3A_156 : i32
    %rem3A_161 = arith.remsi %select_n3A_131, %select_n3A_160 : i32
    %ne3A_162 = arith.constant 0 : i32
    %ne3A_163 = arith.cmpi ne, %rem3A_161, %ne3A_162 : i32
    %lt3A_164 = arith.constant 0 : i32
    %lt3A_165 = arith.cmpi slt, %rem3A_161, %lt3A_164 : i32
    %lt3A_166 = arith.constant 0 : i32
    %lt3A_167 = arith.cmpi slt, %select_n3A_160, %lt3A_166 : i32
    %ne3A_168 = arith.xori %lt3A_165, %lt3A_167 : i1
    %and3A_169 = arith.andi %ne3A_168, %ne3A_163 : i1
    %add3A_170 = arith.addi %rem3A_161, %select_n3A_160 : i32
    %select_n3A_171 = arith.select %and3A_169, %add3A_170, %rem3A_161 : i32
    %mul3A_172 = arith.constant 16 : i32
    %mul3A_173 = arith.muli %select_n3A_155, %mul3A_172 : i32
    %mul3A_174 = arith.constant 128 : i32
    %mul3A_175 = arith.muli %select_n3A_171, %mul3A_174 : i32
    %mul3A_176 = arith.constant 100000 : i32
    %mul3A_177 = arith.muli %select_n3A_155, %mul3A_176 : i32
    %mul3A_178 = arith.constant 128 : i32
    %mul3A_179 = arith.muli %select_n3A_171, %mul3A_178 : i32
    %add3A_180 = arith.addi %mul3A_177, %mul3A_179 : i32
    %dma_start3A_181 = arith.constant 2 : i32
    %dma_start3A_182 = arith.constant 0 : i32
    %dma_start3A_183 = arith.constant 0 : i32
    %dma_start3A_184 = tpu.memref_slice %arg10[%dma_start3A_181, %dma_start3A_182, %dma_start3A_183] : memref<4x16x128xf32, #tpu.memory_space<vmem>> -> memref<1x16x128xf32, #tpu.memory_space<vmem>>
    %dma_start3A_185 = tpu.memref_squeeze %dma_start3A_184 : memref<1x16x128xf32, #tpu.memory_space<vmem>> -> memref<16x128xf32, #tpu.memory_space<vmem>>
    %dma_start3A_186 = tpu.memref_slice %arg3[%mul3A_173, %mul3A_175] : memref<416x100000xf32, #tpu.memory_space<hbm>> -> memref<16x128xf32, #tpu.memory_space<hbm>>
    %dma_start3A_187 = arith.constant 0 : i32
    %dma_start3A_188 = arith.constant 0 : i32
    %dma_start3A_189 = tpu.memref_slice %arg10[%dma_start3A_181, %dma_start3A_187, %dma_start3A_188] : memref<4x16x128xf32, #tpu.memory_space<vmem>> -> memref<1x16x128xf32, #tpu.memory_space<vmem>>
    %dma_start3A_190 = tpu.memref_squeeze %dma_start3A_189 : memref<1x16x128xf32, #tpu.memory_space<vmem>> -> memref<16x128xf32, #tpu.memory_space<vmem>>
    %dma_start3A_191 = tpu.memref_slice %arg3[%mul3A_173, %mul3A_175] : memref<416x100000xf32, #tpu.memory_space<hbm>> -> memref<16x128xf32, #tpu.memory_space<hbm>>
    tpu.enqueue_dma source(%dma_start3A_191 : memref<16x128xf32, #tpu.memory_space<hbm>>) target(%dma_start3A_190 : memref<16x128xf32, #tpu.memory_space<vmem>>) target_semaphore(%arg16 : memref<!tpu.dma_semaphore, #tpu.memory_space<semaphore_mem>>)
    %add3A_192 = arith.constant 96 : i32
    %add3A_193 = arith.addi %add3A, %add3A_192 : i32
    %lt3A_194 = arith.constant 20306 : i32
    %lt3A_195 = arith.cmpi slt, %add3A_193, %lt3A_194 : i32
    %select_n3A_196 = arith.select %lt3A_195, %add3A_193, %add3A : i32
    %jit3A_197 = arith.constant 781 : i32
    %div3A_198 = arith.divsi %select_n3A_196, %jit3A_197 : i32
    %sign3A_199 = arith.constant 0 : i32
    %sign3A_200 = arith.cmpi sgt, %select_n3A_196, %sign3A_199 : i32
    %sign3A_201 = arith.extui %sign3A_200 : i1 to i32
    %sign3A_202 = arith.constant 0 : i32
    %sign3A_203 = arith.cmpi slt, %select_n3A_196, %sign3A_202 : i32
    %sign3A_204 = arith.extui %sign3A_203 : i1 to i32
    %sign3A_205 = arith.subi %sign3A_201, %sign3A_204 : i32
    %sign3A_206 = arith.constant 0 : i32
    %sign3A_207 = arith.cmpi sgt, %jit3A_197, %sign3A_206 : i32
    %sign3A_208 = arith.extui %sign3A_207 : i1 to i32
    %sign3A_209 = arith.constant 0 : i32
    %sign3A_210 = arith.cmpi slt, %jit3A_197, %sign3A_209 : i32
    %sign3A_211 = arith.extui %sign3A_210 : i1 to i32
    %sign3A_212 = arith.subi %sign3A_208, %sign3A_211 : i32
    %ne3A_213 = arith.cmpi ne, %sign3A_205, %sign3A_212 : i32
    %rem3A_214 = arith.remsi %select_n3A_196, %jit3A_197 : i32
    %ne3A_215 = arith.constant 0 : i32
    %ne3A_216 = arith.cmpi ne, %rem3A_214, %ne3A_215 : i32
    %and3A_217 = arith.andi %ne3A_213, %ne3A_216 : i1
    %sub3A_218 = arith.constant 1 : i32
    %sub3A_219 = arith.subi %div3A_198, %sub3A_218 : i32
    %select_n3A_220 = arith.select %and3A_217, %sub3A_219, %div3A_198 : i32
    %jit3A_221 = arith.constant 781 : i32
    %eq3A_222 = arith.constant 0 : i32
    %eq3A_223 = arith.cmpi eq, %jit3A_221, %eq3A_222 : i32
    %jit3A_224 = arith.constant 1 : i32
    %select_n3A_225 = arith.select %eq3A_223, %jit3A_224, %jit3A_221 : i32
    %rem3A_226 = arith.remsi %select_n3A_196, %select_n3A_225 : i32
    %ne3A_227 = arith.constant 0 : i32
    %ne3A_228 = arith.cmpi ne, %rem3A_226, %ne3A_227 : i32
    %lt3A_229 = arith.constant 0 : i32
    %lt3A_230 = arith.cmpi slt, %rem3A_226, %lt3A_229 : i32
    %lt3A_231 = arith.constant 0 : i32
    %lt3A_232 = arith.cmpi slt, %select_n3A_225, %lt3A_231 : i32
    %ne3A_233 = arith.xori %lt3A_230, %lt3A_232 : i1
    %and3A_234 = arith.andi %ne3A_233, %ne3A_228 : i1
    %add3A_235 = arith.addi %rem3A_226, %select_n3A_225 : i32
    %select_n3A_236 = arith.select %and3A_234, %add3A_235, %rem3A_226 : i32
    %mul3A_237 = arith.constant 16 : i32
    %mul3A_238 = arith.muli %select_n3A_220, %mul3A_237 : i32
    %mul3A_239 = arith.constant 128 : i32
    %mul3A_240 = arith.muli %select_n3A_236, %mul3A_239 : i32
    %mul3A_241 = arith.constant 100000 : i32
    %mul3A_242 = arith.muli %select_n3A_220, %mul3A_241 : i32
    %mul3A_243 = arith.constant 128 : i32
    %mul3A_244 = arith.muli %select_n3A_236, %mul3A_243 : i32
    %add3A_245 = arith.addi %mul3A_242, %mul3A_244 : i32
    %dma_start3A_246 = arith.constant 3 : i32
    %dma_start3A_247 = arith.constant 0 : i32
    %dma_start3A_248 = arith.constant 0 : i32
    %dma_start3A_249 = tpu.memref_slice %arg10[%dma_start3A_246, %dma_start3A_247, %dma_start3A_248] : memref<4x16x128xf32, #tpu.memory_space<vmem>> -> memref<1x16x128xf32, #tpu.memory_space<vmem>>
    %dma_start3A_250 = tpu.memref_squeeze %dma_start3A_249 : memref<1x16x128xf32, #tpu.memory_space<vmem>> -> memref<16x128xf32, #tpu.memory_space<vmem>>
    %dma_start3A_251 = tpu.memref_slice %arg3[%mul3A_238, %mul3A_240] : memref<416x100000xf32, #tpu.memory_space<hbm>> -> memref<16x128xf32, #tpu.memory_space<hbm>>
    %dma_start3A_252 = arith.constant 0 : i32
    %dma_start3A_253 = arith.constant 0 : i32
    %dma_start3A_254 = tpu.memref_slice %arg10[%dma_start3A_246, %dma_start3A_252, %dma_start3A_253] : memref<4x16x128xf32, #tpu.memory_space<vmem>> -> memref<1x16x128xf32, #tpu.memory_space<vmem>>
    %dma_start3A_255 = tpu.memref_squeeze %dma_start3A_254 : memref<1x16x128xf32, #tpu.memory_space<vmem>> -> memref<16x128xf32, #tpu.memory_space<vmem>>
    %dma_start3A_256 = tpu.memref_slice %arg3[%mul3A_238, %mul3A_240] : memref<416x100000xf32, #tpu.memory_space<hbm>> -> memref<16x128xf32, #tpu.memory_space<hbm>>
    tpu.enqueue_dma source(%dma_start3A_256 : memref<16x128xf32, #tpu.memory_space<hbm>>) target(%dma_start3A_255 : memref<16x128xf32, #tpu.memory_space<vmem>>) target_semaphore(%arg17 : memref<!tpu.dma_semaphore, #tpu.memory_space<semaphore_mem>>)
    %scan3A_257 = arith.constant 0 : i32
    %scan3A_258 = arith.constant 0 : i32
    %scan3A_259 = arith.constant 159 : i32
    %scan3A_260 = arith.addi %scan3A_258, %scan3A_259 : i32
    %scan3A_261 = arith.constant 1 : i32
    scf.for %scan3A_309 = %scan3A_258 to %scan3A_260 step %scan3A_261  : i32 {
      %mul3A_310 = arith.constant 4 : i32
      %mul3A_311 = arith.muli %scan3A_309, %mul3A_310 : i32
      %add3A_312 = arith.constant 0 : i32
      %add3A_313 = arith.addi %mul3A_311, %add3A_312 : i32
      %dma_wait3A_314 = arith.constant 0 : i32
      %dma_wait3A_315 = arith.constant 0 : i32
      %dma_wait3A_316 = arith.constant 0 : i32
      %dma_wait3A_317 = tpu.memref_slice %arg10[%dma_wait3A_314, %dma_wait3A_315, %dma_wait3A_316] : memref<4x16x128xf32, #tpu.memory_space<vmem>> -> memref<1x16x128xf32, #tpu.memory_space<vmem>>
      %dma_wait3A_318 = tpu.memref_squeeze %dma_wait3A_317 : memref<1x16x128xf32, #tpu.memory_space<vmem>> -> memref<16x128xf32, #tpu.memory_space<vmem>>
      %dma_wait3A_319 = arith.constant 0 : i32
      %dma_wait3A_320 = arith.constant 0 : i32
      %dma_wait3A_321 = tpu.memref_slice %arg3[%dma_wait3A_319, %dma_wait3A_320] : memref<416x100000xf32, #tpu.memory_space<hbm>> -> memref<16x128xf32, #tpu.memory_space<hbm>>
      %dma_wait3A_322 = arith.constant 0 : i32
      %dma_wait3A_323 = arith.constant 0 : i32
      %dma_wait3A_324 = tpu.memref_slice %arg10[%dma_wait3A_314, %dma_wait3A_322, %dma_wait3A_323] : memref<4x16x128xf32, #tpu.memory_space<vmem>> -> memref<1x16x128xf32, #tpu.memory_space<vmem>>
      %dma_wait3A_325 = tpu.memref_squeeze %dma_wait3A_324 : memref<1x16x128xf32, #tpu.memory_space<vmem>> -> memref<16x128xf32, #tpu.memory_space<vmem>>
      %dma_wait3A_326 = arith.constant 0 : i32
      %dma_wait3A_327 = arith.constant 0 : i32
      %dma_wait3A_328 = tpu.memref_slice %arg3[%dma_wait3A_326, %dma_wait3A_327] : memref<416x100000xf32, #tpu.memory_space<hbm>> -> memref<16x128xf32, #tpu.memory_space<hbm>>
      tpu.wait_dma2 semaphore(%arg14 : memref<!tpu.dma_semaphore, #tpu.memory_space<semaphore_mem>>) src(%dma_wait3A_328 : memref<16x128xf32, #tpu.memory_space<hbm>>) dst(%dma_wait3A_325 : memref<16x128xf32, #tpu.memory_space<vmem>>)
      %gt3A = arith.constant 0 : i32
      %gt3A_329 = arith.cmpi sgt, %scan3A_309, %gt3A : i32
      %convert_element_type3A_330 = arith.extui %gt3A_329 : i1 to i32
      %cond3A_331 = arith.constant 0 : i32
      %cond3A_332 = arith.cmpi ne, %convert_element_type3A_330, %cond3A_331 : i32
      scf.if %cond3A_332 {
        %dma_wait3A_707 = arith.constant 0 : i32
        %dma_wait3A_708 = arith.constant 0 : i32
        %dma_wait3A_709 = tpu.memref_slice %arg11[%dma_wait3A_707, %dma_wait3A_708] : memref<4x2048xf32, #tpu.memory_space<vmem>> -> memref<1x2048xf32, #tpu.memory_space<vmem>>
        %dma_wait3A_710 = tpu.memref_squeeze %dma_wait3A_709 : memref<1x2048xf32, #tpu.memory_space<vmem>> -> memref<2048xf32, #tpu.memory_space<vmem>>
        %dma_wait3A_711 = arith.constant 0 : i32
        %dma_wait3A_712 = tpu.memref_slice %arg4[%dma_wait3A_711] : memref<41600000xf32, #tpu.memory_space<hbm>> -> memref<2048xf32, #tpu.memory_space<hbm>>
        %dma_wait3A_713 = arith.constant 0 : i32
        %dma_wait3A_714 = tpu.memref_slice %arg4[%dma_wait3A_713] : memref<41600000xf32, #tpu.memory_space<hbm>> -> memref<2048xf32, #tpu.memory_space<hbm>>
        %dma_wait3A_715 = arith.constant 0 : i32
        %dma_wait3A_716 = tpu.memref_slice %arg11[%dma_wait3A_707, %dma_wait3A_715] : memref<4x2048xf32, #tpu.memory_space<vmem>> -> memref<1x2048xf32, #tpu.memory_space<vmem>>
        %dma_wait3A_717 = tpu.memref_squeeze %dma_wait3A_716 : memref<1x2048xf32, #tpu.memory_space<vmem>> -> memref<2048xf32, #tpu.memory_space<vmem>>
        tpu.wait_dma2 semaphore(%arg18 : memref<!tpu.dma_semaphore, #tpu.memory_space<semaphore_mem>>) src(%dma_wait3A_717 : memref<2048xf32, #tpu.memory_space<vmem>>) dst(%dma_wait3A_714 : memref<2048xf32, #tpu.memory_space<hbm>>)
      } else {
      }
      %broadcast_in_dim3A = arith.constant 0 : i32
      %broadcast_in_dim3A_333 = vector.broadcast %broadcast_in_dim3A : i32 to vector<16xi32>
      %parallel_loop3A = arith.constant 0 : i32
      %parallel_loop3A_334 = arith.constant 128 : i32
      %parallel_loop3A_335 = arith.constant 1 : i32
      scf.for %parallel_loop3A_707 = %parallel_loop3A to %parallel_loop3A_334 step %parallel_loop3A_335  : i32 {
        %parallel_loop3A_708 = arith.constant -16 : i32
        %parallel_loop3A_709 = arith.andi %parallel_loop3A_707, %parallel_loop3A_708 : i32
        %parallel_loop3A_710 = vector.broadcast %parallel_loop3A_707 : i32 to vector<16xi32>
        %parallel_loop3A_711 = arith.addi %parallel_loop3A_710, %iota3A : vector<16xi32>
        %parallel_loop3A_712 = arith.constant 15 : i32
        %parallel_loop3A_713 = vector.broadcast %parallel_loop3A_712 : i32 to vector<16xi32>
        %parallel_loop3A_714 = arith.andi %parallel_loop3A_711, %parallel_loop3A_713 : vector<16xi32>
        %parallel_loop3A_715 = vector.broadcast %parallel_loop3A_709 : i32 to vector<16xi32>
        %parallel_loop3A_716 = arith.addi %parallel_loop3A_715, %parallel_loop3A_714 : vector<16xi32>
        %parallel_loop3A_717 = tpu.vector_load_idx %arg10[%broadcast_in_dim3A_333, %iota3A, %parallel_loop3A_716] : memref<4x16x128xf32, #tpu.memory_space<vmem>>[vector<16xi32>, vector<16xi32>, vector<16xi32>], vector<16xf32>,
        %parallel_loop3A_718 = arith.constant 16 : i32
        %parallel_loop3A_719 = vector.broadcast %parallel_loop3A_718 : i32 to vector<16xi32>
        %parallel_loop3A_720 = arith.muli %parallel_loop3A_716, %parallel_loop3A_719 : vector<16xi32>
        %parallel_loop3A_721 = arith.addi %parallel_loop3A_720, %iota3A : vector<16xi32>
        tpu.vector_store_idx %arg11[%broadcast_in_dim3A_333, %parallel_loop3A_721], %parallel_loop3A_717 : memref<4x2048xf32, #tpu.memory_space<vmem>>[vector<16xi32>, vector<16xi32>], vector<16xf32>,
      } {sc.loop_unroll_factor = 8 : i64, sc.parallel_access}
      %mul3A_336 = arith.constant 32 : i32
      %mul3A_337 = arith.muli %add3A_313, %mul3A_336 : i32
      %add3A_338 = arith.addi %add3A, %mul3A_337 : i32
      %lt3A_339 = arith.constant 20306 : i32
      %lt3A_340 = arith.cmpi slt, %add3A_338, %lt3A_339 : i32
      %select_n3A_341 = arith.select %lt3A_340, %add3A_338, %add3A : i32
      %jit3A_342 = arith.constant 781 : i32
      %div3A_343 = arith.divsi %select_n3A_341, %jit3A_342 : i32
      %sign3A_344 = arith.constant 0 : i32
      %sign3A_345 = arith.cmpi sgt, %select_n3A_341, %sign3A_344 : i32
      %sign3A_346 = arith.extui %sign3A_345 : i1 to i32
      %sign3A_347 = arith.constant 0 : i32
      %sign3A_348 = arith.cmpi slt, %select_n3A_341, %sign3A_347 : i32
      %sign3A_349 = arith.extui %sign3A_348 : i1 to i32
      %sign3A_350 = arith.subi %sign3A_346, %sign3A_349 : i32
      %sign3A_351 = arith.constant 0 : i32
      %sign3A_352 = arith.cmpi sgt, %jit3A_342, %sign3A_351 : i32
      %sign3A_353 = arith.extui %sign3A_352 : i1 to i32
      %sign3A_354 = arith.constant 0 : i32
      %sign3A_355 = arith.cmpi slt, %jit3A_342, %sign3A_354 : i32
      %sign3A_356 = arith.extui %sign3A_355 : i1 to i32
      %sign3A_357 = arith.subi %sign3A_353, %sign3A_356 : i32
      %ne3A_358 = arith.cmpi ne, %sign3A_350, %sign3A_357 : i32
      %rem3A_359 = arith.remsi %select_n3A_341, %jit3A_342 : i32
      %ne3A_360 = arith.constant 0 : i32
      %ne3A_361 = arith.cmpi ne, %rem3A_359, %ne3A_360 : i32
      %and3A_362 = arith.andi %ne3A_358, %ne3A_361 : i1
      %sub3A_363 = arith.constant 1 : i32
      %sub3A_364 = arith.subi %div3A_343, %sub3A_363 : i32
      %select_n3A_365 = arith.select %and3A_362, %sub3A_364, %div3A_343 : i32
      %jit3A_366 = arith.constant 781 : i32
      %eq3A_367 = arith.constant 0 : i32
      %eq3A_368 = arith.cmpi eq, %jit3A_366, %eq3A_367 : i32
      %jit3A_369 = arith.constant 1 : i32
      %select_n3A_370 = arith.select %eq3A_368, %jit3A_369, %jit3A_366 : i32
      %rem3A_371 = arith.remsi %select_n3A_341, %select_n3A_370 : i32
      %ne3A_372 = arith.constant 0 : i32
      %ne3A_373 = arith.cmpi ne, %rem3A_371, %ne3A_372 : i32
      %lt3A_374 = arith.constant 0 : i32
      %lt3A_375 = arith.cmpi slt, %rem3A_371, %lt3A_374 : i32
      %lt3A_376 = arith.constant 0 : i32
      %lt3A_377 = arith.cmpi slt, %select_n3A_370, %lt3A_376 : i32
      %ne3A_378 = arith.xori %lt3A_375, %lt3A_377 : i1
      %and3A_379 = arith.andi %ne3A_378, %ne3A_373 : i1
      %add3A_380 = arith.addi %rem3A_371, %select_n3A_370 : i32
      %select_n3A_381 = arith.select %and3A_379, %add3A_380, %rem3A_371 : i32
      %mul3A_382 = arith.constant 16 : i32
      %mul3A_383 = arith.muli %select_n3A_365, %mul3A_382 : i32
      %mul3A_384 = arith.constant 128 : i32
      %mul3A_385 = arith.muli %select_n3A_381, %mul3A_384 : i32
      %mul3A_386 = arith.constant 100000 : i32
      %mul3A_387 = arith.muli %select_n3A_365, %mul3A_386 : i32
      %mul3A_388 = arith.constant 128 : i32
      %mul3A_389 = arith.muli %select_n3A_381, %mul3A_388 : i32
      %add3A_390 = arith.addi %mul3A_387, %mul3A_389 : i32
      %mul3A_391 = arith.constant 16 : i32
      %mul3A_392 = arith.muli %add3A_390, %mul3A_391 : i32
      %dma_start3A_393 = arith.constant 0 : i32
      %dma_start3A_394 = arith.constant 0 : i32
      %dma_start3A_395 = tpu.memref_slice %arg11[%dma_start3A_393, %dma_start3A_394] : memref<4x2048xf32, #tpu.memory_space<vmem>> -> memref<1x2048xf32, #tpu.memory_space<vmem>>
      %dma_start3A_396 = tpu.memref_squeeze %dma_start3A_395 : memref<1x2048xf32, #tpu.memory_space<vmem>> -> memref<2048xf32, #tpu.memory_space<vmem>>
      %dma_start3A_397 = tpu.memref_slice %arg4[%mul3A_392] : memref<41600000xf32, #tpu.memory_space<hbm>> -> memref<2048xf32, #tpu.memory_space<hbm>>
      %dma_start3A_398 = tpu.memref_slice %arg4[%mul3A_392] : memref<41600000xf32, #tpu.memory_space<hbm>> -> memref<2048xf32, #tpu.memory_space<hbm>>
      %dma_start3A_399 = arith.constant 0 : i32
      %dma_start3A_400 = tpu.memref_slice %arg11[%dma_start3A_393, %dma_start3A_399] : memref<4x2048xf32, #tpu.memory_space<vmem>> -> memref<1x2048xf32, #tpu.memory_space<vmem>>
      %dma_start3A_401 = tpu.memref_squeeze %dma_start3A_400 : memref<1x2048xf32, #tpu.memory_space<vmem>> -> memref<2048xf32, #tpu.memory_space<vmem>>
      tpu.enqueue_dma source(%dma_start3A_401 : memref<2048xf32, #tpu.memory_space<vmem>>) target(%dma_start3A_398 : memref<2048xf32, #tpu.memory_space<hbm>>) target_semaphore(%arg18 : memref<!tpu.dma_semaphore, #tpu.memory_space<semaphore_mem>>)
      %lt3A_402 = arith.constant 632 : i32
      %lt3A_403 = arith.cmpi slt, %add3A_313, %lt3A_402 : i32
      %convert_element_type3A_404 = arith.extui %lt3A_403 : i1 to i32
      %cond3A_405 = arith.constant 0 : i32
      %cond3A_406 = arith.cmpi ne, %convert_element_type3A_404, %cond3A_405 : i32
      scf.if %cond3A_406 {
        %add3A_707 = arith.constant 4 : i32
        %add3A_708 = arith.addi %add3A_313, %add3A_707 : i32
        %mul3A_709 = arith.constant 32 : i32
        %mul3A_710 = arith.muli %add3A_708, %mul3A_709 : i32
        %add3A_711 = arith.addi %add3A, %mul3A_710 : i32
        %lt3A_712 = arith.constant 20306 : i32
        %lt3A_713 = arith.cmpi slt, %add3A_711, %lt3A_712 : i32
        %select_n3A_714 = arith.select %lt3A_713, %add3A_711, %add3A : i32
        %jit3A_715 = arith.constant 781 : i32
        %div3A_716 = arith.divsi %select_n3A_714, %jit3A_715 : i32
        %sign3A_717 = arith.constant 0 : i32
        %sign3A_718 = arith.cmpi sgt, %select_n3A_714, %sign3A_717 : i32
        %sign3A_719 = arith.extui %sign3A_718 : i1 to i32
        %sign3A_720 = arith.constant 0 : i32
        %sign3A_721 = arith.cmpi slt, %select_n3A_714, %sign3A_720 : i32
        %sign3A_722 = arith.extui %sign3A_721 : i1 to i32
        %sign3A_723 = arith.subi %sign3A_719, %sign3A_722 : i32
        %sign3A_724 = arith.constant 0 : i32
        %sign3A_725 = arith.cmpi sgt, %jit3A_715, %sign3A_724 : i32
        %sign3A_726 = arith.extui %sign3A_725 : i1 to i32
        %sign3A_727 = arith.constant 0 : i32
        %sign3A_728 = arith.cmpi slt, %jit3A_715, %sign3A_727 : i32
        %sign3A_729 = arith.extui %sign3A_728 : i1 to i32
        %sign3A_730 = arith.subi %sign3A_726, %sign3A_729 : i32
        %ne3A_731 = arith.cmpi ne, %sign3A_723, %sign3A_730 : i32
        %rem3A_732 = arith.remsi %select_n3A_714, %jit3A_715 : i32
        %ne3A_733 = arith.constant 0 : i32
        %ne3A_734 = arith.cmpi ne, %rem3A_732, %ne3A_733 : i32
        %and3A_735 = arith.andi %ne3A_731, %ne3A_734 : i1
        %sub3A_736 = arith.constant 1 : i32
        %sub3A_737 = arith.subi %div3A_716, %sub3A_736 : i32
        %select_n3A_738 = arith.select %and3A_735, %sub3A_737, %div3A_716 : i32
        %jit3A_739 = arith.constant 781 : i32
        %eq3A_740 = arith.constant 0 : i32
        %eq3A_741 = arith.cmpi eq, %jit3A_739, %eq3A_740 : i32
        %jit3A_742 = arith.constant 1 : i32
        %select_n3A_743 = arith.select %eq3A_741, %jit3A_742, %jit3A_739 : i32
        %rem3A_744 = arith.remsi %select_n3A_714, %select_n3A_743 : i32
        %ne3A_745 = arith.constant 0 : i32
        %ne3A_746 = arith.cmpi ne, %rem3A_744, %ne3A_745 : i32
        %lt3A_747 = arith.constant 0 : i32
        %lt3A_748 = arith.cmpi slt, %rem3A_744, %lt3A_747 : i32
        %lt3A_749 = arith.constant 0 : i32
        %lt3A_750 = arith.cmpi slt, %select_n3A_743, %lt3A_749 : i32
        %ne3A_751 = arith.xori %lt3A_748, %lt3A_750 : i1
        %and3A_752 = arith.andi %ne3A_751, %ne3A_746 : i1
        %add3A_753 = arith.addi %rem3A_744, %select_n3A_743 : i32
        %select_n3A_754 = arith.select %and3A_752, %add3A_753, %rem3A_744 : i32
        %mul3A_755 = arith.constant 16 : i32
        %mul3A_756 = arith.muli %select_n3A_738, %mul3A_755 : i32
        %mul3A_757 = arith.constant 128 : i32
        %mul3A_758 = arith.muli %select_n3A_754, %mul3A_757 : i32
        %mul3A_759 = arith.constant 100000 : i32
        %mul3A_760 = arith.muli %select_n3A_738, %mul3A_759 : i32
        %mul3A_761 = arith.constant 128 : i32
        %mul3A_762 = arith.muli %select_n3A_754, %mul3A_761 : i32
        %add3A_763 = arith.addi %mul3A_760, %mul3A_762 : i32
        %dma_start3A_764 = arith.constant 0 : i32
        %dma_start3A_765 = arith.constant 0 : i32
        %dma_start3A_766 = arith.constant 0 : i32
        %dma_start3A_767 = tpu.memref_slice %arg10[%dma_start3A_764, %dma_start3A_765, %dma_start3A_766] : memref<4x16x128xf32, #tpu.memory_space<vmem>> -> memref<1x16x128xf32, #tpu.memory_space<vmem>>
        %dma_start3A_768 = tpu.memref_squeeze %dma_start3A_767 : memref<1x16x128xf32, #tpu.memory_space<vmem>> -> memref<16x128xf32, #tpu.memory_space<vmem>>
        %dma_start3A_769 = tpu.memref_slice %arg3[%mul3A_756, %mul3A_758] : memref<416x100000xf32, #tpu.memory_space<hbm>> -> memref<16x128xf32, #tpu.memory_space<hbm>>
        %dma_start3A_770 = arith.constant 0 : i32
        %dma_start3A_771 = arith.constant 0 : i32
        %dma_start3A_772 = tpu.memref_slice %arg10[%dma_start3A_764, %dma_start3A_770, %dma_start3A_771] : memref<4x16x128xf32, #tpu.memory_space<vmem>> -> memref<1x16x128xf32, #tpu.memory_space<vmem>>
        %dma_start3A_773 = tpu.memref_squeeze %dma_start3A_772 : memref<1x16x128xf32, #tpu.memory_space<vmem>> -> memref<16x128xf32, #tpu.memory_space<vmem>>
        %dma_start3A_774 = tpu.memref_slice %arg3[%mul3A_756, %mul3A_758] : memref<416x100000xf32, #tpu.memory_space<hbm>> -> memref<16x128xf32, #tpu.memory_space<hbm>>
        tpu.enqueue_dma source(%dma_start3A_774 : memref<16x128xf32, #tpu.memory_space<hbm>>) target(%dma_start3A_773 : memref<16x128xf32, #tpu.memory_space<vmem>>) target_semaphore(%arg14 : memref<!tpu.dma_semaphore, #tpu.memory_space<semaphore_mem>>)
      } else {
      }
      %mul3A_407 = arith.constant 4 : i32
      %mul3A_408 = arith.muli %scan3A_309, %mul3A_407 : i32
      %add3A_409 = arith.constant 1 : i32
      %add3A_410 = arith.addi %mul3A_408, %add3A_409 : i32
      %dma_wait3A_411 = arith.constant 1 : i32
      %dma_wait3A_412 = arith.constant 0 : i32
      %dma_wait3A_413 = arith.constant 0 : i32
      %dma_wait3A_414 = tpu.memref_slice %arg10[%dma_wait3A_411, %dma_wait3A_412, %dma_wait3A_413] : memref<4x16x128xf32, #tpu.memory_space<vmem>> -> memref<1x16x128xf32, #tpu.memory_space<vmem>>
      %dma_wait3A_415 = tpu.memref_squeeze %dma_wait3A_414 : memref<1x16x128xf32, #tpu.memory_space<vmem>> -> memref<16x128xf32, #tpu.memory_space<vmem>>
      %dma_wait3A_416 = arith.constant 0 : i32
      %dma_wait3A_417 = arith.constant 0 : i32
      %dma_wait3A_418 = tpu.memref_slice %arg3[%dma_wait3A_416, %dma_wait3A_417] : memref<416x100000xf32, #tpu.memory_space<hbm>> -> memref<16x128xf32, #tpu.memory_space<hbm>>
      %dma_wait3A_419 = arith.constant 0 : i32
      %dma_wait3A_420 = arith.constant 0 : i32
      %dma_wait3A_421 = tpu.memref_slice %arg10[%dma_wait3A_411, %dma_wait3A_419, %dma_wait3A_420] : memref<4x16x128xf32, #tpu.memory_space<vmem>> -> memref<1x16x128xf32, #tpu.memory_space<vmem>>
      %dma_wait3A_422 = tpu.memref_squeeze %dma_wait3A_421 : memref<1x16x128xf32, #tpu.memory_space<vmem>> -> memref<16x128xf32, #tpu.memory_space<vmem>>
      %dma_wait3A_423 = arith.constant 0 : i32
      %dma_wait3A_424 = arith.constant 0 : i32
      %dma_wait3A_425 = tpu.memref_slice %arg3[%dma_wait3A_423, %dma_wait3A_424] : memref<416x100000xf32, #tpu.memory_space<hbm>> -> memref<16x128xf32, #tpu.memory_space<hbm>>
      tpu.wait_dma2 semaphore(%arg15 : memref<!tpu.dma_semaphore, #tpu.memory_space<semaphore_mem>>) src(%dma_wait3A_425 : memref<16x128xf32, #tpu.memory_space<hbm>>) dst(%dma_wait3A_422 : memref<16x128xf32, #tpu.memory_space<vmem>>)
      %gt3A_426 = arith.constant 0 : i32
      %gt3A_427 = arith.cmpi sgt, %scan3A_309, %gt3A_426 : i32
      %convert_element_type3A_428 = arith.extui %gt3A_427 : i1 to i32
      %cond3A_429 = arith.constant 0 : i32
      %cond3A_430 = arith.cmpi ne, %convert_element_type3A_428, %cond3A_429 : i32
      scf.if %cond3A_430 {
        %dma_wait3A_707 = arith.constant 1 : i32
        %dma_wait3A_708 = arith.constant 0 : i32
        %dma_wait3A_709 = tpu.memref_slice %arg11[%dma_wait3A_707, %dma_wait3A_708] : memref<4x2048xf32, #tpu.memory_space<vmem>> -> memref<1x2048xf32, #tpu.memory_space<vmem>>
        %dma_wait3A_710 = tpu.memref_squeeze %dma_wait3A_709 : memref<1x2048xf32, #tpu.memory_space<vmem>> -> memref<2048xf32, #tpu.memory_space<vmem>>
        %dma_wait3A_711 = arith.constant 0 : i32
        %dma_wait3A_712 = tpu.memref_slice %arg4[%dma_wait3A_711] : memref<41600000xf32, #tpu.memory_space<hbm>> -> memref<2048xf32, #tpu.memory_space<hbm>>
        %dma_wait3A_713 = arith.constant 0 : i32
        %dma_wait3A_714 = tpu.memref_slice %arg4[%dma_wait3A_713] : memref<41600000xf32, #tpu.memory_space<hbm>> -> memref<2048xf32, #tpu.memory_space<hbm>>
        %dma_wait3A_715 = arith.constant 0 : i32
        %dma_wait3A_716 = tpu.memref_slice %arg11[%dma_wait3A_707, %dma_wait3A_715] : memref<4x2048xf32, #tpu.memory_space<vmem>> -> memref<1x2048xf32, #tpu.memory_space<vmem>>
        %dma_wait3A_717 = tpu.memref_squeeze %dma_wait3A_716 : memref<1x2048xf32, #tpu.memory_space<vmem>> -> memref<2048xf32, #tpu.memory_space<vmem>>
        tpu.wait_dma2 semaphore(%arg19 : memref<!tpu.dma_semaphore, #tpu.memory_space<semaphore_mem>>) src(%dma_wait3A_717 : memref<2048xf32, #tpu.memory_space<vmem>>) dst(%dma_wait3A_714 : memref<2048xf32, #tpu.memory_space<hbm>>)
      } else {
      }
      %broadcast_in_dim3A_431 = arith.constant 1 : i32
      %broadcast_in_dim3A_432 = vector.broadcast %broadcast_in_dim3A_431 : i32 to vector<16xi32>
      %parallel_loop3A_433 = arith.constant 0 : i32
      %parallel_loop3A_434 = arith.constant 128 : i32
      %parallel_loop3A_435 = arith.constant 1 : i32
      scf.for %parallel_loop3A_707 = %parallel_loop3A_433 to %parallel_loop3A_434 step %parallel_loop3A_435  : i32 {
        %parallel_loop3A_708 = arith.constant -16 : i32
        %parallel_loop3A_709 = arith.andi %parallel_loop3A_707, %parallel_loop3A_708 : i32
        %parallel_loop3A_710 = vector.broadcast %parallel_loop3A_707 : i32 to vector<16xi32>
        %parallel_loop3A_711 = arith.addi %parallel_loop3A_710, %iota3A : vector<16xi32>
        %parallel_loop3A_712 = arith.constant 15 : i32
        %parallel_loop3A_713 = vector.broadcast %parallel_loop3A_712 : i32 to vector<16xi32>
        %parallel_loop3A_714 = arith.andi %parallel_loop3A_711, %parallel_loop3A_713 : vector<16xi32>
        %parallel_loop3A_715 = vector.broadcast %parallel_loop3A_709 : i32 to vector<16xi32>
        %parallel_loop3A_716 = arith.addi %parallel_loop3A_715, %parallel_loop3A_714 : vector<16xi32>
        %parallel_loop3A_717 = tpu.vector_load_idx %arg10[%broadcast_in_dim3A_432, %iota3A, %parallel_loop3A_716] : memref<4x16x128xf32, #tpu.memory_space<vmem>>[vector<16xi32>, vector<16xi32>, vector<16xi32>], vector<16xf32>,
        %parallel_loop3A_718 = arith.constant 16 : i32
        %parallel_loop3A_719 = vector.broadcast %parallel_loop3A_718 : i32 to vector<16xi32>
        %parallel_loop3A_720 = arith.muli %parallel_loop3A_716, %parallel_loop3A_719 : vector<16xi32>
        %parallel_loop3A_721 = arith.addi %parallel_loop3A_720, %iota3A : vector<16xi32>
        tpu.vector_store_idx %arg11[%broadcast_in_dim3A_432, %parallel_loop3A_721], %parallel_loop3A_717 : memref<4x2048xf32, #tpu.memory_space<vmem>>[vector<16xi32>, vector<16xi32>], vector<16xf32>,
      } {sc.loop_unroll_factor = 8 : i64, sc.parallel_access}
      %mul3A_436 = arith.constant 32 : i32
      %mul3A_437 = arith.muli %add3A_410, %mul3A_436 : i32
      %add3A_438 = arith.addi %add3A, %mul3A_437 : i32
      %lt3A_439 = arith.constant 20306 : i32
      %lt3A_440 = arith.cmpi slt, %add3A_438, %lt3A_439 : i32
      %select_n3A_441 = arith.select %lt3A_440, %add3A_438, %add3A : i32
      %jit3A_442 = arith.constant 781 : i32
      %div3A_443 = arith.divsi %select_n3A_441, %jit3A_442 : i32
      %sign3A_444 = arith.constant 0 : i32
      %sign3A_445 = arith.cmpi sgt, %select_n3A_441, %sign3A_444 : i32
      %sign3A_446 = arith.extui %sign3A_445 : i1 to i32
      %sign3A_447 = arith.constant 0 : i32
      %sign3A_448 = arith.cmpi slt, %select_n3A_441, %sign3A_447 : i32
      %sign3A_449 = arith.extui %sign3A_448 : i1 to i32
      %sign3A_450 = arith.subi %sign3A_446, %sign3A_449 : i32
      %sign3A_451 = arith.constant 0 : i32
      %sign3A_452 = arith.cmpi sgt, %jit3A_442, %sign3A_451 : i32
      %sign3A_453 = arith.extui %sign3A_452 : i1 to i32
      %sign3A_454 = arith.constant 0 : i32
      %sign3A_455 = arith.cmpi slt, %jit3A_442, %sign3A_454 : i32
      %sign3A_456 = arith.extui %sign3A_455 : i1 to i32
      %sign3A_457 = arith.subi %sign3A_453, %sign3A_456 : i32
      %ne3A_458 = arith.cmpi ne, %sign3A_450, %sign3A_457 : i32
      %rem3A_459 = arith.remsi %select_n3A_441, %jit3A_442 : i32
      %ne3A_460 = arith.constant 0 : i32
      %ne3A_461 = arith.cmpi ne, %rem3A_459, %ne3A_460 : i32
      %and3A_462 = arith.andi %ne3A_458, %ne3A_461 : i1
      %sub3A_463 = arith.constant 1 : i32
      %sub3A_464 = arith.subi %div3A_443, %sub3A_463 : i32
      %select_n3A_465 = arith.select %and3A_462, %sub3A_464, %div3A_443 : i32
      %jit3A_466 = arith.constant 781 : i32
      %eq3A_467 = arith.constant 0 : i32
      %eq3A_468 = arith.cmpi eq, %jit3A_466, %eq3A_467 : i32
      %jit3A_469 = arith.constant 1 : i32
      %select_n3A_470 = arith.select %eq3A_468, %jit3A_469, %jit3A_466 : i32
      %rem3A_471 = arith.remsi %select_n3A_441, %select_n3A_470 : i32
      %ne3A_472 = arith.constant 0 : i32
      %ne3A_473 = arith.cmpi ne, %rem3A_471, %ne3A_472 : i32
      %lt3A_474 = arith.constant 0 : i32
      %lt3A_475 = arith.cmpi slt, %rem3A_471, %lt3A_474 : i32
      %lt3A_476 = arith.constant 0 : i32
      %lt3A_477 = arith.cmpi slt, %select_n3A_470, %lt3A_476 : i32
      %ne3A_478 = arith.xori %lt3A_475, %lt3A_477 : i1
      %and3A_479 = arith.andi %ne3A_478, %ne3A_473 : i1
      %add3A_480 = arith.addi %rem3A_471, %select_n3A_470 : i32
      %select_n3A_481 = arith.select %and3A_479, %add3A_480, %rem3A_471 : i32
      %mul3A_482 = arith.constant 16 : i32
      %mul3A_483 = arith.muli %select_n3A_465, %mul3A_482 : i32
      %mul3A_484 = arith.constant 128 : i32
      %mul3A_485 = arith.muli %select_n3A_481, %mul3A_484 : i32
      %mul3A_486 = arith.constant 100000 : i32
      %mul3A_487 = arith.muli %select_n3A_465, %mul3A_486 : i32
      %mul3A_488 = arith.constant 128 : i32
      %mul3A_489 = arith.muli %select_n3A_481, %mul3A_488 : i32
      %add3A_490 = arith.addi %mul3A_487, %mul3A_489 : i32
      %mul3A_491 = arith.constant 16 : i32
      %mul3A_492 = arith.muli %add3A_490, %mul3A_491 : i32
      %dma_start3A_493 = arith.constant 1 : i32
      %dma_start3A_494 = arith.constant 0 : i32
      %dma_start3A_495 = tpu.memref_slice %arg11[%dma_start3A_493, %dma_start3A_494] : memref<4x2048xf32, #tpu.memory_space<vmem>> -> memref<1x2048xf32, #tpu.memory_space<vmem>>
      %dma_start3A_496 = tpu.memref_squeeze %dma_start3A_495 : memref<1x2048xf32, #tpu.memory_space<vmem>> -> memref<2048xf32, #tpu.memory_space<vmem>>
      %dma_start3A_497 = tpu.memref_slice %arg4[%mul3A_492] : memref<41600000xf32, #tpu.memory_space<hbm>> -> memref<2048xf32, #tpu.memory_space<hbm>>
      %dma_start3A_498 = tpu.memref_slice %arg4[%mul3A_492] : memref<41600000xf32, #tpu.memory_space<hbm>> -> memref<2048xf32, #tpu.memory_space<hbm>>
      %dma_start3A_499 = arith.constant 0 : i32
      %dma_start3A_500 = tpu.memref_slice %arg11[%dma_start3A_493, %dma_start3A_499] : memref<4x2048xf32, #tpu.memory_space<vmem>> -> memref<1x2048xf32, #tpu.memory_space<vmem>>
      %dma_start3A_501 = tpu.memref_squeeze %dma_start3A_500 : memref<1x2048xf32, #tpu.memory_space<vmem>> -> memref<2048xf32, #tpu.memory_space<vmem>>
      tpu.enqueue_dma source(%dma_start3A_501 : memref<2048xf32, #tpu.memory_space<vmem>>) target(%dma_start3A_498 : memref<2048xf32, #tpu.memory_space<hbm>>) target_semaphore(%arg19 : memref<!tpu.dma_semaphore, #tpu.memory_space<semaphore_mem>>)
      %lt3A_502 = arith.constant 632 : i32
      %lt3A_503 = arith.cmpi slt, %add3A_410, %lt3A_502 : i32
      %convert_element_type3A_504 = arith.extui %lt3A_503 : i1 to i32
      %cond3A_505 = arith.constant 0 : i32
      %cond3A_506 = arith.cmpi ne, %convert_element_type3A_504, %cond3A_505 : i32
      scf.if %cond3A_506 {
        %add3A_707 = arith.constant 4 : i32
        %add3A_708 = arith.addi %add3A_410, %add3A_707 : i32
        %mul3A_709 = arith.constant 32 : i32
        %mul3A_710 = arith.muli %add3A_708, %mul3A_709 : i32
        %add3A_711 = arith.addi %add3A, %mul3A_710 : i32
        %lt3A_712 = arith.constant 20306 : i32
        %lt3A_713 = arith.cmpi slt, %add3A_711, %lt3A_712 : i32
        %select_n3A_714 = arith.select %lt3A_713, %add3A_711, %add3A : i32
        %jit3A_715 = arith.constant 781 : i32
        %div3A_716 = arith.divsi %select_n3A_714, %jit3A_715 : i32
        %sign3A_717 = arith.constant 0 : i32
        %sign3A_718 = arith.cmpi sgt, %select_n3A_714, %sign3A_717 : i32
        %sign3A_719 = arith.extui %sign3A_718 : i1 to i32
        %sign3A_720 = arith.constant 0 : i32
        %sign3A_721 = arith.cmpi slt, %select_n3A_714, %sign3A_720 : i32
        %sign3A_722 = arith.extui %sign3A_721 : i1 to i32
        %sign3A_723 = arith.subi %sign3A_719, %sign3A_722 : i32
        %sign3A_724 = arith.constant 0 : i32
        %sign3A_725 = arith.cmpi sgt, %jit3A_715, %sign3A_724 : i32
        %sign3A_726 = arith.extui %sign3A_725 : i1 to i32
        %sign3A_727 = arith.constant 0 : i32
        %sign3A_728 = arith.cmpi slt, %jit3A_715, %sign3A_727 : i32
        %sign3A_729 = arith.extui %sign3A_728 : i1 to i32
        %sign3A_730 = arith.subi %sign3A_726, %sign3A_729 : i32
        %ne3A_731 = arith.cmpi ne, %sign3A_723, %sign3A_730 : i32
        %rem3A_732 = arith.remsi %select_n3A_714, %jit3A_715 : i32
        %ne3A_733 = arith.constant 0 : i32
        %ne3A_734 = arith.cmpi ne, %rem3A_732, %ne3A_733 : i32
        %and3A_735 = arith.andi %ne3A_731, %ne3A_734 : i1
        %sub3A_736 = arith.constant 1 : i32
        %sub3A_737 = arith.subi %div3A_716, %sub3A_736 : i32
        %select_n3A_738 = arith.select %and3A_735, %sub3A_737, %div3A_716 : i32
        %jit3A_739 = arith.constant 781 : i32
        %eq3A_740 = arith.constant 0 : i32
        %eq3A_741 = arith.cmpi eq, %jit3A_739, %eq3A_740 : i32
        %jit3A_742 = arith.constant 1 : i32
        %select_n3A_743 = arith.select %eq3A_741, %jit3A_742, %jit3A_739 : i32
        %rem3A_744 = arith.remsi %select_n3A_714, %select_n3A_743 : i32
        %ne3A_745 = arith.constant 0 : i32
        %ne3A_746 = arith.cmpi ne, %rem3A_744, %ne3A_745 : i32
        %lt3A_747 = arith.constant 0 : i32
        %lt3A_748 = arith.cmpi slt, %rem3A_744, %lt3A_747 : i32
        %lt3A_749 = arith.constant 0 : i32
        %lt3A_750 = arith.cmpi slt, %select_n3A_743, %lt3A_749 : i32
        %ne3A_751 = arith.xori %lt3A_748, %lt3A_750 : i1
        %and3A_752 = arith.andi %ne3A_751, %ne3A_746 : i1
        %add3A_753 = arith.addi %rem3A_744, %select_n3A_743 : i32
        %select_n3A_754 = arith.select %and3A_752, %add3A_753, %rem3A_744 : i32
        %mul3A_755 = arith.constant 16 : i32
        %mul3A_756 = arith.muli %select_n3A_738, %mul3A_755 : i32
        %mul3A_757 = arith.constant 128 : i32
        %mul3A_758 = arith.muli %select_n3A_754, %mul3A_757 : i32
        %mul3A_759 = arith.constant 100000 : i32
        %mul3A_760 = arith.muli %select_n3A_738, %mul3A_759 : i32
        %mul3A_761 = arith.constant 128 : i32
        %mul3A_762 = arith.muli %select_n3A_754, %mul3A_761 : i32
        %add3A_763 = arith.addi %mul3A_760, %mul3A_762 : i32
        %dma_start3A_764 = arith.constant 1 : i32
        %dma_start3A_765 = arith.constant 0 : i32
        %dma_start3A_766 = arith.constant 0 : i32
        %dma_start3A_767 = tpu.memref_slice %arg10[%dma_start3A_764, %dma_start3A_765, %dma_start3A_766] : memref<4x16x128xf32, #tpu.memory_space<vmem>> -> memref<1x16x128xf32, #tpu.memory_space<vmem>>
        %dma_start3A_768 = tpu.memref_squeeze %dma_start3A_767 : memref<1x16x128xf32, #tpu.memory_space<vmem>> -> memref<16x128xf32, #tpu.memory_space<vmem>>
        %dma_start3A_769 = tpu.memref_slice %arg3[%mul3A_756, %mul3A_758] : memref<416x100000xf32, #tpu.memory_space<hbm>> -> memref<16x128xf32, #tpu.memory_space<hbm>>
        %dma_start3A_770 = arith.constant 0 : i32
        %dma_start3A_771 = arith.constant 0 : i32
        %dma_start3A_772 = tpu.memref_slice %arg10[%dma_start3A_764, %dma_start3A_770, %dma_start3A_771] : memref<4x16x128xf32, #tpu.memory_space<vmem>> -> memref<1x16x128xf32, #tpu.memory_space<vmem>>
        %dma_start3A_773 = tpu.memref_squeeze %dma_start3A_772 : memref<1x16x128xf32, #tpu.memory_space<vmem>> -> memref<16x128xf32, #tpu.memory_space<vmem>>
        %dma_start3A_774 = tpu.memref_slice %arg3[%mul3A_756, %mul3A_758] : memref<416x100000xf32, #tpu.memory_space<hbm>> -> memref<16x128xf32, #tpu.memory_space<hbm>>
        tpu.enqueue_dma source(%dma_start3A_774 : memref<16x128xf32, #tpu.memory_space<hbm>>) target(%dma_start3A_773 : memref<16x128xf32, #tpu.memory_space<vmem>>) target_semaphore(%arg15 : memref<!tpu.dma_semaphore, #tpu.memory_space<semaphore_mem>>)
      } else {
      }
      %mul3A_507 = arith.constant 4 : i32
      %mul3A_508 = arith.muli %scan3A_309, %mul3A_507 : i32
      %add3A_509 = arith.constant 2 : i32
      %add3A_510 = arith.addi %mul3A_508, %add3A_509 : i32
      %dma_wait3A_511 = arith.constant 2 : i32
      %dma_wait3A_512 = arith.constant 0 : i32
      %dma_wait3A_513 = arith.constant 0 : i32
      %dma_wait3A_514 = tpu.memref_slice %arg10[%dma_wait3A_511, %dma_wait3A_512, %dma_wait3A_513] : memref<4x16x128xf32, #tpu.memory_space<vmem>> -> memref<1x16x128xf32, #tpu.memory_space<vmem>>
      %dma_wait3A_515 = tpu.memref_squeeze %dma_wait3A_514 : memref<1x16x128xf32, #tpu.memory_space<vmem>> -> memref<16x128xf32, #tpu.memory_space<vmem>>
      %dma_wait3A_516 = arith.constant 0 : i32
      %dma_wait3A_517 = arith.constant 0 : i32
      %dma_wait3A_518 = tpu.memref_slice %arg3[%dma_wait3A_516, %dma_wait3A_517] : memref<416x100000xf32, #tpu.memory_space<hbm>> -> memref<16x128xf32, #tpu.memory_space<hbm>>
      %dma_wait3A_519 = arith.constant 0 : i32
      %dma_wait3A_520 = arith.constant 0 : i32
      %dma_wait3A_521 = tpu.memref_slice %arg10[%dma_wait3A_511, %dma_wait3A_519, %dma_wait3A_520] : memref<4x16x128xf32, #tpu.memory_space<vmem>> -> memref<1x16x128xf32, #tpu.memory_space<vmem>>
      %dma_wait3A_522 = tpu.memref_squeeze %dma_wait3A_521 : memref<1x16x128xf32, #tpu.memory_space<vmem>> -> memref<16x128xf32, #tpu.memory_space<vmem>>
      %dma_wait3A_523 = arith.constant 0 : i32
      %dma_wait3A_524 = arith.constant 0 : i32
      %dma_wait3A_525 = tpu.memref_slice %arg3[%dma_wait3A_523, %dma_wait3A_524] : memref<416x100000xf32, #tpu.memory_space<hbm>> -> memref<16x128xf32, #tpu.memory_space<hbm>>
      tpu.wait_dma2 semaphore(%arg16 : memref<!tpu.dma_semaphore, #tpu.memory_space<semaphore_mem>>) src(%dma_wait3A_525 : memref<16x128xf32, #tpu.memory_space<hbm>>) dst(%dma_wait3A_522 : memref<16x128xf32, #tpu.memory_space<vmem>>)
      %gt3A_526 = arith.constant 0 : i32
      %gt3A_527 = arith.cmpi sgt, %scan3A_309, %gt3A_526 : i32
      %convert_element_type3A_528 = arith.extui %gt3A_527 : i1 to i32
      %cond3A_529 = arith.constant 0 : i32
      %cond3A_530 = arith.cmpi ne, %convert_element_type3A_528, %cond3A_529 : i32
      scf.if %cond3A_530 {
        %dma_wait3A_707 = arith.constant 2 : i32
        %dma_wait3A_708 = arith.constant 0 : i32
        %dma_wait3A_709 = tpu.memref_slice %arg11[%dma_wait3A_707, %dma_wait3A_708] : memref<4x2048xf32, #tpu.memory_space<vmem>> -> memref<1x2048xf32, #tpu.memory_space<vmem>>
        %dma_wait3A_710 = tpu.memref_squeeze %dma_wait3A_709 : memref<1x2048xf32, #tpu.memory_space<vmem>> -> memref<2048xf32, #tpu.memory_space<vmem>>
        %dma_wait3A_711 = arith.constant 0 : i32
        %dma_wait3A_712 = tpu.memref_slice %arg4[%dma_wait3A_711] : memref<41600000xf32, #tpu.memory_space<hbm>> -> memref<2048xf32, #tpu.memory_space<hbm>>
        %dma_wait3A_713 = arith.constant 0 : i32
        %dma_wait3A_714 = tpu.memref_slice %arg4[%dma_wait3A_713] : memref<41600000xf32, #tpu.memory_space<hbm>> -> memref<2048xf32, #tpu.memory_space<hbm>>
        %dma_wait3A_715 = arith.constant 0 : i32
        %dma_wait3A_716 = tpu.memref_slice %arg11[%dma_wait3A_707, %dma_wait3A_715] : memref<4x2048xf32, #tpu.memory_space<vmem>> -> memref<1x2048xf32, #tpu.memory_space<vmem>>
        %dma_wait3A_717 = tpu.memref_squeeze %dma_wait3A_716 : memref<1x2048xf32, #tpu.memory_space<vmem>> -> memref<2048xf32, #tpu.memory_space<vmem>>
        tpu.wait_dma2 semaphore(%arg20 : memref<!tpu.dma_semaphore, #tpu.memory_space<semaphore_mem>>) src(%dma_wait3A_717 : memref<2048xf32, #tpu.memory_space<vmem>>) dst(%dma_wait3A_714 : memref<2048xf32, #tpu.memory_space<hbm>>)
      } else {
      }
      %broadcast_in_dim3A_531 = arith.constant 2 : i32
      %broadcast_in_dim3A_532 = vector.broadcast %broadcast_in_dim3A_531 : i32 to vector<16xi32>
      %parallel_loop3A_533 = arith.constant 0 : i32
      %parallel_loop3A_534 = arith.constant 128 : i32
      %parallel_loop3A_535 = arith.constant 1 : i32
      scf.for %parallel_loop3A_707 = %parallel_loop3A_533 to %parallel_loop3A_534 step %parallel_loop3A_535  : i32 {
        %parallel_loop3A_708 = arith.constant -16 : i32
        %parallel_loop3A_709 = arith.andi %parallel_loop3A_707, %parallel_loop3A_708 : i32
        %parallel_loop3A_710 = vector.broadcast %parallel_loop3A_707 : i32 to vector<16xi32>
        %parallel_loop3A_711 = arith.addi %parallel_loop3A_710, %iota3A : vector<16xi32>
        %parallel_loop3A_712 = arith.constant 15 : i32
        %parallel_loop3A_713 = vector.broadcast %parallel_loop3A_712 : i32 to vector<16xi32>
        %parallel_loop3A_714 = arith.andi %parallel_loop3A_711, %parallel_loop3A_713 : vector<16xi32>
        %parallel_loop3A_715 = vector.broadcast %parallel_loop3A_709 : i32 to vector<16xi32>
        %parallel_loop3A_716 = arith.addi %parallel_loop3A_715, %parallel_loop3A_714 : vector<16xi32>
        %parallel_loop3A_717 = tpu.vector_load_idx %arg10[%broadcast_in_dim3A_532, %iota3A, %parallel_loop3A_716] : memref<4x16x128xf32, #tpu.memory_space<vmem>>[vector<16xi32>, vector<16xi32>, vector<16xi32>], vector<16xf32>,
        %parallel_loop3A_718 = arith.constant 16 : i32
        %parallel_loop3A_719 = vector.broadcast %parallel_loop3A_718 : i32 to vector<16xi32>
        %parallel_loop3A_720 = arith.muli %parallel_loop3A_716, %parallel_loop3A_719 : vector<16xi32>
        %parallel_loop3A_721 = arith.addi %parallel_loop3A_720, %iota3A : vector<16xi32>
        tpu.vector_store_idx %arg11[%broadcast_in_dim3A_532, %parallel_loop3A_721], %parallel_loop3A_717 : memref<4x2048xf32, #tpu.memory_space<vmem>>[vector<16xi32>, vector<16xi32>], vector<16xf32>,
      } {sc.loop_unroll_factor = 8 : i64, sc.parallel_access}
      %mul3A_536 = arith.constant 32 : i32
      %mul3A_537 = arith.muli %add3A_510, %mul3A_536 : i32
      %add3A_538 = arith.addi %add3A, %mul3A_537 : i32
      %lt3A_539 = arith.constant 20306 : i32
      %lt3A_540 = arith.cmpi slt, %add3A_538, %lt3A_539 : i32
      %select_n3A_541 = arith.select %lt3A_540, %add3A_538, %add3A : i32
      %jit3A_542 = arith.constant 781 : i32
      %div3A_543 = arith.divsi %select_n3A_541, %jit3A_542 : i32
      %sign3A_544 = arith.constant 0 : i32
      %sign3A_545 = arith.cmpi sgt, %select_n3A_541, %sign3A_544 : i32
      %sign3A_546 = arith.extui %sign3A_545 : i1 to i32
      %sign3A_547 = arith.constant 0 : i32
      %sign3A_548 = arith.cmpi slt, %select_n3A_541, %sign3A_547 : i32
      %sign3A_549 = arith.extui %sign3A_548 : i1 to i32
      %sign3A_550 = arith.subi %sign3A_546, %sign3A_549 : i32
      %sign3A_551 = arith.constant 0 : i32
      %sign3A_552 = arith.cmpi sgt, %jit3A_542, %sign3A_551 : i32
      %sign3A_553 = arith.extui %sign3A_552 : i1 to i32
      %sign3A_554 = arith.constant 0 : i32
      %sign3A_555 = arith.cmpi slt, %jit3A_542, %sign3A_554 : i32
      %sign3A_556 = arith.extui %sign3A_555 : i1 to i32
      %sign3A_557 = arith.subi %sign3A_553, %sign3A_556 : i32
      %ne3A_558 = arith.cmpi ne, %sign3A_550, %sign3A_557 : i32
      %rem3A_559 = arith.remsi %select_n3A_541, %jit3A_542 : i32
      %ne3A_560 = arith.constant 0 : i32
      %ne3A_561 = arith.cmpi ne, %rem3A_559, %ne3A_560 : i32
      %and3A_562 = arith.andi %ne3A_558, %ne3A_561 : i1
      %sub3A_563 = arith.constant 1 : i32
      %sub3A_564 = arith.subi %div3A_543, %sub3A_563 : i32
      %select_n3A_565 = arith.select %and3A_562, %sub3A_564, %div3A_543 : i32
      %jit3A_566 = arith.constant 781 : i32
      %eq3A_567 = arith.constant 0 : i32
      %eq3A_568 = arith.cmpi eq, %jit3A_566, %eq3A_567 : i32
      %jit3A_569 = arith.constant 1 : i32
      %select_n3A_570 = arith.select %eq3A_568, %jit3A_569, %jit3A_566 : i32
      %rem3A_571 = arith.remsi %select_n3A_541, %select_n3A_570 : i32
      %ne3A_572 = arith.constant 0 : i32
      %ne3A_573 = arith.cmpi ne, %rem3A_571, %ne3A_572 : i32
      %lt3A_574 = arith.constant 0 : i32
      %lt3A_575 = arith.cmpi slt, %rem3A_571, %lt3A_574 : i32
      %lt3A_576 = arith.constant 0 : i32
      %lt3A_577 = arith.cmpi slt, %select_n3A_570, %lt3A_576 : i32
      %ne3A_578 = arith.xori %lt3A_575, %lt3A_577 : i1
      %and3A_579 = arith.andi %ne3A_578, %ne3A_573 : i1
      %add3A_580 = arith.addi %rem3A_571, %select_n3A_570 : i32
      %select_n3A_581 = arith.select %and3A_579, %add3A_580, %rem3A_571 : i32
      %mul3A_582 = arith.constant 16 : i32
      %mul3A_583 = arith.muli %select_n3A_565, %mul3A_582 : i32
      %mul3A_584 = arith.constant 128 : i32
      %mul3A_585 = arith.muli %select_n3A_581, %mul3A_584 : i32
      %mul3A_586 = arith.constant 100000 : i32
      %mul3A_587 = arith.muli %select_n3A_565, %mul3A_586 : i32
      %mul3A_588 = arith.constant 128 : i32
      %mul3A_589 = arith.muli %select_n3A_581, %mul3A_588 : i32
      %add3A_590 = arith.addi %mul3A_587, %mul3A_589 : i32
      %mul3A_591 = arith.constant 16 : i32
      %mul3A_592 = arith.muli %add3A_590, %mul3A_591 : i32
      %dma_start3A_593 = arith.constant 2 : i32
      %dma_start3A_594 = arith.constant 0 : i32
      %dma_start3A_595 = tpu.memref_slice %arg11[%dma_start3A_593, %dma_start3A_594] : memref<4x2048xf32, #tpu.memory_space<vmem>> -> memref<1x2048xf32, #tpu.memory_space<vmem>>
      %dma_start3A_596 = tpu.memref_squeeze %dma_start3A_595 : memref<1x2048xf32, #tpu.memory_space<vmem>> -> memref<2048xf32, #tpu.memory_space<vmem>>
      %dma_start3A_597 = tpu.memref_slice %arg4[%mul3A_592] : memref<41600000xf32, #tpu.memory_space<hbm>> -> memref<2048xf32, #tpu.memory_space<hbm>>
      %dma_start3A_598 = tpu.memref_slice %arg4[%mul3A_592] : memref<41600000xf32, #tpu.memory_space<hbm>> -> memref<2048xf32, #tpu.memory_space<hbm>>
      %dma_start3A_599 = arith.constant 0 : i32
      %dma_start3A_600 = tpu.memref_slice %arg11[%dma_start3A_593, %dma_start3A_599] : memref<4x2048xf32, #tpu.memory_space<vmem>> -> memref<1x2048xf32, #tpu.memory_space<vmem>>
      %dma_start3A_601 = tpu.memref_squeeze %dma_start3A_600 : memref<1x2048xf32, #tpu.memory_space<vmem>> -> memref<2048xf32, #tpu.memory_space<vmem>>
      tpu.enqueue_dma source(%dma_start3A_601 : memref<2048xf32, #tpu.memory_space<vmem>>) target(%dma_start3A_598 : memref<2048xf32, #tpu.memory_space<hbm>>) target_semaphore(%arg20 : memref<!tpu.dma_semaphore, #tpu.memory_space<semaphore_mem>>)
      %lt3A_602 = arith.constant 632 : i32
      %lt3A_603 = arith.cmpi slt, %add3A_510, %lt3A_602 : i32
      %convert_element_type3A_604 = arith.extui %lt3A_603 : i1 to i32
      %cond3A_605 = arith.constant 0 : i32
      %cond3A_606 = arith.cmpi ne, %convert_element_type3A_604, %cond3A_605 : i32
      scf.if %cond3A_606 {
        %add3A_707 = arith.constant 4 : i32
        %add3A_708 = arith.addi %add3A_510, %add3A_707 : i32
        %mul3A_709 = arith.constant 32 : i32
        %mul3A_710 = arith.muli %add3A_708, %mul3A_709 : i32
        %add3A_711 = arith.addi %add3A, %mul3A_710 : i32
        %lt3A_712 = arith.constant 20306 : i32
        %lt3A_713 = arith.cmpi slt, %add3A_711, %lt3A_712 : i32
        %select_n3A_714 = arith.select %lt3A_713, %add3A_711, %add3A : i32
        %jit3A_715 = arith.constant 781 : i32
        %div3A_716 = arith.divsi %select_n3A_714, %jit3A_715 : i32
        %sign3A_717 = arith.constant 0 : i32
        %sign3A_718 = arith.cmpi sgt, %select_n3A_714, %sign3A_717 : i32
        %sign3A_719 = arith.extui %sign3A_718 : i1 to i32
        %sign3A_720 = arith.constant 0 : i32
        %sign3A_721 = arith.cmpi slt, %select_n3A_714, %sign3A_720 : i32
        %sign3A_722 = arith.extui %sign3A_721 : i1 to i32
        %sign3A_723 = arith.subi %sign3A_719, %sign3A_722 : i32
        %sign3A_724 = arith.constant 0 : i32
        %sign3A_725 = arith.cmpi sgt, %jit3A_715, %sign3A_724 : i32
        %sign3A_726 = arith.extui %sign3A_725 : i1 to i32
        %sign3A_727 = arith.constant 0 : i32
        %sign3A_728 = arith.cmpi slt, %jit3A_715, %sign3A_727 : i32
        %sign3A_729 = arith.extui %sign3A_728 : i1 to i32
        %sign3A_730 = arith.subi %sign3A_726, %sign3A_729 : i32
        %ne3A_731 = arith.cmpi ne, %sign3A_723, %sign3A_730 : i32
        %rem3A_732 = arith.remsi %select_n3A_714, %jit3A_715 : i32
        %ne3A_733 = arith.constant 0 : i32
        %ne3A_734 = arith.cmpi ne, %rem3A_732, %ne3A_733 : i32
        %and3A_735 = arith.andi %ne3A_731, %ne3A_734 : i1
        %sub3A_736 = arith.constant 1 : i32
        %sub3A_737 = arith.subi %div3A_716, %sub3A_736 : i32
        %select_n3A_738 = arith.select %and3A_735, %sub3A_737, %div3A_716 : i32
        %jit3A_739 = arith.constant 781 : i32
        %eq3A_740 = arith.constant 0 : i32
        %eq3A_741 = arith.cmpi eq, %jit3A_739, %eq3A_740 : i32
        %jit3A_742 = arith.constant 1 : i32
        %select_n3A_743 = arith.select %eq3A_741, %jit3A_742, %jit3A_739 : i32
        %rem3A_744 = arith.remsi %select_n3A_714, %select_n3A_743 : i32
        %ne3A_745 = arith.constant 0 : i32
        %ne3A_746 = arith.cmpi ne, %rem3A_744, %ne3A_745 : i32
        %lt3A_747 = arith.constant 0 : i32
        %lt3A_748 = arith.cmpi slt, %rem3A_744, %lt3A_747 : i32
        %lt3A_749 = arith.constant 0 : i32
        %lt3A_750 = arith.cmpi slt, %select_n3A_743, %lt3A_749 : i32
        %ne3A_751 = arith.xori %lt3A_748, %lt3A_750 : i1
        %and3A_752 = arith.andi %ne3A_751, %ne3A_746 : i1
        %add3A_753 = arith.addi %rem3A_744, %select_n3A_743 : i32
        %select_n3A_754 = arith.select %and3A_752, %add3A_753, %rem3A_744 : i32
        %mul3A_755 = arith.constant 16 : i32
        %mul3A_756 = arith.muli %select_n3A_738, %mul3A_755 : i32
        %mul3A_757 = arith.constant 128 : i32
        %mul3A_758 = arith.muli %select_n3A_754, %mul3A_757 : i32
        %mul3A_759 = arith.constant 100000 : i32
        %mul3A_760 = arith.muli %select_n3A_738, %mul3A_759 : i32
        %mul3A_761 = arith.constant 128 : i32
        %mul3A_762 = arith.muli %select_n3A_754, %mul3A_761 : i32
        %add3A_763 = arith.addi %mul3A_760, %mul3A_762 : i32
        %dma_start3A_764 = arith.constant 2 : i32
        %dma_start3A_765 = arith.constant 0 : i32
        %dma_start3A_766 = arith.constant 0 : i32
        %dma_start3A_767 = tpu.memref_slice %arg10[%dma_start3A_764, %dma_start3A_765, %dma_start3A_766] : memref<4x16x128xf32, #tpu.memory_space<vmem>> -> memref<1x16x128xf32, #tpu.memory_space<vmem>>
        %dma_start3A_768 = tpu.memref_squeeze %dma_start3A_767 : memref<1x16x128xf32, #tpu.memory_space<vmem>> -> memref<16x128xf32, #tpu.memory_space<vmem>>
        %dma_start3A_769 = tpu.memref_slice %arg3[%mul3A_756, %mul3A_758] : memref<416x100000xf32, #tpu.memory_space<hbm>> -> memref<16x128xf32, #tpu.memory_space<hbm>>
        %dma_start3A_770 = arith.constant 0 : i32
        %dma_start3A_771 = arith.constant 0 : i32
        %dma_start3A_772 = tpu.memref_slice %arg10[%dma_start3A_764, %dma_start3A_770, %dma_start3A_771] : memref<4x16x128xf32, #tpu.memory_space<vmem>> -> memref<1x16x128xf32, #tpu.memory_space<vmem>>
        %dma_start3A_773 = tpu.memref_squeeze %dma_start3A_772 : memref<1x16x128xf32, #tpu.memory_space<vmem>> -> memref<16x128xf32, #tpu.memory_space<vmem>>
        %dma_start3A_774 = tpu.memref_slice %arg3[%mul3A_756, %mul3A_758] : memref<416x100000xf32, #tpu.memory_space<hbm>> -> memref<16x128xf32, #tpu.memory_space<hbm>>
        tpu.enqueue_dma source(%dma_start3A_774 : memref<16x128xf32, #tpu.memory_space<hbm>>) target(%dma_start3A_773 : memref<16x128xf32, #tpu.memory_space<vmem>>) target_semaphore(%arg16 : memref<!tpu.dma_semaphore, #tpu.memory_space<semaphore_mem>>)
      } else {
      }
      %mul3A_607 = arith.constant 4 : i32
      %mul3A_608 = arith.muli %scan3A_309, %mul3A_607 : i32
      %add3A_609 = arith.constant 3 : i32
      %add3A_610 = arith.addi %mul3A_608, %add3A_609 : i32
      %dma_wait3A_611 = arith.constant 3 : i32
      %dma_wait3A_612 = arith.constant 0 : i32
      %dma_wait3A_613 = arith.constant 0 : i32
      %dma_wait3A_614 = tpu.memref_slice %arg10[%dma_wait3A_611, %dma_wait3A_612, %dma_wait3A_613] : memref<4x16x128xf32, #tpu.memory_space<vmem>> -> memref<1x16x128xf32, #tpu.memory_space<vmem>>
      %dma_wait3A_615 = tpu.memref_squeeze %dma_wait3A_614 : memref<1x16x128xf32, #tpu.memory_space<vmem>> -> memref<16x128xf32, #tpu.memory_space<vmem>>
      %dma_wait3A_616 = arith.constant 0 : i32
      %dma_wait3A_617 = arith.constant 0 : i32
      %dma_wait3A_618 = tpu.memref_slice %arg3[%dma_wait3A_616, %dma_wait3A_617] : memref<416x100000xf32, #tpu.memory_space<hbm>> -> memref<16x128xf32, #tpu.memory_space<hbm>>
      %dma_wait3A_619 = arith.constant 0 : i32
      %dma_wait3A_620 = arith.constant 0 : i32
      %dma_wait3A_621 = tpu.memref_slice %arg10[%dma_wait3A_611, %dma_wait3A_619, %dma_wait3A_620] : memref<4x16x128xf32, #tpu.memory_space<vmem>> -> memref<1x16x128xf32, #tpu.memory_space<vmem>>
      %dma_wait3A_622 = tpu.memref_squeeze %dma_wait3A_621 : memref<1x16x128xf32, #tpu.memory_space<vmem>> -> memref<16x128xf32, #tpu.memory_space<vmem>>
      %dma_wait3A_623 = arith.constant 0 : i32
      %dma_wait3A_624 = arith.constant 0 : i32
      %dma_wait3A_625 = tpu.memref_slice %arg3[%dma_wait3A_623, %dma_wait3A_624] : memref<416x100000xf32, #tpu.memory_space<hbm>> -> memref<16x128xf32, #tpu.memory_space<hbm>>
      tpu.wait_dma2 semaphore(%arg17 : memref<!tpu.dma_semaphore, #tpu.memory_space<semaphore_mem>>) src(%dma_wait3A_625 : memref<16x128xf32, #tpu.memory_space<hbm>>) dst(%dma_wait3A_622 : memref<16x128xf32, #tpu.memory_space<vmem>>)
      %gt3A_626 = arith.constant 0 : i32
      %gt3A_627 = arith.cmpi sgt, %scan3A_309, %gt3A_626 : i32
      %convert_element_type3A_628 = arith.extui %gt3A_627 : i1 to i32
      %cond3A_629 = arith.constant 0 : i32
      %cond3A_630 = arith.cmpi ne, %convert_element_type3A_628, %cond3A_629 : i32
      scf.if %cond3A_630 {
        %dma_wait3A_707 = arith.constant 3 : i32
        %dma_wait3A_708 = arith.constant 0 : i32
        %dma_wait3A_709 = tpu.memref_slice %arg11[%dma_wait3A_707, %dma_wait3A_708] : memref<4x2048xf32, #tpu.memory_space<vmem>> -> memref<1x2048xf32, #tpu.memory_space<vmem>>
        %dma_wait3A_710 = tpu.memref_squeeze %dma_wait3A_709 : memref<1x2048xf32, #tpu.memory_space<vmem>> -> memref<2048xf32, #tpu.memory_space<vmem>>
        %dma_wait3A_711 = arith.constant 0 : i32
        %dma_wait3A_712 = tpu.memref_slice %arg4[%dma_wait3A_711] : memref<41600000xf32, #tpu.memory_space<hbm>> -> memref<2048xf32, #tpu.memory_space<hbm>>
        %dma_wait3A_713 = arith.constant 0 : i32
        %dma_wait3A_714 = tpu.memref_slice %arg4[%dma_wait3A_713] : memref<41600000xf32, #tpu.memory_space<hbm>> -> memref<2048xf32, #tpu.memory_space<hbm>>
        %dma_wait3A_715 = arith.constant 0 : i32
        %dma_wait3A_716 = tpu.memref_slice %arg11[%dma_wait3A_707, %dma_wait3A_715] : memref<4x2048xf32, #tpu.memory_space<vmem>> -> memref<1x2048xf32, #tpu.memory_space<vmem>>
        %dma_wait3A_717 = tpu.memref_squeeze %dma_wait3A_716 : memref<1x2048xf32, #tpu.memory_space<vmem>> -> memref<2048xf32, #tpu.memory_space<vmem>>
        tpu.wait_dma2 semaphore(%arg21 : memref<!tpu.dma_semaphore, #tpu.memory_space<semaphore_mem>>) src(%dma_wait3A_717 : memref<2048xf32, #tpu.memory_space<vmem>>) dst(%dma_wait3A_714 : memref<2048xf32, #tpu.memory_space<hbm>>)
      } else {
      }
      %broadcast_in_dim3A_631 = arith.constant 3 : i32
      %broadcast_in_dim3A_632 = vector.broadcast %broadcast_in_dim3A_631 : i32 to vector<16xi32>
      %parallel_loop3A_633 = arith.constant 0 : i32
      %parallel_loop3A_634 = arith.constant 128 : i32
      %parallel_loop3A_635 = arith.constant 1 : i32
      scf.for %parallel_loop3A_707 = %parallel_loop3A_633 to %parallel_loop3A_634 step %parallel_loop3A_635  : i32 {
        %parallel_loop3A_708 = arith.constant -16 : i32
        %parallel_loop3A_709 = arith.andi %parallel_loop3A_707, %parallel_loop3A_708 : i32
        %parallel_loop3A_710 = vector.broadcast %parallel_loop3A_707 : i32 to vector<16xi32>
        %parallel_loop3A_711 = arith.addi %parallel_loop3A_710, %iota3A : vector<16xi32>
        %parallel_loop3A_712 = arith.constant 15 : i32
        %parallel_loop3A_713 = vector.broadcast %parallel_loop3A_712 : i32 to vector<16xi32>
        %parallel_loop3A_714 = arith.andi %parallel_loop3A_711, %parallel_loop3A_713 : vector<16xi32>
        %parallel_loop3A_715 = vector.broadcast %parallel_loop3A_709 : i32 to vector<16xi32>
        %parallel_loop3A_716 = arith.addi %parallel_loop3A_715, %parallel_loop3A_714 : vector<16xi32>
        %parallel_loop3A_717 = tpu.vector_load_idx %arg10[%broadcast_in_dim3A_632, %iota3A, %parallel_loop3A_716] : memref<4x16x128xf32, #tpu.memory_space<vmem>>[vector<16xi32>, vector<16xi32>, vector<16xi32>], vector<16xf32>,
        %parallel_loop3A_718 = arith.constant 16 : i32
        %parallel_loop3A_719 = vector.broadcast %parallel_loop3A_718 : i32 to vector<16xi32>
        %parallel_loop3A_720 = arith.muli %parallel_loop3A_716, %parallel_loop3A_719 : vector<16xi32>
        %parallel_loop3A_721 = arith.addi %parallel_loop3A_720, %iota3A : vector<16xi32>
        tpu.vector_store_idx %arg11[%broadcast_in_dim3A_632, %parallel_loop3A_721], %parallel_loop3A_717 : memref<4x2048xf32, #tpu.memory_space<vmem>>[vector<16xi32>, vector<16xi32>], vector<16xf32>,
      } {sc.loop_unroll_factor = 8 : i64, sc.parallel_access}
      %mul3A_636 = arith.constant 32 : i32
      %mul3A_637 = arith.muli %add3A_610, %mul3A_636 : i32
      %add3A_638 = arith.addi %add3A, %mul3A_637 : i32
      %lt3A_639 = arith.constant 20306 : i32
      %lt3A_640 = arith.cmpi slt, %add3A_638, %lt3A_639 : i32
      %select_n3A_641 = arith.select %lt3A_640, %add3A_638, %add3A : i32
      %jit3A_642 = arith.constant 781 : i32
      %div3A_643 = arith.divsi %select_n3A_641, %jit3A_642 : i32
      %sign3A_644 = arith.constant 0 : i32
      %sign3A_645 = arith.cmpi sgt, %select_n3A_641, %sign3A_644 : i32
      %sign3A_646 = arith.extui %sign3A_645 : i1 to i32
      %sign3A_647 = arith.constant 0 : i32
      %sign3A_648 = arith.cmpi slt, %select_n3A_641, %sign3A_647 : i32
      %sign3A_649 = arith.extui %sign3A_648 : i1 to i32
      %sign3A_650 = arith.subi %sign3A_646, %sign3A_649 : i32
      %sign3A_651 = arith.constant 0 : i32
      %sign3A_652 = arith.cmpi sgt, %jit3A_642, %sign3A_651 : i32
      %sign3A_653 = arith.extui %sign3A_652 : i1 to i32
      %sign3A_654 = arith.constant 0 : i32
      %sign3A_655 = arith.cmpi slt, %jit3A_642, %sign3A_654 : i32
      %sign3A_656 = arith.extui %sign3A_655 : i1 to i32
      %sign3A_657 = arith.subi %sign3A_653, %sign3A_656 : i32
      %ne3A_658 = arith.cmpi ne, %sign3A_650, %sign3A_657 : i32
      %rem3A_659 = arith.remsi %select_n3A_641, %jit3A_642 : i32
      %ne3A_660 = arith.constant 0 : i32
      %ne3A_661 = arith.cmpi ne, %rem3A_659, %ne3A_660 : i32
      %and3A_662 = arith.andi %ne3A_658, %ne3A_661 : i1
      %sub3A_663 = arith.constant 1 : i32
      %sub3A_664 = arith.subi %div3A_643, %sub3A_663 : i32
      %select_n3A_665 = arith.select %and3A_662, %sub3A_664, %div3A_643 : i32
      %jit3A_666 = arith.constant 781 : i32
      %eq3A_667 = arith.constant 0 : i32
      %eq3A_668 = arith.cmpi eq, %jit3A_666, %eq3A_667 : i32
      %jit3A_669 = arith.constant 1 : i32
      %select_n3A_670 = arith.select %eq3A_668, %jit3A_669, %jit3A_666 : i32
      %rem3A_671 = arith.remsi %select_n3A_641, %select_n3A_670 : i32
      %ne3A_672 = arith.constant 0 : i32
      %ne3A_673 = arith.cmpi ne, %rem3A_671, %ne3A_672 : i32
      %lt3A_674 = arith.constant 0 : i32
      %lt3A_675 = arith.cmpi slt, %rem3A_671, %lt3A_674 : i32
      %lt3A_676 = arith.constant 0 : i32
      %lt3A_677 = arith.cmpi slt, %select_n3A_670, %lt3A_676 : i32
      %ne3A_678 = arith.xori %lt3A_675, %lt3A_677 : i1
      %and3A_679 = arith.andi %ne3A_678, %ne3A_673 : i1
      %add3A_680 = arith.addi %rem3A_671, %select_n3A_670 : i32
      %select_n3A_681 = arith.select %and3A_679, %add3A_680, %rem3A_671 : i32
      %mul3A_682 = arith.constant 16 : i32
      %mul3A_683 = arith.muli %select_n3A_665, %mul3A_682 : i32
      %mul3A_684 = arith.constant 128 : i32
      %mul3A_685 = arith.muli %select_n3A_681, %mul3A_684 : i32
      %mul3A_686 = arith.constant 100000 : i32
      %mul3A_687 = arith.muli %select_n3A_665, %mul3A_686 : i32
      %mul3A_688 = arith.constant 128 : i32
      %mul3A_689 = arith.muli %select_n3A_681, %mul3A_688 : i32
      %add3A_690 = arith.addi %mul3A_687, %mul3A_689 : i32
      %mul3A_691 = arith.constant 16 : i32
      %mul3A_692 = arith.muli %add3A_690, %mul3A_691 : i32
      %dma_start3A_693 = arith.constant 3 : i32
      %dma_start3A_694 = arith.constant 0 : i32
      %dma_start3A_695 = tpu.memref_slice %arg11[%dma_start3A_693, %dma_start3A_694] : memref<4x2048xf32, #tpu.memory_space<vmem>> -> memref<1x2048xf32, #tpu.memory_space<vmem>>
      %dma_start3A_696 = tpu.memref_squeeze %dma_start3A_695 : memref<1x2048xf32, #tpu.memory_space<vmem>> -> memref<2048xf32, #tpu.memory_space<vmem>>
      %dma_start3A_697 = tpu.memref_slice %arg4[%mul3A_692] : memref<41600000xf32, #tpu.memory_space<hbm>> -> memref<2048xf32, #tpu.memory_space<hbm>>
      %dma_start3A_698 = tpu.memref_slice %arg4[%mul3A_692] : memref<41600000xf32, #tpu.memory_space<hbm>> -> memref<2048xf32, #tpu.memory_space<hbm>>
      %dma_start3A_699 = arith.constant 0 : i32
      %dma_start3A_700 = tpu.memref_slice %arg11[%dma_start3A_693, %dma_start3A_699] : memref<4x2048xf32, #tpu.memory_space<vmem>> -> memref<1x2048xf32, #tpu.memory_space<vmem>>
      %dma_start3A_701 = tpu.memref_squeeze %dma_start3A_700 : memref<1x2048xf32, #tpu.memory_space<vmem>> -> memref<2048xf32, #tpu.memory_space<vmem>>
      tpu.enqueue_dma source(%dma_start3A_701 : memref<2048xf32, #tpu.memory_space<vmem>>) target(%dma_start3A_698 : memref<2048xf32, #tpu.memory_space<hbm>>) target_semaphore(%arg21 : memref<!tpu.dma_semaphore, #tpu.memory_space<semaphore_mem>>)
      %lt3A_702 = arith.constant 632 : i32
      %lt3A_703 = arith.cmpi slt, %add3A_610, %lt3A_702 : i32
      %convert_element_type3A_704 = arith.extui %lt3A_703 : i1 to i32
      %cond3A_705 = arith.constant 0 : i32
      %cond3A_706 = arith.cmpi ne, %convert_element_type3A_704, %cond3A_705 : i32
      scf.if %cond3A_706 {
        %add3A_707 = arith.constant 4 : i32
        %add3A_708 = arith.addi %add3A_610, %add3A_707 : i32
        %mul3A_709 = arith.constant 32 : i32
        %mul3A_710 = arith.muli %add3A_708, %mul3A_709 : i32
        %add3A_711 = arith.addi %add3A, %mul3A_710 : i32
        %lt3A_712 = arith.constant 20306 : i32
        %lt3A_713 = arith.cmpi slt, %add3A_711, %lt3A_712 : i32
        %select_n3A_714 = arith.select %lt3A_713, %add3A_711, %add3A : i32
        %jit3A_715 = arith.constant 781 : i32
        %div3A_716 = arith.divsi %select_n3A_714, %jit3A_715 : i32
        %sign3A_717 = arith.constant 0 : i32
        %sign3A_718 = arith.cmpi sgt, %select_n3A_714, %sign3A_717 : i32
        %sign3A_719 = arith.extui %sign3A_718 : i1 to i32
        %sign3A_720 = arith.constant 0 : i32
        %sign3A_721 = arith.cmpi slt, %select_n3A_714, %sign3A_720 : i32
        %sign3A_722 = arith.extui %sign3A_721 : i1 to i32
        %sign3A_723 = arith.subi %sign3A_719, %sign3A_722 : i32
        %sign3A_724 = arith.constant 0 : i32
        %sign3A_725 = arith.cmpi sgt, %jit3A_715, %sign3A_724 : i32
        %sign3A_726 = arith.extui %sign3A_725 : i1 to i32
        %sign3A_727 = arith.constant 0 : i32
        %sign3A_728 = arith.cmpi slt, %jit3A_715, %sign3A_727 : i32
        %sign3A_729 = arith.extui %sign3A_728 : i1 to i32
        %sign3A_730 = arith.subi %sign3A_726, %sign3A_729 : i32
        %ne3A_731 = arith.cmpi ne, %sign3A_723, %sign3A_730 : i32
        %rem3A_732 = arith.remsi %select_n3A_714, %jit3A_715 : i32
        %ne3A_733 = arith.constant 0 : i32
        %ne3A_734 = arith.cmpi ne, %rem3A_732, %ne3A_733 : i32
        %and3A_735 = arith.andi %ne3A_731, %ne3A_734 : i1
        %sub3A_736 = arith.constant 1 : i32
        %sub3A_737 = arith.subi %div3A_716, %sub3A_736 : i32
        %select_n3A_738 = arith.select %and3A_735, %sub3A_737, %div3A_716 : i32
        %jit3A_739 = arith.constant 781 : i32
        %eq3A_740 = arith.constant 0 : i32
        %eq3A_741 = arith.cmpi eq, %jit3A_739, %eq3A_740 : i32
        %jit3A_742 = arith.constant 1 : i32
        %select_n3A_743 = arith.select %eq3A_741, %jit3A_742, %jit3A_739 : i32
        %rem3A_744 = arith.remsi %select_n3A_714, %select_n3A_743 : i32
        %ne3A_745 = arith.constant 0 : i32
        %ne3A_746 = arith.cmpi ne, %rem3A_744, %ne3A_745 : i32
        %lt3A_747 = arith.constant 0 : i32
        %lt3A_748 = arith.cmpi slt, %rem3A_744, %lt3A_747 : i32
        %lt3A_749 = arith.constant 0 : i32
        %lt3A_750 = arith.cmpi slt, %select_n3A_743, %lt3A_749 : i32
        %ne3A_751 = arith.xori %lt3A_748, %lt3A_750 : i1
        %and3A_752 = arith.andi %ne3A_751, %ne3A_746 : i1
        %add3A_753 = arith.addi %rem3A_744, %select_n3A_743 : i32
        %select_n3A_754 = arith.select %and3A_752, %add3A_753, %rem3A_744 : i32
        %mul3A_755 = arith.constant 16 : i32
        %mul3A_756 = arith.muli %select_n3A_738, %mul3A_755 : i32
        %mul3A_757 = arith.constant 128 : i32
        %mul3A_758 = arith.muli %select_n3A_754, %mul3A_757 : i32
        %mul3A_759 = arith.constant 100000 : i32
        %mul3A_760 = arith.muli %select_n3A_738, %mul3A_759 : i32
        %mul3A_761 = arith.constant 128 : i32
        %mul3A_762 = arith.muli %select_n3A_754, %mul3A_761 : i32
        %add3A_763 = arith.addi %mul3A_760, %mul3A_762 : i32
        %dma_start3A_764 = arith.constant 3 : i32
        %dma_start3A_765 = arith.constant 0 : i32
        %dma_start3A_766 = arith.constant 0 : i32
        %dma_start3A_767 = tpu.memref_slice %arg10[%dma_start3A_764, %dma_start3A_765, %dma_start3A_766] : memref<4x16x128xf32, #tpu.memory_space<vmem>> -> memref<1x16x128xf32, #tpu.memory_space<vmem>>
        %dma_start3A_768 = tpu.memref_squeeze %dma_start3A_767 : memref<1x16x128xf32, #tpu.memory_space<vmem>> -> memref<16x128xf32, #tpu.memory_space<vmem>>
        %dma_start3A_769 = tpu.memref_slice %arg3[%mul3A_756, %mul3A_758] : memref<416x100000xf32, #tpu.memory_space<hbm>> -> memref<16x128xf32, #tpu.memory_space<hbm>>
        %dma_start3A_770 = arith.constant 0 : i32
        %dma_start3A_771 = arith.constant 0 : i32
        %dma_start3A_772 = tpu.memref_slice %arg10[%dma_start3A_764, %dma_start3A_770, %dma_start3A_771] : memref<4x16x128xf32, #tpu.memory_space<vmem>> -> memref<1x16x128xf32, #tpu.memory_space<vmem>>
        %dma_start3A_773 = tpu.memref_squeeze %dma_start3A_772 : memref<1x16x128xf32, #tpu.memory_space<vmem>> -> memref<16x128xf32, #tpu.memory_space<vmem>>
        %dma_start3A_774 = tpu.memref_slice %arg3[%mul3A_756, %mul3A_758] : memref<416x100000xf32, #tpu.memory_space<hbm>> -> memref<16x128xf32, #tpu.memory_space<hbm>>
        tpu.enqueue_dma source(%dma_start3A_774 : memref<16x128xf32, #tpu.memory_space<hbm>>) target(%dma_start3A_773 : memref<16x128xf32, #tpu.memory_space<vmem>>) target_semaphore(%arg17 : memref<!tpu.dma_semaphore, #tpu.memory_space<semaphore_mem>>)
      } else {
      }
    }
    %scan3A_262 = arith.constant 159 : i32
    %dma_wait3A = arith.constant 0 : i32
    %dma_wait3A_263 = arith.constant 0 : i32
    %dma_wait3A_264 = tpu.memref_slice %arg11[%dma_wait3A, %dma_wait3A_263] : memref<4x2048xf32, #tpu.memory_space<vmem>> -> memref<1x2048xf32, #tpu.memory_space<vmem>>
    %dma_wait3A_265 = tpu.memref_squeeze %dma_wait3A_264 : memref<1x2048xf32, #tpu.memory_space<vmem>> -> memref<2048xf32, #tpu.memory_space<vmem>>
    %dma_wait3A_266 = arith.constant 0 : i32
    %dma_wait3A_267 = tpu.memref_slice %arg4[%dma_wait3A_266] : memref<41600000xf32, #tpu.memory_space<hbm>> -> memref<2048xf32, #tpu.memory_space<hbm>>
    %dma_wait3A_268 = arith.constant 0 : i32
    %dma_wait3A_269 = tpu.memref_slice %arg4[%dma_wait3A_268] : memref<41600000xf32, #tpu.memory_space<hbm>> -> memref<2048xf32, #tpu.memory_space<hbm>>
    %dma_wait3A_270 = arith.constant 0 : i32
    %dma_wait3A_271 = tpu.memref_slice %arg11[%dma_wait3A, %dma_wait3A_270] : memref<4x2048xf32, #tpu.memory_space<vmem>> -> memref<1x2048xf32, #tpu.memory_space<vmem>>
    %dma_wait3A_272 = tpu.memref_squeeze %dma_wait3A_271 : memref<1x2048xf32, #tpu.memory_space<vmem>> -> memref<2048xf32, #tpu.memory_space<vmem>>
    tpu.wait_dma2 semaphore(%arg18 : memref<!tpu.dma_semaphore, #tpu.memory_space<semaphore_mem>>) src(%dma_wait3A_272 : memref<2048xf32, #tpu.memory_space<vmem>>) dst(%dma_wait3A_269 : memref<2048xf32, #tpu.memory_space<hbm>>)
    %dma_wait3A_273 = arith.constant 1 : i32
    %dma_wait3A_274 = arith.constant 0 : i32
    %dma_wait3A_275 = tpu.memref_slice %arg11[%dma_wait3A_273, %dma_wait3A_274] : memref<4x2048xf32, #tpu.memory_space<vmem>> -> memref<1x2048xf32, #tpu.memory_space<vmem>>
    %dma_wait3A_276 = tpu.memref_squeeze %dma_wait3A_275 : memref<1x2048xf32, #tpu.memory_space<vmem>> -> memref<2048xf32, #tpu.memory_space<vmem>>
    %dma_wait3A_277 = arith.constant 0 : i32
    %dma_wait3A_278 = tpu.memref_slice %arg4[%dma_wait3A_277] : memref<41600000xf32, #tpu.memory_space<hbm>> -> memref<2048xf32, #tpu.memory_space<hbm>>
    %dma_wait3A_279 = arith.constant 0 : i32
    %dma_wait3A_280 = tpu.memref_slice %arg4[%dma_wait3A_279] : memref<41600000xf32, #tpu.memory_space<hbm>> -> memref<2048xf32, #tpu.memory_space<hbm>>
    %dma_wait3A_281 = arith.constant 0 : i32
    %dma_wait3A_282 = tpu.memref_slice %arg11[%dma_wait3A_273, %dma_wait3A_281] : memref<4x2048xf32, #tpu.memory_space<vmem>> -> memref<1x2048xf32, #tpu.memory_space<vmem>>
    %dma_wait3A_283 = tpu.memref_squeeze %dma_wait3A_282 : memref<1x2048xf32, #tpu.memory_space<vmem>> -> memref<2048xf32, #tpu.memory_space<vmem>>
    tpu.wait_dma2 semaphore(%arg19 : memref<!tpu.dma_semaphore, #tpu.memory_space<semaphore_mem>>) src(%dma_wait3A_283 : memref<2048xf32, #tpu.memory_space<vmem>>) dst(%dma_wait3A_280 : memref<2048xf32, #tpu.memory_space<hbm>>)
    %dma_wait3A_284 = arith.constant 2 : i32
    %dma_wait3A_285 = arith.constant 0 : i32
    %dma_wait3A_286 = tpu.memref_slice %arg11[%dma_wait3A_284, %dma_wait3A_285] : memref<4x2048xf32, #tpu.memory_space<vmem>> -> memref<1x2048xf32, #tpu.memory_space<vmem>>
    %dma_wait3A_287 = tpu.memref_squeeze %dma_wait3A_286 : memref<1x2048xf32, #tpu.memory_space<vmem>> -> memref<2048xf32, #tpu.memory_space<vmem>>
    %dma_wait3A_288 = arith.constant 0 : i32
    %dma_wait3A_289 = tpu.memref_slice %arg4[%dma_wait3A_288] : memref<41600000xf32, #tpu.memory_space<hbm>> -> memref<2048xf32, #tpu.memory_space<hbm>>
    %dma_wait3A_290 = arith.constant 0 : i32
    %dma_wait3A_291 = tpu.memref_slice %arg4[%dma_wait3A_290] : memref<41600000xf32, #tpu.memory_space<hbm>> -> memref<2048xf32, #tpu.memory_space<hbm>>
    %dma_wait3A_292 = arith.constant 0 : i32
    %dma_wait3A_293 = tpu.memref_slice %arg11[%dma_wait3A_284, %dma_wait3A_292] : memref<4x2048xf32, #tpu.memory_space<vmem>> -> memref<1x2048xf32, #tpu.memory_space<vmem>>
    %dma_wait3A_294 = tpu.memref_squeeze %dma_wait3A_293 : memref<1x2048xf32, #tpu.memory_space<vmem>> -> memref<2048xf32, #tpu.memory_space<vmem>>
    tpu.wait_dma2 semaphore(%arg20 : memref<!tpu.dma_semaphore, #tpu.memory_space<semaphore_mem>>) src(%dma_wait3A_294 : memref<2048xf32, #tpu.memory_space<vmem>>) dst(%dma_wait3A_291 : memref<2048xf32, #tpu.memory_space<hbm>>)
    %dma_wait3A_295 = arith.constant 3 : i32
    %dma_wait3A_296 = arith.constant 0 : i32
    %dma_wait3A_297 = tpu.memref_slice %arg11[%dma_wait3A_295, %dma_wait3A_296] : memref<4x2048xf32, #tpu.memory_space<vmem>> -> memref<1x2048xf32, #tpu.memory_space<vmem>>
    %dma_wait3A_298 = tpu.memref_squeeze %dma_wait3A_297 : memref<1x2048xf32, #tpu.memory_space<vmem>> -> memref<2048xf32, #tpu.memory_space<vmem>>
    %dma_wait3A_299 = arith.constant 0 : i32
    %dma_wait3A_300 = tpu.memref_slice %arg4[%dma_wait3A_299] : memref<41600000xf32, #tpu.memory_space<hbm>> -> memref<2048xf32, #tpu.memory_space<hbm>>
    %dma_wait3A_301 = arith.constant 0 : i32
    %dma_wait3A_302 = tpu.memref_slice %arg4[%dma_wait3A_301] : memref<41600000xf32, #tpu.memory_space<hbm>> -> memref<2048xf32, #tpu.memory_space<hbm>>
    %dma_wait3A_303 = arith.constant 0 : i32
    %dma_wait3A_304 = tpu.memref_slice %arg11[%dma_wait3A_295, %dma_wait3A_303] : memref<4x2048xf32, #tpu.memory_space<vmem>> -> memref<1x2048xf32, #tpu.memory_space<vmem>>
    %dma_wait3A_305 = tpu.memref_squeeze %dma_wait3A_304 : memref<1x2048xf32, #tpu.memory_space<vmem>> -> memref<2048xf32, #tpu.memory_space<vmem>>
    tpu.wait_dma2 semaphore(%arg21 : memref<!tpu.dma_semaphore, #tpu.memory_space<semaphore_mem>>) src(%dma_wait3A_305 : memref<2048xf32, #tpu.memory_space<vmem>>) dst(%dma_wait3A_302 : memref<2048xf32, #tpu.memory_space<hbm>>)
    %lt3A_306 = arith.constant 26 : i32
    %lt3A_307 = arith.cmpi slt, %add3A, %lt3A_306 : i32
    %convert_element_type3A = arith.extui %lt3A_307 : i1 to i32
    %cond3A = arith.constant 0 : i32
    %cond3A_308 = arith.cmpi ne, %convert_element_type3A, %cond3A : i32
    scf.if %cond3A_308 {
      %mul3A_309 = arith.constant 16 : i32
      %mul3A_310 = arith.muli %add3A, %mul3A_309 : i32
      "tpu.region"() ({
        %run_scoped3A = tpu.sem_alloc : memref<!tpu.dma_semaphore, #tpu.memory_space<semaphore_mem>>
        %dma_start3A_319 = arith.constant 99968 : i32
        %dma_start3A_320 = tpu.memref_slice %arg3[%mul3A_310, %dma_start3A_319] : memref<416x100000xf32, #tpu.memory_space<hbm>> -> memref<16x32xf32, #tpu.memory_space<hbm>>
        %dma_start3A_321 = arith.constant 99968 : i32
        %dma_start3A_322 = tpu.memref_slice %arg3[%mul3A_310, %dma_start3A_321] : memref<416x100000xf32, #tpu.memory_space<hbm>> -> memref<16x32xf32, #tpu.memory_space<hbm>>
        tpu.enqueue_dma source(%dma_start3A_322 : memref<16x32xf32, #tpu.memory_space<hbm>>) target(%arg12 : memref<16x32xf32, #tpu.memory_space<vmem>>) target_semaphore(%run_scoped3A : memref<!tpu.dma_semaphore, #tpu.memory_space<semaphore_mem>>)
        %dma_wait3A_323 = arith.constant 99968 : i32
        %dma_wait3A_324 = tpu.memref_slice %arg3[%mul3A_310, %dma_wait3A_323] : memref<416x100000xf32, #tpu.memory_space<hbm>> -> memref<16x32xf32, #tpu.memory_space<hbm>>
        %dma_wait3A_325 = arith.constant 99968 : i32
        %dma_wait3A_326 = tpu.memref_slice %arg3[%mul3A_310, %dma_wait3A_325] : memref<416x100000xf32, #tpu.memory_space<hbm>> -> memref<16x32xf32, #tpu.memory_space<hbm>>
        tpu.wait_dma2 semaphore(%run_scoped3A : memref<!tpu.dma_semaphore, #tpu.memory_space<semaphore_mem>>) src(%dma_wait3A_326 : memref<16x32xf32, #tpu.memory_space<hbm>>) dst(%arg12 : memref<16x32xf32, #tpu.memory_space<vmem>>)
        tpu.yield
      }) : () -> ()
      %parallel_loop3A = arith.constant 0 : i32
      %parallel_loop3A_311 = arith.constant 32 : i32
      %parallel_loop3A_312 = arith.constant 1 : i32
      scf.for %parallel_loop3A_319 = %parallel_loop3A to %parallel_loop3A_311 step %parallel_loop3A_312  : i32 {
        %parallel_loop3A_320 = arith.constant 16 : i32
        %parallel_loop3A_321 = arith.divsi %parallel_loop3A_319, %parallel_loop3A_320 : i32
        %parallel_loop3A_322 = arith.constant 0 : i32
        %parallel_loop3A_323 = arith.cmpi sgt, %parallel_loop3A_319, %parallel_loop3A_322 : i32
        %parallel_loop3A_324 = arith.extui %parallel_loop3A_323 : i1 to i32
        %parallel_loop3A_325 = arith.constant 0 : i32
        %parallel_loop3A_326 = arith.cmpi slt, %parallel_loop3A_319, %parallel_loop3A_325 : i32
        %parallel_loop3A_327 = arith.extui %parallel_loop3A_326 : i1 to i32
        %parallel_loop3A_328 = arith.subi %parallel_loop3A_324, %parallel_loop3A_327 : i32
        %parallel_loop3A_329 = arith.constant 0 : i32
        %parallel_loop3A_330 = arith.cmpi sgt, %parallel_loop3A_320, %parallel_loop3A_329 : i32
        %parallel_loop3A_331 = arith.extui %parallel_loop3A_330 : i1 to i32
        %parallel_loop3A_332 = arith.constant 0 : i32
        %parallel_loop3A_333 = arith.cmpi slt, %parallel_loop3A_320, %parallel_loop3A_332 : i32
        %parallel_loop3A_334 = arith.extui %parallel_loop3A_333 : i1 to i32
        %parallel_loop3A_335 = arith.subi %parallel_loop3A_331, %parallel_loop3A_334 : i32
        %parallel_loop3A_336 = arith.cmpi ne, %parallel_loop3A_328, %parallel_loop3A_335 : i32
        %parallel_loop3A_337 = arith.remsi %parallel_loop3A_319, %parallel_loop3A_320 : i32
        %parallel_loop3A_338 = arith.constant 0 : i32
        %parallel_loop3A_339 = arith.cmpi ne, %parallel_loop3A_337, %parallel_loop3A_338 : i32
        %parallel_loop3A_340 = arith.andi %parallel_loop3A_336, %parallel_loop3A_339 : i1
        %parallel_loop3A_341 = arith.constant 1 : i32
        %parallel_loop3A_342 = arith.subi %parallel_loop3A_321, %parallel_loop3A_341 : i32
        %parallel_loop3A_343 = arith.select %parallel_loop3A_340, %parallel_loop3A_342, %parallel_loop3A_321 : i32
        %parallel_loop3A_344 = arith.constant 16 : i32
        %parallel_loop3A_345 = arith.muli %parallel_loop3A_343, %parallel_loop3A_344 : i32
        %parallel_loop3A_346 = arith.constant 16 : i32
        %parallel_loop3A_347 = arith.constant 0 : i32
        %parallel_loop3A_348 = arith.cmpi eq, %parallel_loop3A_346, %parallel_loop3A_347 : i32
        %parallel_loop3A_349 = arith.constant 1 : i32
        %parallel_loop3A_350 = arith.select %parallel_loop3A_348, %parallel_loop3A_349, %parallel_loop3A_346 : i32
        %parallel_loop3A_351 = arith.remsi %parallel_loop3A_319, %parallel_loop3A_350 : i32
        %parallel_loop3A_352 = arith.constant 0 : i32
        %parallel_loop3A_353 = arith.cmpi ne, %parallel_loop3A_351, %parallel_loop3A_352 : i32
        %parallel_loop3A_354 = arith.constant 0 : i32
        %parallel_loop3A_355 = arith.cmpi slt, %parallel_loop3A_351, %parallel_loop3A_354 : i32
        %parallel_loop3A_356 = arith.constant 0 : i32
        %parallel_loop3A_357 = arith.cmpi slt, %parallel_loop3A_350, %parallel_loop3A_356 : i32
        %parallel_loop3A_358 = arith.xori %parallel_loop3A_355, %parallel_loop3A_357 : i1
        %parallel_loop3A_359 = arith.andi %parallel_loop3A_358, %parallel_loop3A_353 : i1
        %parallel_loop3A_360 = arith.addi %parallel_loop3A_351, %parallel_loop3A_350 : i32
        %parallel_loop3A_361 = arith.select %parallel_loop3A_359, %parallel_loop3A_360, %parallel_loop3A_351 : i32
        %parallel_loop3A_362 = vector.broadcast %parallel_loop3A_361 : i32 to vector<16xi32>
        %parallel_loop3A_363 = arith.addi %parallel_loop3A_362, %iota3A : vector<16xi32>
        %parallel_loop3A_364 = arith.constant 16 : i32
        %parallel_loop3A_365 = arith.constant 0 : i32
        %parallel_loop3A_366 = arith.cmpi eq, %parallel_loop3A_364, %parallel_loop3A_365 : i32
        %parallel_loop3A_367 = arith.constant 1 : i32
        %parallel_loop3A_368 = arith.select %parallel_loop3A_366, %parallel_loop3A_367, %parallel_loop3A_364 : i32
        %parallel_loop3A_369 = vector.broadcast %parallel_loop3A_368 : i32 to vector<16xi32>
        %parallel_loop3A_370 = arith.remsi %parallel_loop3A_363, %parallel_loop3A_369 : vector<16xi32>
        %parallel_loop3A_371 = arith.constant 0 : i32
        %parallel_loop3A_372 = vector.broadcast %parallel_loop3A_371 : i32 to vector<16xi32>
        %parallel_loop3A_373 = arith.cmpi ne, %parallel_loop3A_370, %parallel_loop3A_372 : vector<16xi32>
        %parallel_loop3A_374 = arith.constant 0 : i32
        %parallel_loop3A_375 = vector.broadcast %parallel_loop3A_374 : i32 to vector<16xi32>
        %parallel_loop3A_376 = arith.cmpi slt, %parallel_loop3A_370, %parallel_loop3A_375 : vector<16xi32>
        %parallel_loop3A_377 = arith.constant 0 : i32
        %parallel_loop3A_378 = arith.cmpi slt, %parallel_loop3A_368, %parallel_loop3A_377 : i32
        %parallel_loop3A_379 = vector.broadcast %parallel_loop3A_378 : i1 to vector<16xi1>
        %parallel_loop3A_380 = vector.broadcast %parallel_loop3A_379 : vector<16xi1> to vector<16xi1>
        %parallel_loop3A_381 = arith.xori %parallel_loop3A_376, %parallel_loop3A_380 : vector<16xi1>
        %parallel_loop3A_382 = arith.andi %parallel_loop3A_381, %parallel_loop3A_373 : vector<16xi1>
        %parallel_loop3A_383 = vector.broadcast %parallel_loop3A_368 : i32 to vector<16xi32>
        %parallel_loop3A_384 = arith.addi %parallel_loop3A_370, %parallel_loop3A_383 : vector<16xi32>
        %parallel_loop3A_385 = arith.select %parallel_loop3A_382, %parallel_loop3A_384, %parallel_loop3A_370 : vector<16xi1>, vector<16xi32>
        %parallel_loop3A_386 = vector.broadcast %parallel_loop3A_345 : i32 to vector<16xi32>
        %parallel_loop3A_387 = arith.addi %parallel_loop3A_386, %parallel_loop3A_385 : vector<16xi32>
        %parallel_loop3A_388 = tpu.vector_load_idx %arg12[%iota3A, %parallel_loop3A_387] : memref<16x32xf32, #tpu.memory_space<vmem>>[vector<16xi32>, vector<16xi32>], vector<16xf32>,
        %parallel_loop3A_389 = arith.constant 16 : i32
        %parallel_loop3A_390 = vector.broadcast %parallel_loop3A_389 : i32 to vector<16xi32>
        %parallel_loop3A_391 = arith.muli %parallel_loop3A_387, %parallel_loop3A_390 : vector<16xi32>
        %parallel_loop3A_392 = arith.addi %parallel_loop3A_391, %iota3A : vector<16xi32>
        tpu.vector_store_idx %arg13[%parallel_loop3A_392], %parallel_loop3A_388 : memref<512xf32, #tpu.memory_space<vmem>>[vector<16xi32>], vector<16xf32>,
      } {sc.loop_unroll_factor = 4 : i64, sc.parallel_access}
      %mul3A_313 = arith.constant 100000 : i32
      %mul3A_314 = arith.muli %add3A, %mul3A_313 : i32
      %add3A_315 = arith.constant 99968 : i32
      %add3A_316 = arith.addi %mul3A_314, %add3A_315 : i32
      %mul3A_317 = arith.constant 16 : i32
      %mul3A_318 = arith.muli %add3A_316, %mul3A_317 : i32
      "tpu.region"() ({
        %run_scoped3A = tpu.sem_alloc : memref<!tpu.dma_semaphore, #tpu.memory_space<semaphore_mem>>
        %dma_start3A_319 = tpu.memref_slice %arg4[%mul3A_318] : memref<41600000xf32, #tpu.memory_space<hbm>> -> memref<512xf32, #tpu.memory_space<hbm>>
        %dma_start3A_320 = tpu.memref_slice %arg4[%mul3A_318] : memref<41600000xf32, #tpu.memory_space<hbm>> -> memref<512xf32, #tpu.memory_space<hbm>>
        tpu.enqueue_dma source(%arg13 : memref<512xf32, #tpu.memory_space<vmem>>) target(%dma_start3A_320 : memref<512xf32, #tpu.memory_space<hbm>>) target_semaphore(%run_scoped3A : memref<!tpu.dma_semaphore, #tpu.memory_space<semaphore_mem>>)
        %dma_wait3A_321 = tpu.memref_slice %arg4[%mul3A_318] : memref<41600000xf32, #tpu.memory_space<hbm>> -> memref<512xf32, #tpu.memory_space<hbm>>
        %dma_wait3A_322 = tpu.memref_slice %arg4[%mul3A_318] : memref<41600000xf32, #tpu.memory_space<hbm>> -> memref<512xf32, #tpu.memory_space<hbm>>
        tpu.wait_dma2 semaphore(%run_scoped3A : memref<!tpu.dma_semaphore, #tpu.memory_space<semaphore_mem>>) src(%arg13 : memref<512xf32, #tpu.memory_space<vmem>>) dst(%dma_wait3A_322 : memref<512xf32, #tpu.memory_space<hbm>>)
        tpu.yield
      }) : () -> ()
    } else {
    }
    return
  }
}

#map = affine_map<(d0, d1) -> (0)>
#map1 = affine_map<(d0, d1) -> (0, 0)>
module attributes {stable_mosaic.version = 14 : i64} {
  func.func @_gt_body(%arg0: i32, %arg1: i32, %arg2: memref<425984xi32, #tpu.memory_space<hbm>>, %arg3: memref<425984xf32, #tpu.memory_space<hbm>>, %arg4: memref<2600000x16xf32, #tpu.memory_space<hbm>>, %arg5: memref<16384x442xf32, #tpu.memory_space<hbm>>, %arg6: memref<2x512xi32, #tpu.memory_space<vmem>>, %arg7: memref<2x512x16xf32, #tpu.memory_space<vmem>>, %arg8: memref<512x26xf32, #tpu.memory_space<vmem>>, %arg9: memref<13312xf32, #tpu.memory_space<vmem>>, %arg10: memref<!tpu.dma_semaphore, #tpu.memory_space<semaphore_mem>>, %arg11: memref<!tpu.dma_semaphore, #tpu.memory_space<semaphore_mem>>, %arg12: memref<!tpu.dma_semaphore, #tpu.memory_space<semaphore_mem>>, %arg13: memref<!tpu.dma_semaphore, #tpu.memory_space<semaphore_mem>>, %arg14: memref<!tpu.dma_semaphore, #tpu.memory_space<semaphore_mem>>, %arg15: memref<!tpu.dma_semaphore, #tpu.memory_space<semaphore_mem>>) attributes {dimension_semantics = [#tpu.dimension_semantics<core_parallel>, #tpu.dimension_semantics<subcore_parallel>], iteration_bounds = array<i64: 2, 16>, scalar_prefetch = 0 : i64, scratch_operands = 10 : i64, tpu.core_type = #tpu.core_type<sc_vector_subcore>, window_params = [{transform_indices = #map}, {transform_indices = #map}, {transform_indices = #map1}, {transform_indices = #map1}]} {
    %mul3A = arith.constant 2 : i32
    %mul3A_0 = arith.muli %arg1, %mul3A : i32
    %add3A = arith.addi %mul3A_0, %arg0 : i32
    %mul3A_1 = arith.constant 512 : i32
    %mul3A_2 = arith.muli %add3A, %mul3A_1 : i32
    %mul3A_3 = arith.constant 13312 : i32
    %mul3A_4 = arith.muli %add3A, %mul3A_3 : i32
    "tpu.region"() ({
      %run_scoped3A_123 = tpu.sem_alloc : memref<!tpu.dma_semaphore, #tpu.memory_space<semaphore_mem>>
      %dma_start3A_124 = tpu.memref_slice %arg3[%mul3A_4] : memref<425984xf32, #tpu.memory_space<hbm>> -> memref<13312xf32, #tpu.memory_space<hbm>>
      %dma_start3A_125 = tpu.memref_slice %arg3[%mul3A_4] : memref<425984xf32, #tpu.memory_space<hbm>> -> memref<13312xf32, #tpu.memory_space<hbm>>
      tpu.enqueue_dma source(%dma_start3A_125 : memref<13312xf32, #tpu.memory_space<hbm>>) target(%arg9 : memref<13312xf32, #tpu.memory_space<vmem>>) target_semaphore(%run_scoped3A_123 : memref<!tpu.dma_semaphore, #tpu.memory_space<semaphore_mem>>)
      %dma_wait3A_126 = tpu.memref_slice %arg3[%mul3A_4] : memref<425984xf32, #tpu.memory_space<hbm>> -> memref<13312xf32, #tpu.memory_space<hbm>>
      %dma_wait3A_127 = tpu.memref_slice %arg3[%mul3A_4] : memref<425984xf32, #tpu.memory_space<hbm>> -> memref<13312xf32, #tpu.memory_space<hbm>>
      tpu.wait_dma2 semaphore(%run_scoped3A_123 : memref<!tpu.dma_semaphore, #tpu.memory_space<semaphore_mem>>) src(%dma_wait3A_127 : memref<13312xf32, #tpu.memory_space<hbm>>) dst(%arg9 : memref<13312xf32, #tpu.memory_space<vmem>>)
      tpu.yield
    }) : () -> ()
    %parallel_loop3A = arith.constant 0 : i32
    %parallel_loop3A_5 = arith.constant 512 : i32
    %parallel_loop3A_6 = arith.constant 1 : i32
    scf.for %parallel_loop3A_123 = %parallel_loop3A to %parallel_loop3A_5 step %parallel_loop3A_6  : i32 {
      %parallel_loop3A_124 = arith.constant 26 : i32
      %parallel_loop3A_125 = arith.muli %parallel_loop3A_123, %parallel_loop3A_124 : i32
      %parallel_loop3A_126 = arith.index_cast %parallel_loop3A_125 : i32 to index
      %parallel_loop3A_127 = tpu.vector_load %arg9[%parallel_loop3A_126] {strides = array<i32>} : memref<13312xf32, #tpu.memory_space<vmem>>, vector<16xf32>,
      %parallel_loop3A_128 = arith.index_cast %parallel_loop3A_123 : i32 to index
      %parallel_loop3A_129 = arith.constant 0 : index
      %parallel_loop3A_130 = tpu.vector_load %arg8[%parallel_loop3A_128, %parallel_loop3A_129] {strides = array<i32>} : memref<512x26xf32, #tpu.memory_space<vmem>>, vector<16xf32>,
      tpu.vector_store %arg8[%parallel_loop3A_128, %parallel_loop3A_129], %parallel_loop3A_127 {strides = array<i32>} : memref<512x26xf32, #tpu.memory_space<vmem>>, vector<16xf32>,
      %parallel_loop3A_131 = arith.constant 26 : i32
      %parallel_loop3A_132 = arith.muli %parallel_loop3A_123, %parallel_loop3A_131 : i32
      %parallel_loop3A_133 = arith.constant 10 : i32
      %parallel_loop3A_134 = arith.addi %parallel_loop3A_132, %parallel_loop3A_133 : i32
      %parallel_loop3A_135 = arith.index_cast %parallel_loop3A_134 : i32 to index
      %parallel_loop3A_136 = tpu.vector_load %arg9[%parallel_loop3A_135] {strides = array<i32>} : memref<13312xf32, #tpu.memory_space<vmem>>, vector<16xf32>,
      %parallel_loop3A_137 = arith.index_cast %parallel_loop3A_123 : i32 to index
      %parallel_loop3A_138 = arith.constant 10 : index
      %parallel_loop3A_139 = tpu.vector_load %arg8[%parallel_loop3A_137, %parallel_loop3A_138] {strides = array<i32>} : memref<512x26xf32, #tpu.memory_space<vmem>>, vector<16xf32>,
      tpu.vector_store %arg8[%parallel_loop3A_137, %parallel_loop3A_138], %parallel_loop3A_136 {strides = array<i32>} : memref<512x26xf32, #tpu.memory_space<vmem>>, vector<16xf32>,
    } {sc.loop_unroll_factor = 4 : i64, sc.parallel_access}
    "tpu.region"() ({
      %run_scoped3A_123 = tpu.sem_alloc : memref<!tpu.dma_semaphore, #tpu.memory_space<semaphore_mem>>
      %dma_start3A_124 = arith.constant 416 : i32
      %dma_start3A_125 = tpu.memref_slice %arg5[%mul3A_2, %dma_start3A_124] : memref<16384x442xf32, #tpu.memory_space<hbm>> -> memref<512x26xf32, #tpu.memory_space<hbm>>
      %dma_start3A_126 = arith.constant 416 : i32
      %dma_start3A_127 = tpu.memref_slice %arg5[%mul3A_2, %dma_start3A_126] : memref<16384x442xf32, #tpu.memory_space<hbm>> -> memref<512x26xf32, #tpu.memory_space<hbm>>
      tpu.enqueue_dma source(%arg8 : memref<512x26xf32, #tpu.memory_space<vmem>>) target(%dma_start3A_127 : memref<512x26xf32, #tpu.memory_space<hbm>>) target_semaphore(%run_scoped3A_123 : memref<!tpu.dma_semaphore, #tpu.memory_space<semaphore_mem>>)
      %dma_wait3A_128 = arith.constant 416 : i32
      %dma_wait3A_129 = tpu.memref_slice %arg5[%mul3A_2, %dma_wait3A_128] : memref<16384x442xf32, #tpu.memory_space<hbm>> -> memref<512x26xf32, #tpu.memory_space<hbm>>
      %dma_wait3A_130 = arith.constant 416 : i32
      %dma_wait3A_131 = tpu.memref_slice %arg5[%mul3A_2, %dma_wait3A_130] : memref<16384x442xf32, #tpu.memory_space<hbm>> -> memref<512x26xf32, #tpu.memory_space<hbm>>
      tpu.wait_dma2 semaphore(%run_scoped3A_123 : memref<!tpu.dma_semaphore, #tpu.memory_space<semaphore_mem>>) src(%arg8 : memref<512x26xf32, #tpu.memory_space<vmem>>) dst(%dma_wait3A_131 : memref<512x26xf32, #tpu.memory_space<hbm>>)
      tpu.yield
    }) : () -> ()
    %mul3A_7 = arith.constant 13312 : i32
    %mul3A_8 = arith.muli %add3A, %mul3A_7 : i32
    %add3A_9 = arith.constant 0 : i32
    %add3A_10 = arith.addi %mul3A_8, %add3A_9 : i32
    %mul3A_11 = arith.constant 13312 : i32
    %mul3A_12 = arith.muli %add3A, %mul3A_11 : i32
    %add3A_13 = arith.constant 6656 : i32
    %add3A_14 = arith.addi %mul3A_12, %add3A_13 : i32
    %add3A_15 = arith.constant 0 : i32
    %add3A_16 = arith.addi %add3A_14, %add3A_15 : i32
    %run_scoped3A = arith.constant 0 : i32
    "tpu.region"() ({
      %run_scoped3A_123 = tpu.sem_alloc : memref<!tpu.dma_semaphore, #tpu.memory_space<semaphore_mem>>
      %dma_start3A_124 = arith.constant 0 : i32
      %dma_start3A_125 = tpu.memref_slice %arg6[%run_scoped3A, %dma_start3A_124] : memref<2x512xi32, #tpu.memory_space<vmem>> -> memref<1x256xi32, #tpu.memory_space<vmem>>
      %dma_start3A_126 = tpu.memref_squeeze %dma_start3A_125 : memref<1x256xi32, #tpu.memory_space<vmem>> -> memref<256xi32, #tpu.memory_space<vmem>>
      %dma_start3A_127 = tpu.memref_slice %arg2[%add3A_10] : memref<425984xi32, #tpu.memory_space<hbm>> -> memref<256xi32, #tpu.memory_space<hbm>>
      %dma_start3A_128 = arith.constant 0 : i32
      %dma_start3A_129 = tpu.memref_slice %arg6[%run_scoped3A, %dma_start3A_128] : memref<2x512xi32, #tpu.memory_space<vmem>> -> memref<1x256xi32, #tpu.memory_space<vmem>>
      %dma_start3A_130 = tpu.memref_squeeze %dma_start3A_129 : memref<1x256xi32, #tpu.memory_space<vmem>> -> memref<256xi32, #tpu.memory_space<vmem>>
      %dma_start3A_131 = tpu.memref_slice %arg2[%add3A_10] : memref<425984xi32, #tpu.memory_space<hbm>> -> memref<256xi32, #tpu.memory_space<hbm>>
      tpu.enqueue_dma source(%dma_start3A_131 : memref<256xi32, #tpu.memory_space<hbm>>) target(%dma_start3A_130 : memref<256xi32, #tpu.memory_space<vmem>>) target_semaphore(%run_scoped3A_123 : memref<!tpu.dma_semaphore, #tpu.memory_space<semaphore_mem>>)
      %dma_wait3A_132 = arith.constant 0 : i32
      %dma_wait3A_133 = tpu.memref_slice %arg6[%run_scoped3A, %dma_wait3A_132] : memref<2x512xi32, #tpu.memory_space<vmem>> -> memref<1x256xi32, #tpu.memory_space<vmem>>
      %dma_wait3A_134 = tpu.memref_squeeze %dma_wait3A_133 : memref<1x256xi32, #tpu.memory_space<vmem>> -> memref<256xi32, #tpu.memory_space<vmem>>
      %dma_wait3A_135 = tpu.memref_slice %arg2[%add3A_10] : memref<425984xi32, #tpu.memory_space<hbm>> -> memref<256xi32, #tpu.memory_space<hbm>>
      %dma_wait3A_136 = arith.constant 0 : i32
      %dma_wait3A_137 = tpu.memref_slice %arg6[%run_scoped3A, %dma_wait3A_136] : memref<2x512xi32, #tpu.memory_space<vmem>> -> memref<1x256xi32, #tpu.memory_space<vmem>>
      %dma_wait3A_138 = tpu.memref_squeeze %dma_wait3A_137 : memref<1x256xi32, #tpu.memory_space<vmem>> -> memref<256xi32, #tpu.memory_space<vmem>>
      %dma_wait3A_139 = tpu.memref_slice %arg2[%add3A_10] : memref<425984xi32, #tpu.memory_space<hbm>> -> memref<256xi32, #tpu.memory_space<hbm>>
      tpu.wait_dma2 semaphore(%run_scoped3A_123 : memref<!tpu.dma_semaphore, #tpu.memory_space<semaphore_mem>>) src(%dma_wait3A_139 : memref<256xi32, #tpu.memory_space<hbm>>) dst(%dma_wait3A_138 : memref<256xi32, #tpu.memory_space<vmem>>)
      tpu.yield
    }) : () -> ()
    %run_scoped3A_17 = arith.constant 0 : i32
    "tpu.region"() ({
      %run_scoped3A_123 = tpu.sem_alloc : memref<!tpu.dma_semaphore, #tpu.memory_space<semaphore_mem>>
      %dma_start3A_124 = arith.constant 256 : i32
      %dma_start3A_125 = tpu.memref_slice %arg6[%run_scoped3A_17, %dma_start3A_124] : memref<2x512xi32, #tpu.memory_space<vmem>> -> memref<1x256xi32, #tpu.memory_space<vmem>>
      %dma_start3A_126 = tpu.memref_squeeze %dma_start3A_125 : memref<1x256xi32, #tpu.memory_space<vmem>> -> memref<256xi32, #tpu.memory_space<vmem>>
      %dma_start3A_127 = tpu.memref_slice %arg2[%add3A_16] : memref<425984xi32, #tpu.memory_space<hbm>> -> memref<256xi32, #tpu.memory_space<hbm>>
      %dma_start3A_128 = arith.constant 256 : i32
      %dma_start3A_129 = tpu.memref_slice %arg6[%run_scoped3A_17, %dma_start3A_128] : memref<2x512xi32, #tpu.memory_space<vmem>> -> memref<1x256xi32, #tpu.memory_space<vmem>>
      %dma_start3A_130 = tpu.memref_squeeze %dma_start3A_129 : memref<1x256xi32, #tpu.memory_space<vmem>> -> memref<256xi32, #tpu.memory_space<vmem>>
      %dma_start3A_131 = tpu.memref_slice %arg2[%add3A_16] : memref<425984xi32, #tpu.memory_space<hbm>> -> memref<256xi32, #tpu.memory_space<hbm>>
      tpu.enqueue_dma source(%dma_start3A_131 : memref<256xi32, #tpu.memory_space<hbm>>) target(%dma_start3A_130 : memref<256xi32, #tpu.memory_space<vmem>>) target_semaphore(%run_scoped3A_123 : memref<!tpu.dma_semaphore, #tpu.memory_space<semaphore_mem>>)
      %dma_wait3A_132 = arith.constant 256 : i32
      %dma_wait3A_133 = tpu.memref_slice %arg6[%run_scoped3A_17, %dma_wait3A_132] : memref<2x512xi32, #tpu.memory_space<vmem>> -> memref<1x256xi32, #tpu.memory_space<vmem>>
      %dma_wait3A_134 = tpu.memref_squeeze %dma_wait3A_133 : memref<1x256xi32, #tpu.memory_space<vmem>> -> memref<256xi32, #tpu.memory_space<vmem>>
      %dma_wait3A_135 = tpu.memref_slice %arg2[%add3A_16] : memref<425984xi32, #tpu.memory_space<hbm>> -> memref<256xi32, #tpu.memory_space<hbm>>
      %dma_wait3A_136 = arith.constant 256 : i32
      %dma_wait3A_137 = tpu.memref_slice %arg6[%run_scoped3A_17, %dma_wait3A_136] : memref<2x512xi32, #tpu.memory_space<vmem>> -> memref<1x256xi32, #tpu.memory_space<vmem>>
      %dma_wait3A_138 = tpu.memref_squeeze %dma_wait3A_137 : memref<1x256xi32, #tpu.memory_space<vmem>> -> memref<256xi32, #tpu.memory_space<vmem>>
      %dma_wait3A_139 = tpu.memref_slice %arg2[%add3A_16] : memref<425984xi32, #tpu.memory_space<hbm>> -> memref<256xi32, #tpu.memory_space<hbm>>
      tpu.wait_dma2 semaphore(%run_scoped3A_123 : memref<!tpu.dma_semaphore, #tpu.memory_space<semaphore_mem>>) src(%dma_wait3A_139 : memref<256xi32, #tpu.memory_space<hbm>>) dst(%dma_wait3A_138 : memref<256xi32, #tpu.memory_space<vmem>>)
      tpu.yield
    }) : () -> ()
    %dma_start3A = arith.constant 0 : i32
    %dma_start3A_18 = arith.constant 0 : i32
    %dma_start3A_19 = arith.constant 0 : i32
    %dma_start3A_20 = arith.constant 0 : i32
    %dma_start3A_21 = tpu.memref_slice %arg7[%dma_start3A_18, %dma_start3A_19, %dma_start3A_20] : memref<2x512x16xf32, #tpu.memory_space<vmem>> -> memref<1x128x16xf32, #tpu.memory_space<vmem>>
    %dma_start3A_22 = tpu.memref_squeeze %dma_start3A_21 : memref<1x128x16xf32, #tpu.memory_space<vmem>> -> memref<128x16xf32, #tpu.memory_space<vmem>>
    %dma_start3A_23 = arith.constant 0 : i32
    %dma_start3A_24 = tpu.memref_slice %arg6[%dma_start3A, %dma_start3A_23] : memref<2x512xi32, #tpu.memory_space<vmem>> -> memref<1x128xi32, #tpu.memory_space<vmem>>
    %dma_start3A_25 = tpu.memref_squeeze %dma_start3A_24 : memref<1x128xi32, #tpu.memory_space<vmem>> -> memref<128xi32, #tpu.memory_space<vmem>>
    %dma_start3A_26 = arith.constant 0 : i32
    %dma_start3A_27 = arith.constant 0 : i32
    %dma_start3A_28 = tpu.memref_slice %arg4[%dma_start3A_26, %dma_start3A_27] : memref<2600000x16xf32, #tpu.memory_space<hbm>> -> memref<2600000x16xf32, #tpu.memory_space<hbm>>
    tpu.enqueue_indirect_dma source(%dma_start3A_28 : memref<2600000x16xf32, #tpu.memory_space<hbm>>) target(%dma_start3A_22 : memref<128x16xf32, #tpu.memory_space<vmem>>) offsets(%dma_start3A_25 : memref<128xi32, #tpu.memory_space<vmem>>) semaphore(%arg12 : memref<!tpu.dma_semaphore, #tpu.memory_space<semaphore_mem>>)
    %dma_start3A_29 = arith.constant 0 : i32
    %dma_start3A_30 = arith.constant 0 : i32
    %dma_start3A_31 = arith.constant 128 : i32
    %dma_start3A_32 = arith.constant 0 : i32
    %dma_start3A_33 = tpu.memref_slice %arg7[%dma_start3A_30, %dma_start3A_31, %dma_start3A_32] : memref<2x512x16xf32, #tpu.memory_space<vmem>> -> memref<1x128x16xf32, #tpu.memory_space<vmem>>
    %dma_start3A_34 = tpu.memref_squeeze %dma_start3A_33 : memref<1x128x16xf32, #tpu.memory_space<vmem>> -> memref<128x16xf32, #tpu.memory_space<vmem>>
    %dma_start3A_35 = arith.constant 128 : i32
    %dma_start3A_36 = tpu.memref_slice %arg6[%dma_start3A_29, %dma_start3A_35] : memref<2x512xi32, #tpu.memory_space<vmem>> -> memref<1x128xi32, #tpu.memory_space<vmem>>
    %dma_start3A_37 = tpu.memref_squeeze %dma_start3A_36 : memref<1x128xi32, #tpu.memory_space<vmem>> -> memref<128xi32, #tpu.memory_space<vmem>>
    %dma_start3A_38 = arith.constant 0 : i32
    %dma_start3A_39 = arith.constant 0 : i32
    %dma_start3A_40 = tpu.memref_slice %arg4[%dma_start3A_38, %dma_start3A_39] : memref<2600000x16xf32, #tpu.memory_space<hbm>> -> memref<2600000x16xf32, #tpu.memory_space<hbm>>
    tpu.enqueue_indirect_dma source(%dma_start3A_40 : memref<2600000x16xf32, #tpu.memory_space<hbm>>) target(%dma_start3A_34 : memref<128x16xf32, #tpu.memory_space<vmem>>) offsets(%dma_start3A_37 : memref<128xi32, #tpu.memory_space<vmem>>) semaphore(%arg12 : memref<!tpu.dma_semaphore, #tpu.memory_space<semaphore_mem>>)
    %dma_start3A_41 = arith.constant 0 : i32
    %dma_start3A_42 = arith.constant 0 : i32
    %dma_start3A_43 = arith.constant 256 : i32
    %dma_start3A_44 = arith.constant 0 : i32
    %dma_start3A_45 = tpu.memref_slice %arg7[%dma_start3A_42, %dma_start3A_43, %dma_start3A_44] : memref<2x512x16xf32, #tpu.memory_space<vmem>> -> memref<1x128x16xf32, #tpu.memory_space<vmem>>
    %dma_start3A_46 = tpu.memref_squeeze %dma_start3A_45 : memref<1x128x16xf32, #tpu.memory_space<vmem>> -> memref<128x16xf32, #tpu.memory_space<vmem>>
    %dma_start3A_47 = arith.constant 256 : i32
    %dma_start3A_48 = tpu.memref_slice %arg6[%dma_start3A_41, %dma_start3A_47] : memref<2x512xi32, #tpu.memory_space<vmem>> -> memref<1x128xi32, #tpu.memory_space<vmem>>
    %dma_start3A_49 = tpu.memref_squeeze %dma_start3A_48 : memref<1x128xi32, #tpu.memory_space<vmem>> -> memref<128xi32, #tpu.memory_space<vmem>>
    %dma_start3A_50 = arith.constant 0 : i32
    %dma_start3A_51 = arith.constant 0 : i32
    %dma_start3A_52 = tpu.memref_slice %arg4[%dma_start3A_50, %dma_start3A_51] : memref<2600000x16xf32, #tpu.memory_space<hbm>> -> memref<2600000x16xf32, #tpu.memory_space<hbm>>
    tpu.enqueue_indirect_dma source(%dma_start3A_52 : memref<2600000x16xf32, #tpu.memory_space<hbm>>) target(%dma_start3A_46 : memref<128x16xf32, #tpu.memory_space<vmem>>) offsets(%dma_start3A_49 : memref<128xi32, #tpu.memory_space<vmem>>) semaphore(%arg12 : memref<!tpu.dma_semaphore, #tpu.memory_space<semaphore_mem>>)
    %dma_start3A_53 = arith.constant 0 : i32
    %dma_start3A_54 = arith.constant 0 : i32
    %dma_start3A_55 = arith.constant 384 : i32
    %dma_start3A_56 = arith.constant 0 : i32
    %dma_start3A_57 = tpu.memref_slice %arg7[%dma_start3A_54, %dma_start3A_55, %dma_start3A_56] : memref<2x512x16xf32, #tpu.memory_space<vmem>> -> memref<1x128x16xf32, #tpu.memory_space<vmem>>
    %dma_start3A_58 = tpu.memref_squeeze %dma_start3A_57 : memref<1x128x16xf32, #tpu.memory_space<vmem>> -> memref<128x16xf32, #tpu.memory_space<vmem>>
    %dma_start3A_59 = arith.constant 384 : i32
    %dma_start3A_60 = tpu.memref_slice %arg6[%dma_start3A_53, %dma_start3A_59] : memref<2x512xi32, #tpu.memory_space<vmem>> -> memref<1x128xi32, #tpu.memory_space<vmem>>
    %dma_start3A_61 = tpu.memref_squeeze %dma_start3A_60 : memref<1x128xi32, #tpu.memory_space<vmem>> -> memref<128xi32, #tpu.memory_space<vmem>>
    %dma_start3A_62 = arith.constant 0 : i32
    %dma_start3A_63 = arith.constant 0 : i32
    %dma_start3A_64 = tpu.memref_slice %arg4[%dma_start3A_62, %dma_start3A_63] : memref<2600000x16xf32, #tpu.memory_space<hbm>> -> memref<2600000x16xf32, #tpu.memory_space<hbm>>
    tpu.enqueue_indirect_dma source(%dma_start3A_64 : memref<2600000x16xf32, #tpu.memory_space<hbm>>) target(%dma_start3A_58 : memref<128x16xf32, #tpu.memory_space<vmem>>) offsets(%dma_start3A_61 : memref<128xi32, #tpu.memory_space<vmem>>) semaphore(%arg12 : memref<!tpu.dma_semaphore, #tpu.memory_space<semaphore_mem>>)
    %mul3A_65 = arith.constant 13312 : i32
    %mul3A_66 = arith.muli %add3A, %mul3A_65 : i32
    %add3A_67 = arith.constant 256 : i32
    %add3A_68 = arith.addi %mul3A_66, %add3A_67 : i32
    %mul3A_69 = arith.constant 13312 : i32
    %mul3A_70 = arith.muli %add3A, %mul3A_69 : i32
    %add3A_71 = arith.constant 6656 : i32
    %add3A_72 = arith.addi %mul3A_70, %add3A_71 : i32
    %add3A_73 = arith.constant 256 : i32
    %add3A_74 = arith.addi %add3A_72, %add3A_73 : i32
    %dma_start3A_75 = arith.constant 1 : i32
    %dma_start3A_76 = arith.constant 0 : i32
    %dma_start3A_77 = tpu.memref_slice %arg6[%dma_start3A_75, %dma_start3A_76] : memref<2x512xi32, #tpu.memory_space<vmem>> -> memref<1x256xi32, #tpu.memory_space<vmem>>
    %dma_start3A_78 = tpu.memref_squeeze %dma_start3A_77 : memref<1x256xi32, #tpu.memory_space<vmem>> -> memref<256xi32, #tpu.memory_space<vmem>>
    %dma_start3A_79 = tpu.memref_slice %arg2[%add3A_68] : memref<425984xi32, #tpu.memory_space<hbm>> -> memref<256xi32, #tpu.memory_space<hbm>>
    %dma_start3A_80 = arith.constant 0 : i32
    %dma_start3A_81 = tpu.memref_slice %arg6[%dma_start3A_75, %dma_start3A_80] : memref<2x512xi32, #tpu.memory_space<vmem>> -> memref<1x256xi32, #tpu.memory_space<vmem>>
    %dma_start3A_82 = tpu.memref_squeeze %dma_start3A_81 : memref<1x256xi32, #tpu.memory_space<vmem>> -> memref<256xi32, #tpu.memory_space<vmem>>
    %dma_start3A_83 = tpu.memref_slice %arg2[%add3A_68] : memref<425984xi32, #tpu.memory_space<hbm>> -> memref<256xi32, #tpu.memory_space<hbm>>
    tpu.enqueue_dma source(%dma_start3A_83 : memref<256xi32, #tpu.memory_space<hbm>>) target(%dma_start3A_82 : memref<256xi32, #tpu.memory_space<vmem>>) target_semaphore(%arg11 : memref<!tpu.dma_semaphore, #tpu.memory_space<semaphore_mem>>)
    %dma_start3A_84 = arith.constant 1 : i32
    %dma_start3A_85 = arith.constant 256 : i32
    %dma_start3A_86 = tpu.memref_slice %arg6[%dma_start3A_84, %dma_start3A_85] : memref<2x512xi32, #tpu.memory_space<vmem>> -> memref<1x256xi32, #tpu.memory_space<vmem>>
    %dma_start3A_87 = tpu.memref_squeeze %dma_start3A_86 : memref<1x256xi32, #tpu.memory_space<vmem>> -> memref<256xi32, #tpu.memory_space<vmem>>
    %dma_start3A_88 = tpu.memref_slice %arg2[%add3A_74] : memref<425984xi32, #tpu.memory_space<hbm>> -> memref<256xi32, #tpu.memory_space<hbm>>
    %dma_start3A_89 = arith.constant 256 : i32
    %dma_start3A_90 = tpu.memref_slice %arg6[%dma_start3A_84, %dma_start3A_89] : memref<2x512xi32, #tpu.memory_space<vmem>> -> memref<1x256xi32, #tpu.memory_space<vmem>>
    %dma_start3A_91 = tpu.memref_squeeze %dma_start3A_90 : memref<1x256xi32, #tpu.memory_space<vmem>> -> memref<256xi32, #tpu.memory_space<vmem>>
    %dma_start3A_92 = tpu.memref_slice %arg2[%add3A_74] : memref<425984xi32, #tpu.memory_space<hbm>> -> memref<256xi32, #tpu.memory_space<hbm>>
    tpu.enqueue_dma source(%dma_start3A_92 : memref<256xi32, #tpu.memory_space<hbm>>) target(%dma_start3A_91 : memref<256xi32, #tpu.memory_space<vmem>>) target_semaphore(%arg11 : memref<!tpu.dma_semaphore, #tpu.memory_space<semaphore_mem>>)
    %scan3A = arith.constant 0 : i32
    %scan3A_93 = arith.constant 0 : i32
    %scan3A_94 = arith.constant 13 : i32
    %scan3A_95 = arith.addi %scan3A_93, %scan3A_94 : i32
    %scan3A_96 = arith.constant 1 : i32
    scf.for %scan3A_123 = %scan3A_93 to %scan3A_95 step %scan3A_96  : i32 {
      %mul3A_124 = arith.constant 2 : i32
      %mul3A_125 = arith.muli %scan3A_123, %mul3A_124 : i32
      %add3A_126 = arith.constant 0 : i32
      %add3A_127 = arith.addi %mul3A_125, %add3A_126 : i32
      %dma_wait3A_128 = arith.constant 0 : i32
      %dma_wait3A_129 = arith.constant 0 : i32
      %dma_wait3A_130 = arith.constant 0 : i32
      %dma_wait3A_131 = arith.constant 0 : i32
      %dma_wait3A_132 = tpu.memref_slice %arg7[%dma_wait3A_129, %dma_wait3A_130, %dma_wait3A_131] : memref<2x512x16xf32, #tpu.memory_space<vmem>> -> memref<1x128x16xf32, #tpu.memory_space<vmem>>
      %dma_wait3A_133 = tpu.memref_squeeze %dma_wait3A_132 : memref<1x128x16xf32, #tpu.memory_space<vmem>> -> memref<128x16xf32, #tpu.memory_space<vmem>>
      %dma_wait3A_134 = arith.constant 0 : i32
      %dma_wait3A_135 = tpu.memref_slice %arg6[%dma_wait3A_128, %dma_wait3A_134] : memref<2x512xi32, #tpu.memory_space<vmem>> -> memref<1x128xi32, #tpu.memory_space<vmem>>
      %dma_wait3A_136 = tpu.memref_squeeze %dma_wait3A_135 : memref<1x128xi32, #tpu.memory_space<vmem>> -> memref<128xi32, #tpu.memory_space<vmem>>
      %dma_wait3A_137 = arith.constant 0 : i32
      %dma_wait3A_138 = arith.constant 0 : i32
      %dma_wait3A_139 = tpu.memref_slice %arg4[%dma_wait3A_137, %dma_wait3A_138] : memref<2600000x16xf32, #tpu.memory_space<hbm>> -> memref<2600000x16xf32, #tpu.memory_space<hbm>>
      tpu.wait_indirect_dma semaphore(%arg12 : memref<!tpu.dma_semaphore, #tpu.memory_space<semaphore_mem>>) src(%dma_wait3A_139 : memref<2600000x16xf32, #tpu.memory_space<hbm>>) dst(%dma_wait3A_133 : memref<128x16xf32, #tpu.memory_space<vmem>>)
      %dma_wait3A_140 = arith.constant 0 : i32
      %dma_wait3A_141 = arith.constant 0 : i32
      %dma_wait3A_142 = arith.constant 0 : i32
      %dma_wait3A_143 = arith.constant 0 : i32
      %dma_wait3A_144 = tpu.memref_slice %arg7[%dma_wait3A_141, %dma_wait3A_142, %dma_wait3A_143] : memref<2x512x16xf32, #tpu.memory_space<vmem>> -> memref<1x128x16xf32, #tpu.memory_space<vmem>>
      %dma_wait3A_145 = tpu.memref_squeeze %dma_wait3A_144 : memref<1x128x16xf32, #tpu.memory_space<vmem>> -> memref<128x16xf32, #tpu.memory_space<vmem>>
      %dma_wait3A_146 = arith.constant 0 : i32
      %dma_wait3A_147 = tpu.memref_slice %arg6[%dma_wait3A_140, %dma_wait3A_146] : memref<2x512xi32, #tpu.memory_space<vmem>> -> memref<1x128xi32, #tpu.memory_space<vmem>>
      %dma_wait3A_148 = tpu.memref_squeeze %dma_wait3A_147 : memref<1x128xi32, #tpu.memory_space<vmem>> -> memref<128xi32, #tpu.memory_space<vmem>>
      %dma_wait3A_149 = arith.constant 0 : i32
      %dma_wait3A_150 = arith.constant 0 : i32
      %dma_wait3A_151 = tpu.memref_slice %arg4[%dma_wait3A_149, %dma_wait3A_150] : memref<2600000x16xf32, #tpu.memory_space<hbm>> -> memref<2600000x16xf32, #tpu.memory_space<hbm>>
      tpu.wait_indirect_dma semaphore(%arg12 : memref<!tpu.dma_semaphore, #tpu.memory_space<semaphore_mem>>) src(%dma_wait3A_151 : memref<2600000x16xf32, #tpu.memory_space<hbm>>) dst(%dma_wait3A_145 : memref<128x16xf32, #tpu.memory_space<vmem>>)
      %dma_wait3A_152 = arith.constant 0 : i32
      %dma_wait3A_153 = arith.constant 0 : i32
      %dma_wait3A_154 = arith.constant 0 : i32
      %dma_wait3A_155 = arith.constant 0 : i32
      %dma_wait3A_156 = tpu.memref_slice %arg7[%dma_wait3A_153, %dma_wait3A_154, %dma_wait3A_155] : memref<2x512x16xf32, #tpu.memory_space<vmem>> -> memref<1x128x16xf32, #tpu.memory_space<vmem>>
      %dma_wait3A_157 = tpu.memref_squeeze %dma_wait3A_156 : memref<1x128x16xf32, #tpu.memory_space<vmem>> -> memref<128x16xf32, #tpu.memory_space<vmem>>
      %dma_wait3A_158 = arith.constant 0 : i32
      %dma_wait3A_159 = tpu.memref_slice %arg6[%dma_wait3A_152, %dma_wait3A_158] : memref<2x512xi32, #tpu.memory_space<vmem>> -> memref<1x128xi32, #tpu.memory_space<vmem>>
      %dma_wait3A_160 = tpu.memref_squeeze %dma_wait3A_159 : memref<1x128xi32, #tpu.memory_space<vmem>> -> memref<128xi32, #tpu.memory_space<vmem>>
      %dma_wait3A_161 = arith.constant 0 : i32
      %dma_wait3A_162 = arith.constant 0 : i32
      %dma_wait3A_163 = tpu.memref_slice %arg4[%dma_wait3A_161, %dma_wait3A_162] : memref<2600000x16xf32, #tpu.memory_space<hbm>> -> memref<2600000x16xf32, #tpu.memory_space<hbm>>
      tpu.wait_indirect_dma semaphore(%arg12 : memref<!tpu.dma_semaphore, #tpu.memory_space<semaphore_mem>>) src(%dma_wait3A_163 : memref<2600000x16xf32, #tpu.memory_space<hbm>>) dst(%dma_wait3A_157 : memref<128x16xf32, #tpu.memory_space<vmem>>)
      %dma_wait3A_164 = arith.constant 0 : i32
      %dma_wait3A_165 = arith.constant 0 : i32
      %dma_wait3A_166 = arith.constant 0 : i32
      %dma_wait3A_167 = arith.constant 0 : i32
      %dma_wait3A_168 = tpu.memref_slice %arg7[%dma_wait3A_165, %dma_wait3A_166, %dma_wait3A_167] : memref<2x512x16xf32, #tpu.memory_space<vmem>> -> memref<1x128x16xf32, #tpu.memory_space<vmem>>
      %dma_wait3A_169 = tpu.memref_squeeze %dma_wait3A_168 : memref<1x128x16xf32, #tpu.memory_space<vmem>> -> memref<128x16xf32, #tpu.memory_space<vmem>>
      %dma_wait3A_170 = arith.constant 0 : i32
      %dma_wait3A_171 = tpu.memref_slice %arg6[%dma_wait3A_164, %dma_wait3A_170] : memref<2x512xi32, #tpu.memory_space<vmem>> -> memref<1x128xi32, #tpu.memory_space<vmem>>
      %dma_wait3A_172 = tpu.memref_squeeze %dma_wait3A_171 : memref<1x128xi32, #tpu.memory_space<vmem>> -> memref<128xi32, #tpu.memory_space<vmem>>
      %dma_wait3A_173 = arith.constant 0 : i32
      %dma_wait3A_174 = arith.constant 0 : i32
      %dma_wait3A_175 = tpu.memref_slice %arg4[%dma_wait3A_173, %dma_wait3A_174] : memref<2600000x16xf32, #tpu.memory_space<hbm>> -> memref<2600000x16xf32, #tpu.memory_space<hbm>>
      tpu.wait_indirect_dma semaphore(%arg12 : memref<!tpu.dma_semaphore, #tpu.memory_space<semaphore_mem>>) src(%dma_wait3A_175 : memref<2600000x16xf32, #tpu.memory_space<hbm>>) dst(%dma_wait3A_169 : memref<128x16xf32, #tpu.memory_space<vmem>>)
      %mul3A_176 = arith.constant 16 : i32
      %mul3A_177 = arith.muli %add3A_127, %mul3A_176 : i32
      %dma_start3A_178 = arith.constant 0 : i32
      %dma_start3A_179 = arith.constant 0 : i32
      %dma_start3A_180 = arith.constant 0 : i32
      %dma_start3A_181 = tpu.memref_slice %arg7[%dma_start3A_178, %dma_start3A_179, %dma_start3A_180] : memref<2x512x16xf32, #tpu.memory_space<vmem>> -> memref<1x512x16xf32, #tpu.memory_space<vmem>>
      %dma_start3A_182 = tpu.memref_squeeze %dma_start3A_181 : memref<1x512x16xf32, #tpu.memory_space<vmem>> -> memref<512x16xf32, #tpu.memory_space<vmem>>
      %dma_start3A_183 = tpu.memref_slice %arg5[%mul3A_2, %mul3A_177] : memref<16384x442xf32, #tpu.memory_space<hbm>> -> memref<512x16xf32, #tpu.memory_space<hbm>>
      %dma_start3A_184 = tpu.memref_slice %arg5[%mul3A_2, %mul3A_177] : memref<16384x442xf32, #tpu.memory_space<hbm>> -> memref<512x16xf32, #tpu.memory_space<hbm>>
      %dma_start3A_185 = arith.constant 0 : i32
      %dma_start3A_186 = arith.constant 0 : i32
      %dma_start3A_187 = tpu.memref_slice %arg7[%dma_start3A_178, %dma_start3A_185, %dma_start3A_186] : memref<2x512x16xf32, #tpu.memory_space<vmem>> -> memref<1x512x16xf32, #tpu.memory_space<vmem>>
      %dma_start3A_188 = tpu.memref_squeeze %dma_start3A_187 : memref<1x512x16xf32, #tpu.memory_space<vmem>> -> memref<512x16xf32, #tpu.memory_space<vmem>>
      tpu.enqueue_dma source(%dma_start3A_188 : memref<512x16xf32, #tpu.memory_space<vmem>>) target(%dma_start3A_184 : memref<512x16xf32, #tpu.memory_space<hbm>>) target_semaphore(%arg14 : memref<!tpu.dma_semaphore, #tpu.memory_space<semaphore_mem>>)
      %add3A_189 = arith.constant 1 : i32
      %add3A_190 = arith.addi %add3A_127, %add3A_189 : i32
      %lt3A = arith.constant 26 : i32
      %lt3A_191 = arith.cmpi slt, %add3A_190, %lt3A : i32
      %convert_element_type3A = arith.extui %lt3A_191 : i1 to i32
      %cond3A = arith.constant 0 : i32
      %cond3A_192 = arith.cmpi ne, %convert_element_type3A, %cond3A : i32
      scf.if %cond3A_192 {
        %dma_wait3A_279 = arith.constant 1 : i32
        %dma_wait3A_280 = arith.constant 0 : i32
        %dma_wait3A_281 = tpu.memref_slice %arg6[%dma_wait3A_279, %dma_wait3A_280] : memref<2x512xi32, #tpu.memory_space<vmem>> -> memref<1x256xi32, #tpu.memory_space<vmem>>
        %dma_wait3A_282 = tpu.memref_squeeze %dma_wait3A_281 : memref<1x256xi32, #tpu.memory_space<vmem>> -> memref<256xi32, #tpu.memory_space<vmem>>
        %dma_wait3A_283 = arith.constant 0 : i32
        %dma_wait3A_284 = tpu.memref_slice %arg2[%dma_wait3A_283] : memref<425984xi32, #tpu.memory_space<hbm>> -> memref<256xi32, #tpu.memory_space<hbm>>
        %dma_wait3A_285 = arith.constant 0 : i32
        %dma_wait3A_286 = tpu.memref_slice %arg6[%dma_wait3A_279, %dma_wait3A_285] : memref<2x512xi32, #tpu.memory_space<vmem>> -> memref<1x256xi32, #tpu.memory_space<vmem>>
        %dma_wait3A_287 = tpu.memref_squeeze %dma_wait3A_286 : memref<1x256xi32, #tpu.memory_space<vmem>> -> memref<256xi32, #tpu.memory_space<vmem>>
        %dma_wait3A_288 = arith.constant 0 : i32
        %dma_wait3A_289 = tpu.memref_slice %arg2[%dma_wait3A_288] : memref<425984xi32, #tpu.memory_space<hbm>> -> memref<256xi32, #tpu.memory_space<hbm>>
        tpu.wait_dma2 semaphore(%arg11 : memref<!tpu.dma_semaphore, #tpu.memory_space<semaphore_mem>>) src(%dma_wait3A_289 : memref<256xi32, #tpu.memory_space<hbm>>) dst(%dma_wait3A_287 : memref<256xi32, #tpu.memory_space<vmem>>)
        %dma_wait3A_290 = arith.constant 1 : i32
        %dma_wait3A_291 = arith.constant 0 : i32
        %dma_wait3A_292 = tpu.memref_slice %arg6[%dma_wait3A_290, %dma_wait3A_291] : memref<2x512xi32, #tpu.memory_space<vmem>> -> memref<1x256xi32, #tpu.memory_space<vmem>>
        %dma_wait3A_293 = tpu.memref_squeeze %dma_wait3A_292 : memref<1x256xi32, #tpu.memory_space<vmem>> -> memref<256xi32, #tpu.memory_space<vmem>>
        %dma_wait3A_294 = arith.constant 0 : i32
        %dma_wait3A_295 = tpu.memref_slice %arg2[%dma_wait3A_294] : memref<425984xi32, #tpu.memory_space<hbm>> -> memref<256xi32, #tpu.memory_space<hbm>>
        %dma_wait3A_296 = arith.constant 0 : i32
        %dma_wait3A_297 = tpu.memref_slice %arg6[%dma_wait3A_290, %dma_wait3A_296] : memref<2x512xi32, #tpu.memory_space<vmem>> -> memref<1x256xi32, #tpu.memory_space<vmem>>
        %dma_wait3A_298 = tpu.memref_squeeze %dma_wait3A_297 : memref<1x256xi32, #tpu.memory_space<vmem>> -> memref<256xi32, #tpu.memory_space<vmem>>
        %dma_wait3A_299 = arith.constant 0 : i32
        %dma_wait3A_300 = tpu.memref_slice %arg2[%dma_wait3A_299] : memref<425984xi32, #tpu.memory_space<hbm>> -> memref<256xi32, #tpu.memory_space<hbm>>
        tpu.wait_dma2 semaphore(%arg11 : memref<!tpu.dma_semaphore, #tpu.memory_space<semaphore_mem>>) src(%dma_wait3A_300 : memref<256xi32, #tpu.memory_space<hbm>>) dst(%dma_wait3A_298 : memref<256xi32, #tpu.memory_space<vmem>>)
        %ge3A = arith.constant 1 : i32
        %ge3A_301 = arith.cmpi sge, %add3A_127, %ge3A : i32
        %convert_element_type3A_302 = arith.extui %ge3A_301 : i1 to i32
        %cond3A_303 = arith.constant 0 : i32
        %cond3A_304 = arith.cmpi ne, %convert_element_type3A_302, %cond3A_303 : i32
        scf.if %cond3A_304 {
          %dma_wait3A_353 = arith.constant 1 : i32
          %dma_wait3A_354 = arith.constant 0 : i32
          %dma_wait3A_355 = arith.constant 0 : i32
          %dma_wait3A_356 = tpu.memref_slice %arg7[%dma_wait3A_353, %dma_wait3A_354, %dma_wait3A_355] : memref<2x512x16xf32, #tpu.memory_space<vmem>> -> memref<1x512x16xf32, #tpu.memory_space<vmem>>
          %dma_wait3A_357 = tpu.memref_squeeze %dma_wait3A_356 : memref<1x512x16xf32, #tpu.memory_space<vmem>> -> memref<512x16xf32, #tpu.memory_space<vmem>>
          %dma_wait3A_358 = arith.constant 0 : i32
          %dma_wait3A_359 = tpu.memref_slice %arg5[%mul3A_2, %dma_wait3A_358] : memref<16384x442xf32, #tpu.memory_space<hbm>> -> memref<512x16xf32, #tpu.memory_space<hbm>>
          %dma_wait3A_360 = arith.constant 0 : i32
          %dma_wait3A_361 = tpu.memref_slice %arg5[%mul3A_2, %dma_wait3A_360] : memref<16384x442xf32, #tpu.memory_space<hbm>> -> memref<512x16xf32, #tpu.memory_space<hbm>>
          %dma_wait3A_362 = arith.constant 0 : i32
          %dma_wait3A_363 = arith.constant 0 : i32
          %dma_wait3A_364 = tpu.memref_slice %arg7[%dma_wait3A_353, %dma_wait3A_362, %dma_wait3A_363] : memref<2x512x16xf32, #tpu.memory_space<vmem>> -> memref<1x512x16xf32, #tpu.memory_space<vmem>>
          %dma_wait3A_365 = tpu.memref_squeeze %dma_wait3A_364 : memref<1x512x16xf32, #tpu.memory_space<vmem>> -> memref<512x16xf32, #tpu.memory_space<vmem>>
          tpu.wait_dma2 semaphore(%arg15 : memref<!tpu.dma_semaphore, #tpu.memory_space<semaphore_mem>>) src(%dma_wait3A_365 : memref<512x16xf32, #tpu.memory_space<vmem>>) dst(%dma_wait3A_361 : memref<512x16xf32, #tpu.memory_space<hbm>>)
        } else {
        }
        %dma_start3A_305 = arith.constant 1 : i32
        %dma_start3A_306 = arith.constant 1 : i32
        %dma_start3A_307 = arith.constant 0 : i32
        %dma_start3A_308 = arith.constant 0 : i32
        %dma_start3A_309 = tpu.memref_slice %arg7[%dma_start3A_306, %dma_start3A_307, %dma_start3A_308] : memref<2x512x16xf32, #tpu.memory_space<vmem>> -> memref<1x128x16xf32, #tpu.memory_space<vmem>>
        %dma_start3A_310 = tpu.memref_squeeze %dma_start3A_309 : memref<1x128x16xf32, #tpu.memory_space<vmem>> -> memref<128x16xf32, #tpu.memory_space<vmem>>
        %dma_start3A_311 = arith.constant 0 : i32
        %dma_start3A_312 = tpu.memref_slice %arg6[%dma_start3A_305, %dma_start3A_311] : memref<2x512xi32, #tpu.memory_space<vmem>> -> memref<1x128xi32, #tpu.memory_space<vmem>>
        %dma_start3A_313 = tpu.memref_squeeze %dma_start3A_312 : memref<1x128xi32, #tpu.memory_space<vmem>> -> memref<128xi32, #tpu.memory_space<vmem>>
        %dma_start3A_314 = arith.constant 0 : i32
        %dma_start3A_315 = arith.constant 0 : i32
        %dma_start3A_316 = tpu.memref_slice %arg4[%dma_start3A_314, %dma_start3A_315] : memref<2600000x16xf32, #tpu.memory_space<hbm>> -> memref<2600000x16xf32, #tpu.memory_space<hbm>>
        tpu.enqueue_indirect_dma source(%dma_start3A_316 : memref<2600000x16xf32, #tpu.memory_space<hbm>>) target(%dma_start3A_310 : memref<128x16xf32, #tpu.memory_space<vmem>>) offsets(%dma_start3A_313 : memref<128xi32, #tpu.memory_space<vmem>>) semaphore(%arg13 : memref<!tpu.dma_semaphore, #tpu.memory_space<semaphore_mem>>)
        %dma_start3A_317 = arith.constant 1 : i32
        %dma_start3A_318 = arith.constant 1 : i32
        %dma_start3A_319 = arith.constant 128 : i32
        %dma_start3A_320 = arith.constant 0 : i32
        %dma_start3A_321 = tpu.memref_slice %arg7[%dma_start3A_318, %dma_start3A_319, %dma_start3A_320] : memref<2x512x16xf32, #tpu.memory_space<vmem>> -> memref<1x128x16xf32, #tpu.memory_space<vmem>>
        %dma_start3A_322 = tpu.memref_squeeze %dma_start3A_321 : memref<1x128x16xf32, #tpu.memory_space<vmem>> -> memref<128x16xf32, #tpu.memory_space<vmem>>
        %dma_start3A_323 = arith.constant 128 : i32
        %dma_start3A_324 = tpu.memref_slice %arg6[%dma_start3A_317, %dma_start3A_323] : memref<2x512xi32, #tpu.memory_space<vmem>> -> memref<1x128xi32, #tpu.memory_space<vmem>>
        %dma_start3A_325 = tpu.memref_squeeze %dma_start3A_324 : memref<1x128xi32, #tpu.memory_space<vmem>> -> memref<128xi32, #tpu.memory_space<vmem>>
        %dma_start3A_326 = arith.constant 0 : i32
        %dma_start3A_327 = arith.constant 0 : i32
        %dma_start3A_328 = tpu.memref_slice %arg4[%dma_start3A_326, %dma_start3A_327] : memref<2600000x16xf32, #tpu.memory_space<hbm>> -> memref<2600000x16xf32, #tpu.memory_space<hbm>>
        tpu.enqueue_indirect_dma source(%dma_start3A_328 : memref<2600000x16xf32, #tpu.memory_space<hbm>>) target(%dma_start3A_322 : memref<128x16xf32, #tpu.memory_space<vmem>>) offsets(%dma_start3A_325 : memref<128xi32, #tpu.memory_space<vmem>>) semaphore(%arg13 : memref<!tpu.dma_semaphore, #tpu.memory_space<semaphore_mem>>)
        %dma_start3A_329 = arith.constant 1 : i32
        %dma_start3A_330 = arith.constant 1 : i32
        %dma_start3A_331 = arith.constant 256 : i32
        %dma_start3A_332 = arith.constant 0 : i32
        %dma_start3A_333 = tpu.memref_slice %arg7[%dma_start3A_330, %dma_start3A_331, %dma_start3A_332] : memref<2x512x16xf32, #tpu.memory_space<vmem>> -> memref<1x128x16xf32, #tpu.memory_space<vmem>>
        %dma_start3A_334 = tpu.memref_squeeze %dma_start3A_333 : memref<1x128x16xf32, #tpu.memory_space<vmem>> -> memref<128x16xf32, #tpu.memory_space<vmem>>
        %dma_start3A_335 = arith.constant 256 : i32
        %dma_start3A_336 = tpu.memref_slice %arg6[%dma_start3A_329, %dma_start3A_335] : memref<2x512xi32, #tpu.memory_space<vmem>> -> memref<1x128xi32, #tpu.memory_space<vmem>>
        %dma_start3A_337 = tpu.memref_squeeze %dma_start3A_336 : memref<1x128xi32, #tpu.memory_space<vmem>> -> memref<128xi32, #tpu.memory_space<vmem>>
        %dma_start3A_338 = arith.constant 0 : i32
        %dma_start3A_339 = arith.constant 0 : i32
        %dma_start3A_340 = tpu.memref_slice %arg4[%dma_start3A_338, %dma_start3A_339] : memref<2600000x16xf32, #tpu.memory_space<hbm>> -> memref<2600000x16xf32, #tpu.memory_space<hbm>>
        tpu.enqueue_indirect_dma source(%dma_start3A_340 : memref<2600000x16xf32, #tpu.memory_space<hbm>>) target(%dma_start3A_334 : memref<128x16xf32, #tpu.memory_space<vmem>>) offsets(%dma_start3A_337 : memref<128xi32, #tpu.memory_space<vmem>>) semaphore(%arg13 : memref<!tpu.dma_semaphore, #tpu.memory_space<semaphore_mem>>)
        %dma_start3A_341 = arith.constant 1 : i32
        %dma_start3A_342 = arith.constant 1 : i32
        %dma_start3A_343 = arith.constant 384 : i32
        %dma_start3A_344 = arith.constant 0 : i32
        %dma_start3A_345 = tpu.memref_slice %arg7[%dma_start3A_342, %dma_start3A_343, %dma_start3A_344] : memref<2x512x16xf32, #tpu.memory_space<vmem>> -> memref<1x128x16xf32, #tpu.memory_space<vmem>>
        %dma_start3A_346 = tpu.memref_squeeze %dma_start3A_345 : memref<1x128x16xf32, #tpu.memory_space<vmem>> -> memref<128x16xf32, #tpu.memory_space<vmem>>
        %dma_start3A_347 = arith.constant 384 : i32
        %dma_start3A_348 = tpu.memref_slice %arg6[%dma_start3A_341, %dma_start3A_347] : memref<2x512xi32, #tpu.memory_space<vmem>> -> memref<1x128xi32, #tpu.memory_space<vmem>>
        %dma_start3A_349 = tpu.memref_squeeze %dma_start3A_348 : memref<1x128xi32, #tpu.memory_space<vmem>> -> memref<128xi32, #tpu.memory_space<vmem>>
        %dma_start3A_350 = arith.constant 0 : i32
        %dma_start3A_351 = arith.constant 0 : i32
        %dma_start3A_352 = tpu.memref_slice %arg4[%dma_start3A_350, %dma_start3A_351] : memref<2600000x16xf32, #tpu.memory_space<hbm>> -> memref<2600000x16xf32, #tpu.memory_space<hbm>>
        tpu.enqueue_indirect_dma source(%dma_start3A_352 : memref<2600000x16xf32, #tpu.memory_space<hbm>>) target(%dma_start3A_346 : memref<128x16xf32, #tpu.memory_space<vmem>>) offsets(%dma_start3A_349 : memref<128xi32, #tpu.memory_space<vmem>>) semaphore(%arg13 : memref<!tpu.dma_semaphore, #tpu.memory_space<semaphore_mem>>)
      } else {
      }
      %add3A_193 = arith.constant 2 : i32
      %add3A_194 = arith.addi %add3A_127, %add3A_193 : i32
      %lt3A_195 = arith.constant 26 : i32
      %lt3A_196 = arith.cmpi slt, %add3A_194, %lt3A_195 : i32
      %convert_element_type3A_197 = arith.extui %lt3A_196 : i1 to i32
      %cond3A_198 = arith.constant 0 : i32
      %cond3A_199 = arith.cmpi ne, %convert_element_type3A_197, %cond3A_198 : i32
      scf.if %cond3A_199 {
        %add3A_279 = arith.constant 2 : i32
        %add3A_280 = arith.addi %add3A_127, %add3A_279 : i32
        %mul3A_281 = arith.constant 13312 : i32
        %mul3A_282 = arith.muli %add3A, %mul3A_281 : i32
        %mul3A_283 = arith.constant 256 : i32
        %mul3A_284 = arith.muli %add3A_280, %mul3A_283 : i32
        %add3A_285 = arith.addi %mul3A_282, %mul3A_284 : i32
        %mul3A_286 = arith.constant 13312 : i32
        %mul3A_287 = arith.muli %add3A, %mul3A_286 : i32
        %add3A_288 = arith.constant 6656 : i32
        %add3A_289 = arith.addi %mul3A_287, %add3A_288 : i32
        %mul3A_290 = arith.constant 256 : i32
        %mul3A_291 = arith.muli %add3A_280, %mul3A_290 : i32
        %add3A_292 = arith.addi %add3A_289, %mul3A_291 : i32
        %dma_start3A_293 = arith.constant 0 : i32
        %dma_start3A_294 = arith.constant 0 : i32
        %dma_start3A_295 = tpu.memref_slice %arg6[%dma_start3A_293, %dma_start3A_294] : memref<2x512xi32, #tpu.memory_space<vmem>> -> memref<1x256xi32, #tpu.memory_space<vmem>>
        %dma_start3A_296 = tpu.memref_squeeze %dma_start3A_295 : memref<1x256xi32, #tpu.memory_space<vmem>> -> memref<256xi32, #tpu.memory_space<vmem>>
        %dma_start3A_297 = tpu.memref_slice %arg2[%add3A_285] : memref<425984xi32, #tpu.memory_space<hbm>> -> memref<256xi32, #tpu.memory_space<hbm>>
        %dma_start3A_298 = arith.constant 0 : i32
        %dma_start3A_299 = tpu.memref_slice %arg6[%dma_start3A_293, %dma_start3A_298] : memref<2x512xi32, #tpu.memory_space<vmem>> -> memref<1x256xi32, #tpu.memory_space<vmem>>
        %dma_start3A_300 = tpu.memref_squeeze %dma_start3A_299 : memref<1x256xi32, #tpu.memory_space<vmem>> -> memref<256xi32, #tpu.memory_space<vmem>>
        %dma_start3A_301 = tpu.memref_slice %arg2[%add3A_285] : memref<425984xi32, #tpu.memory_space<hbm>> -> memref<256xi32, #tpu.memory_space<hbm>>
        tpu.enqueue_dma source(%dma_start3A_301 : memref<256xi32, #tpu.memory_space<hbm>>) target(%dma_start3A_300 : memref<256xi32, #tpu.memory_space<vmem>>) target_semaphore(%arg10 : memref<!tpu.dma_semaphore, #tpu.memory_space<semaphore_mem>>)
        %dma_start3A_302 = arith.constant 0 : i32
        %dma_start3A_303 = arith.constant 256 : i32
        %dma_start3A_304 = tpu.memref_slice %arg6[%dma_start3A_302, %dma_start3A_303] : memref<2x512xi32, #tpu.memory_space<vmem>> -> memref<1x256xi32, #tpu.memory_space<vmem>>
        %dma_start3A_305 = tpu.memref_squeeze %dma_start3A_304 : memref<1x256xi32, #tpu.memory_space<vmem>> -> memref<256xi32, #tpu.memory_space<vmem>>
        %dma_start3A_306 = tpu.memref_slice %arg2[%add3A_292] : memref<425984xi32, #tpu.memory_space<hbm>> -> memref<256xi32, #tpu.memory_space<hbm>>
        %dma_start3A_307 = arith.constant 256 : i32
        %dma_start3A_308 = tpu.memref_slice %arg6[%dma_start3A_302, %dma_start3A_307] : memref<2x512xi32, #tpu.memory_space<vmem>> -> memref<1x256xi32, #tpu.memory_space<vmem>>
        %dma_start3A_309 = tpu.memref_squeeze %dma_start3A_308 : memref<1x256xi32, #tpu.memory_space<vmem>> -> memref<256xi32, #tpu.memory_space<vmem>>
        %dma_start3A_310 = tpu.memref_slice %arg2[%add3A_292] : memref<425984xi32, #tpu.memory_space<hbm>> -> memref<256xi32, #tpu.memory_space<hbm>>
        tpu.enqueue_dma source(%dma_start3A_310 : memref<256xi32, #tpu.memory_space<hbm>>) target(%dma_start3A_309 : memref<256xi32, #tpu.memory_space<vmem>>) target_semaphore(%arg10 : memref<!tpu.dma_semaphore, #tpu.memory_space<semaphore_mem>>)
      } else {
      }
      %mul3A_200 = arith.constant 2 : i32
      %mul3A_201 = arith.muli %scan3A_123, %mul3A_200 : i32
      %add3A_202 = arith.constant 1 : i32
      %add3A_203 = arith.addi %mul3A_201, %add3A_202 : i32
      %dma_wait3A_204 = arith.constant 1 : i32
      %dma_wait3A_205 = arith.constant 1 : i32
      %dma_wait3A_206 = arith.constant 0 : i32
      %dma_wait3A_207 = arith.constant 0 : i32
      %dma_wait3A_208 = tpu.memref_slice %arg7[%dma_wait3A_205, %dma_wait3A_206, %dma_wait3A_207] : memref<2x512x16xf32, #tpu.memory_space<vmem>> -> memref<1x128x16xf32, #tpu.memory_space<vmem>>
      %dma_wait3A_209 = tpu.memref_squeeze %dma_wait3A_208 : memref<1x128x16xf32, #tpu.memory_space<vmem>> -> memref<128x16xf32, #tpu.memory_space<vmem>>
      %dma_wait3A_210 = arith.constant 0 : i32
      %dma_wait3A_211 = tpu.memref_slice %arg6[%dma_wait3A_204, %dma_wait3A_210] : memref<2x512xi32, #tpu.memory_space<vmem>> -> memref<1x128xi32, #tpu.memory_space<vmem>>
      %dma_wait3A_212 = tpu.memref_squeeze %dma_wait3A_211 : memref<1x128xi32, #tpu.memory_space<vmem>> -> memref<128xi32, #tpu.memory_space<vmem>>
      %dma_wait3A_213 = arith.constant 0 : i32
      %dma_wait3A_214 = arith.constant 0 : i32
      %dma_wait3A_215 = tpu.memref_slice %arg4[%dma_wait3A_213, %dma_wait3A_214] : memref<2600000x16xf32, #tpu.memory_space<hbm>> -> memref<2600000x16xf32, #tpu.memory_space<hbm>>
      tpu.wait_indirect_dma semaphore(%arg13 : memref<!tpu.dma_semaphore, #tpu.memory_space<semaphore_mem>>) src(%dma_wait3A_215 : memref<2600000x16xf32, #tpu.memory_space<hbm>>) dst(%dma_wait3A_209 : memref<128x16xf32, #tpu.memory_space<vmem>>)
      %dma_wait3A_216 = arith.constant 1 : i32
      %dma_wait3A_217 = arith.constant 1 : i32
      %dma_wait3A_218 = arith.constant 0 : i32
      %dma_wait3A_219 = arith.constant 0 : i32
      %dma_wait3A_220 = tpu.memref_slice %arg7[%dma_wait3A_217, %dma_wait3A_218, %dma_wait3A_219] : memref<2x512x16xf32, #tpu.memory_space<vmem>> -> memref<1x128x16xf32, #tpu.memory_space<vmem>>
      %dma_wait3A_221 = tpu.memref_squeeze %dma_wait3A_220 : memref<1x128x16xf32, #tpu.memory_space<vmem>> -> memref<128x16xf32, #tpu.memory_space<vmem>>
      %dma_wait3A_222 = arith.constant 0 : i32
      %dma_wait3A_223 = tpu.memref_slice %arg6[%dma_wait3A_216, %dma_wait3A_222] : memref<2x512xi32, #tpu.memory_space<vmem>> -> memref<1x128xi32, #tpu.memory_space<vmem>>
      %dma_wait3A_224 = tpu.memref_squeeze %dma_wait3A_223 : memref<1x128xi32, #tpu.memory_space<vmem>> -> memref<128xi32, #tpu.memory_space<vmem>>
      %dma_wait3A_225 = arith.constant 0 : i32
      %dma_wait3A_226 = arith.constant 0 : i32
      %dma_wait3A_227 = tpu.memref_slice %arg4[%dma_wait3A_225, %dma_wait3A_226] : memref<2600000x16xf32, #tpu.memory_space<hbm>> -> memref<2600000x16xf32, #tpu.memory_space<hbm>>
      tpu.wait_indirect_dma semaphore(%arg13 : memref<!tpu.dma_semaphore, #tpu.memory_space<semaphore_mem>>) src(%dma_wait3A_227 : memref<2600000x16xf32, #tpu.memory_space<hbm>>) dst(%dma_wait3A_221 : memref<128x16xf32, #tpu.memory_space<vmem>>)
      %dma_wait3A_228 = arith.constant 1 : i32
      %dma_wait3A_229 = arith.constant 1 : i32
      %dma_wait3A_230 = arith.constant 0 : i32
      %dma_wait3A_231 = arith.constant 0 : i32
      %dma_wait3A_232 = tpu.memref_slice %arg7[%dma_wait3A_229, %dma_wait3A_230, %dma_wait3A_231] : memref<2x512x16xf32, #tpu.memory_space<vmem>> -> memref<1x128x16xf32, #tpu.memory_space<vmem>>
      %dma_wait3A_233 = tpu.memref_squeeze %dma_wait3A_232 : memref<1x128x16xf32, #tpu.memory_space<vmem>> -> memref<128x16xf32, #tpu.memory_space<vmem>>
      %dma_wait3A_234 = arith.constant 0 : i32
      %dma_wait3A_235 = tpu.memref_slice %arg6[%dma_wait3A_228, %dma_wait3A_234] : memref<2x512xi32, #tpu.memory_space<vmem>> -> memref<1x128xi32, #tpu.memory_space<vmem>>
      %dma_wait3A_236 = tpu.memref_squeeze %dma_wait3A_235 : memref<1x128xi32, #tpu.memory_space<vmem>> -> memref<128xi32, #tpu.memory_space<vmem>>
      %dma_wait3A_237 = arith.constant 0 : i32
      %dma_wait3A_238 = arith.constant 0 : i32
      %dma_wait3A_239 = tpu.memref_slice %arg4[%dma_wait3A_237, %dma_wait3A_238] : memref<2600000x16xf32, #tpu.memory_space<hbm>> -> memref<2600000x16xf32, #tpu.memory_space<hbm>>
      tpu.wait_indirect_dma semaphore(%arg13 : memref<!tpu.dma_semaphore, #tpu.memory_space<semaphore_mem>>) src(%dma_wait3A_239 : memref<2600000x16xf32, #tpu.memory_space<hbm>>) dst(%dma_wait3A_233 : memref<128x16xf32, #tpu.memory_space<vmem>>)
      %dma_wait3A_240 = arith.constant 1 : i32
      %dma_wait3A_241 = arith.constant 1 : i32
      %dma_wait3A_242 = arith.constant 0 : i32
      %dma_wait3A_243 = arith.constant 0 : i32
      %dma_wait3A_244 = tpu.memref_slice %arg7[%dma_wait3A_241, %dma_wait3A_242, %dma_wait3A_243] : memref<2x512x16xf32, #tpu.memory_space<vmem>> -> memref<1x128x16xf32, #tpu.memory_space<vmem>>
      %dma_wait3A_245 = tpu.memref_squeeze %dma_wait3A_244 : memref<1x128x16xf32, #tpu.memory_space<vmem>> -> memref<128x16xf32, #tpu.memory_space<vmem>>
      %dma_wait3A_246 = arith.constant 0 : i32
      %dma_wait3A_247 = tpu.memref_slice %arg6[%dma_wait3A_240, %dma_wait3A_246] : memref<2x512xi32, #tpu.memory_space<vmem>> -> memref<1x128xi32, #tpu.memory_space<vmem>>
      %dma_wait3A_248 = tpu.memref_squeeze %dma_wait3A_247 : memref<1x128xi32, #tpu.memory_space<vmem>> -> memref<128xi32, #tpu.memory_space<vmem>>
      %dma_wait3A_249 = arith.constant 0 : i32
      %dma_wait3A_250 = arith.constant 0 : i32
      %dma_wait3A_251 = tpu.memref_slice %arg4[%dma_wait3A_249, %dma_wait3A_250] : memref<2600000x16xf32, #tpu.memory_space<hbm>> -> memref<2600000x16xf32, #tpu.memory_space<hbm>>
      tpu.wait_indirect_dma semaphore(%arg13 : memref<!tpu.dma_semaphore, #tpu.memory_space<semaphore_mem>>) src(%dma_wait3A_251 : memref<2600000x16xf32, #tpu.memory_space<hbm>>) dst(%dma_wait3A_245 : memref<128x16xf32, #tpu.memory_space<vmem>>)
      %mul3A_252 = arith.constant 16 : i32
      %mul3A_253 = arith.muli %add3A_203, %mul3A_252 : i32
      %dma_start3A_254 = arith.constant 1 : i32
      %dma_start3A_255 = arith.constant 0 : i32
      %dma_start3A_256 = arith.constant 0 : i32
      %dma_start3A_257 = tpu.memref_slice %arg7[%dma_start3A_254, %dma_start3A_255, %dma_start3A_256] : memref<2x512x16xf32, #tpu.memory_space<vmem>> -> memref<1x512x16xf32, #tpu.memory_space<vmem>>
      %dma_start3A_258 = tpu.memref_squeeze %dma_start3A_257 : memref<1x512x16xf32, #tpu.memory_space<vmem>> -> memref<512x16xf32, #tpu.memory_space<vmem>>
      %dma_start3A_259 = tpu.memref_slice %arg5[%mul3A_2, %mul3A_253] : memref<16384x442xf32, #tpu.memory_space<hbm>> -> memref<512x16xf32, #tpu.memory_space<hbm>>
      %dma_start3A_260 = tpu.memref_slice %arg5[%mul3A_2, %mul3A_253] : memref<16384x442xf32, #tpu.memory_space<hbm>> -> memref<512x16xf32, #tpu.memory_space<hbm>>
      %dma_start3A_261 = arith.constant 0 : i32
      %dma_start3A_262 = arith.constant 0 : i32
      %dma_start3A_263 = tpu.memref_slice %arg7[%dma_start3A_254, %dma_start3A_261, %dma_start3A_262] : memref<2x512x16xf32, #tpu.memory_space<vmem>> -> memref<1x512x16xf32, #tpu.memory_space<vmem>>
      %dma_start3A_264 = tpu.memref_squeeze %dma_start3A_263 : memref<1x512x16xf32, #tpu.memory_space<vmem>> -> memref<512x16xf32, #tpu.memory_space<vmem>>
      tpu.enqueue_dma source(%dma_start3A_264 : memref<512x16xf32, #tpu.memory_space<vmem>>) target(%dma_start3A_260 : memref<512x16xf32, #tpu.memory_space<hbm>>) target_semaphore(%arg15 : memref<!tpu.dma_semaphore, #tpu.memory_space<semaphore_mem>>)
      %add3A_265 = arith.constant 1 : i32
      %add3A_266 = arith.addi %add3A_203, %add3A_265 : i32
      %lt3A_267 = arith.constant 26 : i32
      %lt3A_268 = arith.cmpi slt, %add3A_266, %lt3A_267 : i32
      %convert_element_type3A_269 = arith.extui %lt3A_268 : i1 to i32
      %cond3A_270 = arith.constant 0 : i32
      %cond3A_271 = arith.cmpi ne, %convert_element_type3A_269, %cond3A_270 : i32
      scf.if %cond3A_271 {
        %dma_wait3A_279 = arith.constant 0 : i32
        %dma_wait3A_280 = arith.constant 0 : i32
        %dma_wait3A_281 = tpu.memref_slice %arg6[%dma_wait3A_279, %dma_wait3A_280] : memref<2x512xi32, #tpu.memory_space<vmem>> -> memref<1x256xi32, #tpu.memory_space<vmem>>
        %dma_wait3A_282 = tpu.memref_squeeze %dma_wait3A_281 : memref<1x256xi32, #tpu.memory_space<vmem>> -> memref<256xi32, #tpu.memory_space<vmem>>
        %dma_wait3A_283 = arith.constant 0 : i32
        %dma_wait3A_284 = tpu.memref_slice %arg2[%dma_wait3A_283] : memref<425984xi32, #tpu.memory_space<hbm>> -> memref<256xi32, #tpu.memory_space<hbm>>
        %dma_wait3A_285 = arith.constant 0 : i32
        %dma_wait3A_286 = tpu.memref_slice %arg6[%dma_wait3A_279, %dma_wait3A_285] : memref<2x512xi32, #tpu.memory_space<vmem>> -> memref<1x256xi32, #tpu.memory_space<vmem>>
        %dma_wait3A_287 = tpu.memref_squeeze %dma_wait3A_286 : memref<1x256xi32, #tpu.memory_space<vmem>> -> memref<256xi32, #tpu.memory_space<vmem>>
        %dma_wait3A_288 = arith.constant 0 : i32
        %dma_wait3A_289 = tpu.memref_slice %arg2[%dma_wait3A_288] : memref<425984xi32, #tpu.memory_space<hbm>> -> memref<256xi32, #tpu.memory_space<hbm>>
        tpu.wait_dma2 semaphore(%arg10 : memref<!tpu.dma_semaphore, #tpu.memory_space<semaphore_mem>>) src(%dma_wait3A_289 : memref<256xi32, #tpu.memory_space<hbm>>) dst(%dma_wait3A_287 : memref<256xi32, #tpu.memory_space<vmem>>)
        %dma_wait3A_290 = arith.constant 0 : i32
        %dma_wait3A_291 = arith.constant 0 : i32
        %dma_wait3A_292 = tpu.memref_slice %arg6[%dma_wait3A_290, %dma_wait3A_291] : memref<2x512xi32, #tpu.memory_space<vmem>> -> memref<1x256xi32, #tpu.memory_space<vmem>>
        %dma_wait3A_293 = tpu.memref_squeeze %dma_wait3A_292 : memref<1x256xi32, #tpu.memory_space<vmem>> -> memref<256xi32, #tpu.memory_space<vmem>>
        %dma_wait3A_294 = arith.constant 0 : i32
        %dma_wait3A_295 = tpu.memref_slice %arg2[%dma_wait3A_294] : memref<425984xi32, #tpu.memory_space<hbm>> -> memref<256xi32, #tpu.memory_space<hbm>>
        %dma_wait3A_296 = arith.constant 0 : i32
        %dma_wait3A_297 = tpu.memref_slice %arg6[%dma_wait3A_290, %dma_wait3A_296] : memref<2x512xi32, #tpu.memory_space<vmem>> -> memref<1x256xi32, #tpu.memory_space<vmem>>
        %dma_wait3A_298 = tpu.memref_squeeze %dma_wait3A_297 : memref<1x256xi32, #tpu.memory_space<vmem>> -> memref<256xi32, #tpu.memory_space<vmem>>
        %dma_wait3A_299 = arith.constant 0 : i32
        %dma_wait3A_300 = tpu.memref_slice %arg2[%dma_wait3A_299] : memref<425984xi32, #tpu.memory_space<hbm>> -> memref<256xi32, #tpu.memory_space<hbm>>
        tpu.wait_dma2 semaphore(%arg10 : memref<!tpu.dma_semaphore, #tpu.memory_space<semaphore_mem>>) src(%dma_wait3A_300 : memref<256xi32, #tpu.memory_space<hbm>>) dst(%dma_wait3A_298 : memref<256xi32, #tpu.memory_space<vmem>>)
        %ge3A = arith.constant 1 : i32
        %ge3A_301 = arith.cmpi sge, %add3A_203, %ge3A : i32
        %convert_element_type3A_302 = arith.extui %ge3A_301 : i1 to i32
        %cond3A_303 = arith.constant 0 : i32
        %cond3A_304 = arith.cmpi ne, %convert_element_type3A_302, %cond3A_303 : i32
        scf.if %cond3A_304 {
          %dma_wait3A_353 = arith.constant 0 : i32
          %dma_wait3A_354 = arith.constant 0 : i32
          %dma_wait3A_355 = arith.constant 0 : i32
          %dma_wait3A_356 = tpu.memref_slice %arg7[%dma_wait3A_353, %dma_wait3A_354, %dma_wait3A_355] : memref<2x512x16xf32, #tpu.memory_space<vmem>> -> memref<1x512x16xf32, #tpu.memory_space<vmem>>
          %dma_wait3A_357 = tpu.memref_squeeze %dma_wait3A_356 : memref<1x512x16xf32, #tpu.memory_space<vmem>> -> memref<512x16xf32, #tpu.memory_space<vmem>>
          %dma_wait3A_358 = arith.constant 0 : i32
          %dma_wait3A_359 = tpu.memref_slice %arg5[%mul3A_2, %dma_wait3A_358] : memref<16384x442xf32, #tpu.memory_space<hbm>> -> memref<512x16xf32, #tpu.memory_space<hbm>>
          %dma_wait3A_360 = arith.constant 0 : i32
          %dma_wait3A_361 = tpu.memref_slice %arg5[%mul3A_2, %dma_wait3A_360] : memref<16384x442xf32, #tpu.memory_space<hbm>> -> memref<512x16xf32, #tpu.memory_space<hbm>>
          %dma_wait3A_362 = arith.constant 0 : i32
          %dma_wait3A_363 = arith.constant 0 : i32
          %dma_wait3A_364 = tpu.memref_slice %arg7[%dma_wait3A_353, %dma_wait3A_362, %dma_wait3A_363] : memref<2x512x16xf32, #tpu.memory_space<vmem>> -> memref<1x512x16xf32, #tpu.memory_space<vmem>>
          %dma_wait3A_365 = tpu.memref_squeeze %dma_wait3A_364 : memref<1x512x16xf32, #tpu.memory_space<vmem>> -> memref<512x16xf32, #tpu.memory_space<vmem>>
          tpu.wait_dma2 semaphore(%arg14 : memref<!tpu.dma_semaphore, #tpu.memory_space<semaphore_mem>>) src(%dma_wait3A_365 : memref<512x16xf32, #tpu.memory_space<vmem>>) dst(%dma_wait3A_361 : memref<512x16xf32, #tpu.memory_space<hbm>>)
        } else {
        }
        %dma_start3A_305 = arith.constant 0 : i32
        %dma_start3A_306 = arith.constant 0 : i32
        %dma_start3A_307 = arith.constant 0 : i32
        %dma_start3A_308 = arith.constant 0 : i32
        %dma_start3A_309 = tpu.memref_slice %arg7[%dma_start3A_306, %dma_start3A_307, %dma_start3A_308] : memref<2x512x16xf32, #tpu.memory_space<vmem>> -> memref<1x128x16xf32, #tpu.memory_space<vmem>>
        %dma_start3A_310 = tpu.memref_squeeze %dma_start3A_309 : memref<1x128x16xf32, #tpu.memory_space<vmem>> -> memref<128x16xf32, #tpu.memory_space<vmem>>
        %dma_start3A_311 = arith.constant 0 : i32
        %dma_start3A_312 = tpu.memref_slice %arg6[%dma_start3A_305, %dma_start3A_311] : memref<2x512xi32, #tpu.memory_space<vmem>> -> memref<1x128xi32, #tpu.memory_space<vmem>>
        %dma_start3A_313 = tpu.memref_squeeze %dma_start3A_312 : memref<1x128xi32, #tpu.memory_space<vmem>> -> memref<128xi32, #tpu.memory_space<vmem>>
        %dma_start3A_314 = arith.constant 0 : i32
        %dma_start3A_315 = arith.constant 0 : i32
        %dma_start3A_316 = tpu.memref_slice %arg4[%dma_start3A_314, %dma_start3A_315] : memref<2600000x16xf32, #tpu.memory_space<hbm>> -> memref<2600000x16xf32, #tpu.memory_space<hbm>>
        tpu.enqueue_indirect_dma source(%dma_start3A_316 : memref<2600000x16xf32, #tpu.memory_space<hbm>>) target(%dma_start3A_310 : memref<128x16xf32, #tpu.memory_space<vmem>>) offsets(%dma_start3A_313 : memref<128xi32, #tpu.memory_space<vmem>>) semaphore(%arg12 : memref<!tpu.dma_semaphore, #tpu.memory_space<semaphore_mem>>)
        %dma_start3A_317 = arith.constant 0 : i32
        %dma_start3A_318 = arith.constant 0 : i32
        %dma_start3A_319 = arith.constant 128 : i32
        %dma_start3A_320 = arith.constant 0 : i32
        %dma_start3A_321 = tpu.memref_slice %arg7[%dma_start3A_318, %dma_start3A_319, %dma_start3A_320] : memref<2x512x16xf32, #tpu.memory_space<vmem>> -> memref<1x128x16xf32, #tpu.memory_space<vmem>>
        %dma_start3A_322 = tpu.memref_squeeze %dma_start3A_321 : memref<1x128x16xf32, #tpu.memory_space<vmem>> -> memref<128x16xf32, #tpu.memory_space<vmem>>
        %dma_start3A_323 = arith.constant 128 : i32
        %dma_start3A_324 = tpu.memref_slice %arg6[%dma_start3A_317, %dma_start3A_323] : memref<2x512xi32, #tpu.memory_space<vmem>> -> memref<1x128xi32, #tpu.memory_space<vmem>>
        %dma_start3A_325 = tpu.memref_squeeze %dma_start3A_324 : memref<1x128xi32, #tpu.memory_space<vmem>> -> memref<128xi32, #tpu.memory_space<vmem>>
        %dma_start3A_326 = arith.constant 0 : i32
        %dma_start3A_327 = arith.constant 0 : i32
        %dma_start3A_328 = tpu.memref_slice %arg4[%dma_start3A_326, %dma_start3A_327] : memref<2600000x16xf32, #tpu.memory_space<hbm>> -> memref<2600000x16xf32, #tpu.memory_space<hbm>>
        tpu.enqueue_indirect_dma source(%dma_start3A_328 : memref<2600000x16xf32, #tpu.memory_space<hbm>>) target(%dma_start3A_322 : memref<128x16xf32, #tpu.memory_space<vmem>>) offsets(%dma_start3A_325 : memref<128xi32, #tpu.memory_space<vmem>>) semaphore(%arg12 : memref<!tpu.dma_semaphore, #tpu.memory_space<semaphore_mem>>)
        %dma_start3A_329 = arith.constant 0 : i32
        %dma_start3A_330 = arith.constant 0 : i32
        %dma_start3A_331 = arith.constant 256 : i32
        %dma_start3A_332 = arith.constant 0 : i32
        %dma_start3A_333 = tpu.memref_slice %arg7[%dma_start3A_330, %dma_start3A_331, %dma_start3A_332] : memref<2x512x16xf32, #tpu.memory_space<vmem>> -> memref<1x128x16xf32, #tpu.memory_space<vmem>>
        %dma_start3A_334 = tpu.memref_squeeze %dma_start3A_333 : memref<1x128x16xf32, #tpu.memory_space<vmem>> -> memref<128x16xf32, #tpu.memory_space<vmem>>
        %dma_start3A_335 = arith.constant 256 : i32
        %dma_start3A_336 = tpu.memref_slice %arg6[%dma_start3A_329, %dma_start3A_335] : memref<2x512xi32, #tpu.memory_space<vmem>> -> memref<1x128xi32, #tpu.memory_space<vmem>>
        %dma_start3A_337 = tpu.memref_squeeze %dma_start3A_336 : memref<1x128xi32, #tpu.memory_space<vmem>> -> memref<128xi32, #tpu.memory_space<vmem>>
        %dma_start3A_338 = arith.constant 0 : i32
        %dma_start3A_339 = arith.constant 0 : i32
        %dma_start3A_340 = tpu.memref_slice %arg4[%dma_start3A_338, %dma_start3A_339] : memref<2600000x16xf32, #tpu.memory_space<hbm>> -> memref<2600000x16xf32, #tpu.memory_space<hbm>>
        tpu.enqueue_indirect_dma source(%dma_start3A_340 : memref<2600000x16xf32, #tpu.memory_space<hbm>>) target(%dma_start3A_334 : memref<128x16xf32, #tpu.memory_space<vmem>>) offsets(%dma_start3A_337 : memref<128xi32, #tpu.memory_space<vmem>>) semaphore(%arg12 : memref<!tpu.dma_semaphore, #tpu.memory_space<semaphore_mem>>)
        %dma_start3A_341 = arith.constant 0 : i32
        %dma_start3A_342 = arith.constant 0 : i32
        %dma_start3A_343 = arith.constant 384 : i32
        %dma_start3A_344 = arith.constant 0 : i32
        %dma_start3A_345 = tpu.memref_slice %arg7[%dma_start3A_342, %dma_start3A_343, %dma_start3A_344] : memref<2x512x16xf32, #tpu.memory_space<vmem>> -> memref<1x128x16xf32, #tpu.memory_space<vmem>>
        %dma_start3A_346 = tpu.memref_squeeze %dma_start3A_345 : memref<1x128x16xf32, #tpu.memory_space<vmem>> -> memref<128x16xf32, #tpu.memory_space<vmem>>
        %dma_start3A_347 = arith.constant 384 : i32
        %dma_start3A_348 = tpu.memref_slice %arg6[%dma_start3A_341, %dma_start3A_347] : memref<2x512xi32, #tpu.memory_space<vmem>> -> memref<1x128xi32, #tpu.memory_space<vmem>>
        %dma_start3A_349 = tpu.memref_squeeze %dma_start3A_348 : memref<1x128xi32, #tpu.memory_space<vmem>> -> memref<128xi32, #tpu.memory_space<vmem>>
        %dma_start3A_350 = arith.constant 0 : i32
        %dma_start3A_351 = arith.constant 0 : i32
        %dma_start3A_352 = tpu.memref_slice %arg4[%dma_start3A_350, %dma_start3A_351] : memref<2600000x16xf32, #tpu.memory_space<hbm>> -> memref<2600000x16xf32, #tpu.memory_space<hbm>>
        tpu.enqueue_indirect_dma source(%dma_start3A_352 : memref<2600000x16xf32, #tpu.memory_space<hbm>>) target(%dma_start3A_346 : memref<128x16xf32, #tpu.memory_space<vmem>>) offsets(%dma_start3A_349 : memref<128xi32, #tpu.memory_space<vmem>>) semaphore(%arg12 : memref<!tpu.dma_semaphore, #tpu.memory_space<semaphore_mem>>)
      } else {
      }
      %add3A_272 = arith.constant 2 : i32
      %add3A_273 = arith.addi %add3A_203, %add3A_272 : i32
      %lt3A_274 = arith.constant 26 : i32
      %lt3A_275 = arith.cmpi slt, %add3A_273, %lt3A_274 : i32
      %convert_element_type3A_276 = arith.extui %lt3A_275 : i1 to i32
      %cond3A_277 = arith.constant 0 : i32
      %cond3A_278 = arith.cmpi ne, %convert_element_type3A_276, %cond3A_277 : i32
      scf.if %cond3A_278 {
        %add3A_279 = arith.constant 2 : i32
        %add3A_280 = arith.addi %add3A_203, %add3A_279 : i32
        %mul3A_281 = arith.constant 13312 : i32
        %mul3A_282 = arith.muli %add3A, %mul3A_281 : i32
        %mul3A_283 = arith.constant 256 : i32
        %mul3A_284 = arith.muli %add3A_280, %mul3A_283 : i32
        %add3A_285 = arith.addi %mul3A_282, %mul3A_284 : i32
        %mul3A_286 = arith.constant 13312 : i32
        %mul3A_287 = arith.muli %add3A, %mul3A_286 : i32
        %add3A_288 = arith.constant 6656 : i32
        %add3A_289 = arith.addi %mul3A_287, %add3A_288 : i32
        %mul3A_290 = arith.constant 256 : i32
        %mul3A_291 = arith.muli %add3A_280, %mul3A_290 : i32
        %add3A_292 = arith.addi %add3A_289, %mul3A_291 : i32
        %dma_start3A_293 = arith.constant 1 : i32
        %dma_start3A_294 = arith.constant 0 : i32
        %dma_start3A_295 = tpu.memref_slice %arg6[%dma_start3A_293, %dma_start3A_294] : memref<2x512xi32, #tpu.memory_space<vmem>> -> memref<1x256xi32, #tpu.memory_space<vmem>>
        %dma_start3A_296 = tpu.memref_squeeze %dma_start3A_295 : memref<1x256xi32, #tpu.memory_space<vmem>> -> memref<256xi32, #tpu.memory_space<vmem>>
        %dma_start3A_297 = tpu.memref_slice %arg2[%add3A_285] : memref<425984xi32, #tpu.memory_space<hbm>> -> memref<256xi32, #tpu.memory_space<hbm>>
        %dma_start3A_298 = arith.constant 0 : i32
        %dma_start3A_299 = tpu.memref_slice %arg6[%dma_start3A_293, %dma_start3A_298] : memref<2x512xi32, #tpu.memory_space<vmem>> -> memref<1x256xi32, #tpu.memory_space<vmem>>
        %dma_start3A_300 = tpu.memref_squeeze %dma_start3A_299 : memref<1x256xi32, #tpu.memory_space<vmem>> -> memref<256xi32, #tpu.memory_space<vmem>>
        %dma_start3A_301 = tpu.memref_slice %arg2[%add3A_285] : memref<425984xi32, #tpu.memory_space<hbm>> -> memref<256xi32, #tpu.memory_space<hbm>>
        tpu.enqueue_dma source(%dma_start3A_301 : memref<256xi32, #tpu.memory_space<hbm>>) target(%dma_start3A_300 : memref<256xi32, #tpu.memory_space<vmem>>) target_semaphore(%arg11 : memref<!tpu.dma_semaphore, #tpu.memory_space<semaphore_mem>>)
        %dma_start3A_302 = arith.constant 1 : i32
        %dma_start3A_303 = arith.constant 256 : i32
        %dma_start3A_304 = tpu.memref_slice %arg6[%dma_start3A_302, %dma_start3A_303] : memref<2x512xi32, #tpu.memory_space<vmem>> -> memref<1x256xi32, #tpu.memory_space<vmem>>
        %dma_start3A_305 = tpu.memref_squeeze %dma_start3A_304 : memref<1x256xi32, #tpu.memory_space<vmem>> -> memref<256xi32, #tpu.memory_space<vmem>>
        %dma_start3A_306 = tpu.memref_slice %arg2[%add3A_292] : memref<425984xi32, #tpu.memory_space<hbm>> -> memref<256xi32, #tpu.memory_space<hbm>>
        %dma_start3A_307 = arith.constant 256 : i32
        %dma_start3A_308 = tpu.memref_slice %arg6[%dma_start3A_302, %dma_start3A_307] : memref<2x512xi32, #tpu.memory_space<vmem>> -> memref<1x256xi32, #tpu.memory_space<vmem>>
        %dma_start3A_309 = tpu.memref_squeeze %dma_start3A_308 : memref<1x256xi32, #tpu.memory_space<vmem>> -> memref<256xi32, #tpu.memory_space<vmem>>
        %dma_start3A_310 = tpu.memref_slice %arg2[%add3A_292] : memref<425984xi32, #tpu.memory_space<hbm>> -> memref<256xi32, #tpu.memory_space<hbm>>
        tpu.enqueue_dma source(%dma_start3A_310 : memref<256xi32, #tpu.memory_space<hbm>>) target(%dma_start3A_309 : memref<256xi32, #tpu.memory_space<vmem>>) target_semaphore(%arg11 : memref<!tpu.dma_semaphore, #tpu.memory_space<semaphore_mem>>)
      } else {
      }
    }
    %scan3A_97 = arith.constant 13 : i32
    %dma_wait3A = arith.constant 0 : i32
    %dma_wait3A_98 = arith.constant 0 : i32
    %dma_wait3A_99 = arith.constant 0 : i32
    %dma_wait3A_100 = tpu.memref_slice %arg7[%dma_wait3A, %dma_wait3A_98, %dma_wait3A_99] : memref<2x512x16xf32, #tpu.memory_space<vmem>> -> memref<1x512x16xf32, #tpu.memory_space<vmem>>
    %dma_wait3A_101 = tpu.memref_squeeze %dma_wait3A_100 : memref<1x512x16xf32, #tpu.memory_space<vmem>> -> memref<512x16xf32, #tpu.memory_space<vmem>>
    %dma_wait3A_102 = arith.constant 0 : i32
    %dma_wait3A_103 = tpu.memref_slice %arg5[%mul3A_2, %dma_wait3A_102] : memref<16384x442xf32, #tpu.memory_space<hbm>> -> memref<512x16xf32, #tpu.memory_space<hbm>>
    %dma_wait3A_104 = arith.constant 0 : i32
    %dma_wait3A_105 = tpu.memref_slice %arg5[%mul3A_2, %dma_wait3A_104] : memref<16384x442xf32, #tpu.memory_space<hbm>> -> memref<512x16xf32, #tpu.memory_space<hbm>>
    %dma_wait3A_106 = arith.constant 0 : i32
    %dma_wait3A_107 = arith.constant 0 : i32
    %dma_wait3A_108 = tpu.memref_slice %arg7[%dma_wait3A, %dma_wait3A_106, %dma_wait3A_107] : memref<2x512x16xf32, #tpu.memory_space<vmem>> -> memref<1x512x16xf32, #tpu.memory_space<vmem>>
    %dma_wait3A_109 = tpu.memref_squeeze %dma_wait3A_108 : memref<1x512x16xf32, #tpu.memory_space<vmem>> -> memref<512x16xf32, #tpu.memory_space<vmem>>
    tpu.wait_dma2 semaphore(%arg14 : memref<!tpu.dma_semaphore, #tpu.memory_space<semaphore_mem>>) src(%dma_wait3A_109 : memref<512x16xf32, #tpu.memory_space<vmem>>) dst(%dma_wait3A_105 : memref<512x16xf32, #tpu.memory_space<hbm>>)
    %dma_wait3A_110 = arith.constant 1 : i32
    %dma_wait3A_111 = arith.constant 0 : i32
    %dma_wait3A_112 = arith.constant 0 : i32
    %dma_wait3A_113 = tpu.memref_slice %arg7[%dma_wait3A_110, %dma_wait3A_111, %dma_wait3A_112] : memref<2x512x16xf32, #tpu.memory_space<vmem>> -> memref<1x512x16xf32, #tpu.memory_space<vmem>>
    %dma_wait3A_114 = tpu.memref_squeeze %dma_wait3A_113 : memref<1x512x16xf32, #tpu.memory_space<vmem>> -> memref<512x16xf32, #tpu.memory_space<vmem>>
    %dma_wait3A_115 = arith.constant 0 : i32
    %dma_wait3A_116 = tpu.memref_slice %arg5[%mul3A_2, %dma_wait3A_115] : memref<16384x442xf32, #tpu.memory_space<hbm>> -> memref<512x16xf32, #tpu.memory_space<hbm>>
    %dma_wait3A_117 = arith.constant 0 : i32
    %dma_wait3A_118 = tpu.memref_slice %arg5[%mul3A_2, %dma_wait3A_117] : memref<16384x442xf32, #tpu.memory_space<hbm>> -> memref<512x16xf32, #tpu.memory_space<hbm>>
    %dma_wait3A_119 = arith.constant 0 : i32
    %dma_wait3A_120 = arith.constant 0 : i32
    %dma_wait3A_121 = tpu.memref_slice %arg7[%dma_wait3A_110, %dma_wait3A_119, %dma_wait3A_120] : memref<2x512x16xf32, #tpu.memory_space<vmem>> -> memref<1x512x16xf32, #tpu.memory_space<vmem>>
    %dma_wait3A_122 = tpu.memref_squeeze %dma_wait3A_121 : memref<1x512x16xf32, #tpu.memory_space<vmem>> -> memref<512x16xf32, #tpu.memory_space<vmem>>
    tpu.wait_dma2 semaphore(%arg15 : memref<!tpu.dma_semaphore, #tpu.memory_space<semaphore_mem>>) src(%dma_wait3A_122 : memref<512x16xf32, #tpu.memory_space<vmem>>) dst(%dma_wait3A_118 : memref<512x16xf32, #tpu.memory_space<hbm>>)
    return
  }
}

</mosaic_0001>

<sc_bundles>
// kernel: kernel.4.cloned.1.call-start
scs
__scs_entry_jumppad:
0x0: {  	(pc) =	sbr.rel $0x88, $3  }
0x1: {  	(tag) =	ssettag $0x0;
	lr =	simm.s32 $0x1  }
0x2: {  	[smem:$0x3F9F] =	sst lr;
	_ =	strace $0xD0000000  }
0x3: {  	_ = 	snop  }
0x4: {  	_ = 	snop  }
0x5: {  	_ = 	snop  }
0x6: {  	_ = 	snop  }
0x7: {  	_ = 	snop  }
__scs_overlays_trampoline_lowered:
0x8: {  	[smem:$0x3FAE] =	sst s0  }
0x9: {  	[smem:$0x3FAF] =	sst s1  }
0xa: {  	[smem:$0x3FB0] =	sst s2  }
0xb: {  	[smem:$0x3FB1] =	sst s3  }
0xc: {  	[smem:$0x3FB2] =	sst s4  }
0xd: {  	[smem:$0x3FB3] =	sst s5  }
0xe: {  	[smem:$0x3FB4] =	sst s6  }
0xf: {  	[smem:$0x3FB5] =	sst s7  }
0x10: {  	[smem:$0x3FB6] =	sst s8  }
0x11: {  	[smem:$0x3FB7] =	sst s9;
	s0 =	simm.s32 @!p0 $0x0  }
0x12: {  	s1 =	sld [smem:$0x3F9D];
	s0 =	simm.s32 @p0 $0x1  }
0x13: {  	[smem:$0x3FB8] =	sst s0;
	s0 =	simm.s32 @!p1 $0x0  }
0x14: {  	s2 =	sld [smem:$0x3F9C];
	s0 =	simm.s32 @p1 $0x1  }
0x15: {  	[smem:$0x3FB9] =	sst s0;
	s0 =	simm.s32 @!p2 $0x0  }
0x16: {  	s3 =	sld [smem:$0x3FDB];
	s0 =	simm.s32 @p2 $0x1  }
0x17: {  	s4 =	simm.s32 $0x1BF5;
	[smem:$0x3FBB] =	sst s0  }
0x18: {  	s0 =	sld [smem:$0x3F9E];
	_ =	swait.ge [sflag:s4], $0x0  }
0x19: {  	s7 =	sld [smem:$0x3F9F]  }
0x1a: {  	s8 =	sadd.s32 $0xFFFFE003, lr  }
0x1b: {  	s9 =	sadd.s32 $0xFFFFFEF7, lr;
	s5 =	simm.s32 $0xFFFFFFFF;
	p2 =	slt.u32 s8, $0xFFFFF086  }
0x1c: {  	p1 =	slt.u32 s9, $0xF7A;
	s5 =	simm.s32 @!p2 $0x0  }
0x1d: {  	s5 =	simm.s32 @p1 $0x1;
	p0 =	seq.s32 s7, s2  }
0x1e: {  	s7 =	smul.u32 @!p0 $0xF7A, s2;
	p2 =	seq.s32 @!p0 s5, $0x0  }
0x1f: {  	s9 =	smul.u32 $0xF7A, s1;
	s8 =	simm.s32 @!p0 $0x1BF5;
	p2 =	por !p2, p0  }
0x20: {  	[sflag:s8] =	ssyncset.s32 @!p0 $0xFFFFF086;
	s6 =	sadd.s32 @!p0 s3, s7;
	s7 =	simm.s32 @!p0 $0x108  }
0x21: {  	s3 =	sadd.s32 s3, s9;
	s6 =	sadd.s32 @!p0 $0x88, s6;
	s7 =	simm.s32 @p2 $0x1082  }
0x22: {  	[simem:s7], [sflag:s8] =	dma.local @!p0 [hbm:s6], $0xF7A  }
0x23: {  	s9 =	sor.u32 $0xD0000000, s2;
	s6 =	simm.s32 $0x108;
	_ =	swait.ge @!p0 [sflag:s8], $0x0  }
0x24: {  	s3 =	sadd.s32 $0x88, s3;
	s6 =	simm.s32 @!p1 $0x1082;
	[sflag:s4] =	ssyncset.s32 $0xFFFFF086  }
0x25: {  	[simem:s6], [sflag:s4] =	dma.local [hbm:s3], $0xF7A  }
0x26: {  	[smem:$0x3F9F] =	sst s1;
	(tag) =	ssettag s2;
	_ =	strace s9  }
0x27: {  	s1 =	sld [smem:$0x3FAF]  }
0x28: {  	s2 =	sld [smem:$0x3FB0]  }
0x29: {  	s4 =	sld [smem:$0x3FB2]  }
0x2a: {  	p0 =	seq.s32 s5, $0x0;
	s5 =	sld [smem:$0x3FB3]  }
0x2b: {  	s6 =	sld [smem:$0x3FB4]  }
0x2c: {  	s7 =	sld [smem:$0x3FB5]  }
0x2d: {  	s3 =	simm.s32 $0x108;
	s8 =	sld [smem:$0x3FB6]  }
0x2e: {  	s3 =	simm.s32 @!p0 $0x1082;
	s9 =	sld [smem:$0x3FB7]  }
0x2f: {  	lr =	sadd.s32 s0, s3;
	s0 =	sld [smem:$0x3FAE]  }
0x30: {  	s3 =	sld [smem:$0x3FB1]  }
0x31: {  	[smem:$0x3FBA] =	sst s10  }
0x32: {  	s10 =	sld [smem:$0x3FB8];
	_ =	sdelay $0x3  }
0x33: {  	p0 =	seq.s32 s10, $0x1;
	s10 =	sld [smem:$0x3FBA];
	_ =	sdelay $0x3  }
0x34: {  	[smem:$0x3FBA] =	sst s10  }
0x35: {  	s10 =	sld [smem:$0x3FB9];
	_ =	sdelay $0x3  }
0x36: {  	p1 =	seq.s32 s10, $0x1;
	s10 =	sld [smem:$0x3FBA];
	_ =	sdelay $0x3  }
0x37: {  	[smem:$0x3FBA] =	sst s10  }
0x38: {  	s10 =	sld [smem:$0x3FBB]  }
0x39: {  	_ = 	snop;
	(pc) =	sbr.ind lr, $3  }
0x3a: {  	_ = 	snop  }
0x3b: {  	_ = 	snop  }
0x3c: {  	p2 =	seq.s32 s10, $0x1;
	s10 =	sld [smem:$0x3FBA]  }
0x3d: {  	_ =	shalt  }
0x3e: {  	_ =	shalt  }
0x3f: {  	_ =	shalt  }
0x40: {  	_ =	shalt  }
0x41: {  	_ =	shalt  }
0x42: {  	_ =	shalt  }
0x43: {  	_ =	shalt  }
0x44: {  	_ =	shalt  }
0x45: {  	_ =	shalt  }
0x46: {  	_ =	shalt  }
0x47: {  	_ =	shalt  }
0x48: {  	_ =	shalt  }
0x49: {  	_ =	shalt  }
0x4a: {  	_ =	shalt  }
0x4b: {  	_ =	shalt  }
0x4c: {  	_ =	shalt  }
0x4d: {  	_ =	shalt  }
0x4e: {  	_ =	shalt  }
0x4f: {  	_ =	shalt  }
0x50: {  	_ =	shalt  }
0x51: {  	_ =	shalt  }
0x52: {  	_ =	shalt  }
0x53: {  	_ =	shalt  }
0x54: {  	_ =	shalt  }
0x55: {  	_ =	shalt  }
0x56: {  	_ =	shalt  }
0x57: {  	_ =	shalt  }
0x58: {  	_ =	shalt  }
0x59: {  	_ =	shalt  }
0x5a: {  	_ =	shalt  }
0x5b: {  	_ =	shalt  }
0x5c: {  	_ =	shalt  }
0x5d: {  	_ =	shalt  }
0x5e: {  	_ =	shalt  }
0x5f: {  	_ =	shalt  }
0x60: {  	_ =	shalt  }
0x61: {  	_ =	shalt  }
0x62: {  	_ =	shalt  }
0x63: {  	_ =	shalt  }
0x64: {  	_ =	shalt  }
0x65: {  	_ =	shalt  }
0x66: {  	_ =	shalt  }
0x67: {  	_ =	shalt  }
0x68: {  	_ =	shalt  }
0x69: {  	_ =	shalt  }
0x6a: {  	_ =	shalt  }
0x6b: {  	_ =	shalt  }
0x6c: {  	_ =	shalt  }
0x6d: {  	_ =	shalt  }
0x6e: {  	_ =	shalt  }
0x6f: {  	_ =	shalt  }
0x70: {  	_ =	shalt  }
0x71: {  	_ =	shalt  }
0x72: {  	_ =	shalt  }
0x73: {  	_ =	shalt  }
0x74: {  	_ =	shalt  }
0x75: {  	_ =	shalt  }
0x76: {  	_ =	shalt  }
0x77: {  	_ =	shalt  }
0x78: {  	_ =	shalt  }
0x79: {  	_ =	shalt  }
0x7a: {  	_ =	shalt  }
0x7b: {  	_ =	shalt  }
0x7c: {  	_ =	shalt  }
0x7d: {  	_ =	shalt  }
0x7e: {  	_ =	shalt  }
0x7f: {  	_ =	shalt  }
0x80: {  	_ =	shalt  }
0x81: {  	_ =	shalt  }
0x82: {  	_ =	shalt  }
0x83: {  	_ =	shalt  }
0x84: {  	_ =	shalt  }
0x85: {  	_ =	shalt  }
0x86: {  	_ =	shalt  }
0x87: {  	_ =	shalt  }
.Lfunc_end0:
.L_simem_size_0:
called_computation_lowered:
.L_overlay_start_0:
0x88: {  	s2 =	sld [smem:$0x3FD9]  }
0x89: {  	s3 =	sld [smem:$0x3FFE];
	_ =	sdelay $0x1  }
0x8a: {  	s1 =	srdreg.scid  }
0x8b: {  	s0 =	sand.u32 $0x1, s1  }
0x8c: {  	s17 =	sshll.u32 s0, $0xA;
	s2 =	sadd.s32 s3, s2  }
0x8d: {  	s2 =	sadd.s32 s2, s17  }
0x8e: {  	[smem:$0x3FC6] =	sst s2  }
0x8f: {  	_ = 	snop  }
0x90: {  	s2 =	sld [smem:$0x3FC9]  }
0x91: {  	s18 =	sld [smem:$0x3FC8];
	(tm) =	ssettm $0x1  }
0x92: {  	s4 =	sld [smem:$0x3FFB];
	_ =	sdelay $0x3  }
0x93: {  	_ =	strace s4  }
0x94: {  	s4 =	sld [smem:$0x3FFC];
	_ =	sdelay $0x3  }
0x95: {  	_ =	strace s4  }
0x96: {  	s4 =	sld [smem:$0x3FFD];
	_ =	sdelay $0x3  }
0x97: {  	_ =	strace s4  }
0x98: {  	_ =	strace $0x8FFFFFFF  }
0x99: {  	s19 =	sld [smem:$0x3FDB];
	_ =	sdelay $0x1  }
0x9a: {  	s5 =	simm.s32 $_scs_section_size  }
0x9b: {  	s6 =	simm.s32 $_size__tile_overlayer_lowered;
	s7 =	simm.s32 $_tile_overlayer_lowered  }
0x9c: {  	s22 =	simm.s32 $0x1BFF;
	s21 =	sshll.u32 s7, $0x1;
	s4 =	sadd.s32 s5, s19  }
0x9d: {  	s8 =	simm.s32 $0x0;
	s20 =	sshll.u32 s6, $0x1;
	s6 =	sadd.s32 s21, s4  }
0x9e: {  	[timem:s8], [sflag:s22] =	dma.local [hbm:s6], s20  }
0x9f: {  	_ =	swait.ge [sflag:s22], s20  }
0xa0: {  	s5 =	ssub.s32 $0x0, s20;
	[sflag:s22] =	ssyncset.done $0x0  }
0xa1: {  	[sflag:s22] =	ssyncadd.s32 s5;
	_ =	sdelay $0x1  }
0xa2: {  	s23 =	simm.s32 $0x1B8B  }
0xa3: {  	_ =	swait.ge [sflag:s23], $0x1  }
0xa4: {  	[sflag:s23] =	ssyncset.done $0x0  }
0xa5: {  	s25 =	simm.s32 $0x1B8E;
	s24 =	sld [smem:$0x3FFE];
	[sflag:s23] =	ssyncadd.s32 $0xFFFFFFFF  }
0xa6: {  	s26 =	simm.s32 $execute0_lowered;
	[smem:$0x3FD2] =	sst s25  }
0xa7: {  	s6 =	sshll.u32 s26, $0x1;
	_ =	strace $0x80000046;
	[dreg:$0x1] =	wrdreg $0xFFFFFFFF  }
0xa8: {  	s28 =	simm.s32 $_size_execute0_lowered;
	s4 =	sadd.s32 s4, s6;
	[dreg:$0x0] =	wrdreg $0x0  }
0xa9: {  	s6 =	sshll.u32 s28, $0x1;
	[dreg:$0x2] =	wrdreg s4  }
0xaa: {  	[dreg:$0x3] =	wrdreg s6  }
0xab: {  	[dreg:$0x4] =	wrdreg $0xC0  }
0xac: {  	_ =	task [dreg:s8], $0x5FFFF  }
0xad: {  	[dreg:$0x1] =	wrdreg $0xFFFFFFFF  }
0xae: {  	[dreg:$0x0] =	wrdreg $0x60  }
0xaf: {  	[dreg:$0x2] =	wrdreg s2  }
0xb0: {  	[dreg:$0x3] =	wrdreg s18  }
0xb1: {  	[dreg:$0x4] =	wrdreg s24  }
0xb2: {  	[dreg:$0x5] =	wrdreg $0x9  }
0xb3: {  	_ =	task.clear_ibuf [dreg:s8], $0x6FFFF;
	_ =	strace $0x90000046  }
0xb4: {  	s29 =	simm.s32 $0x9;
	_ =	strace $0x80000048  }
0xb5: {  	_ =	swait.ge [sflag:s29], $0x1  }
0xb6: {  	[sflag:s29] =	ssyncadd.s32 $0xFFFFFFFF  }
0xb7: {  	_ =	strace $0x90000048  }
0xb8: {  	_ =	sfence  }
0xb9: {  	s30 =	sld [smem:$0x0];
	_ =	sdelay $0x2  }
0xba: {  	s31 =	sshll.u32 s1, $0xD;
	s1 =	sshrl.u32 s1, $0x2  }
0xbb: {  	s3 =	sand.u32 $0x4000, s31;
	s1 =	sadd.s32 s1, s30  }
0xbc: {  	s0 =	sor.u32 s3, s0;
	s1 =	sshll.u32 s1, $0x11  }
0xbd: {  	s0 =	sor.u32 s1, s0  }
0xbe: {  	s0 =	sadd.s32 $0x8F2B, s0  }
0xbf: {  	[sflag:s0] =	ssyncadd.remote.s32 $0x1  }
0xc0: {  	_ =	sfence.sel $0xFFFF  }
0xc1: {  	[dreg:$0x0] =	wrdreg $0xFFFFFFFF;
	(pc) =	sbr.abs _section_cstart, $3  }
0xc2: {  	[dreg:$0x1] =	wrdreg $0xFFFFFFFF  }
0xc3: {  	_ =	task.clear_ibuf [dreg:s8], $0x2FFFF;
	_ =	strace $0x9FFFFFFF  }
0xc4: {  	(tm) =	ssettm $0x7FFFFFFF  }
0xc5: {  	_ =	shalt  }
tec
execute0_lowered:
.L_overlay_start_1:
0x0: {  	(tag) =	ssettag $0x1  }
0x1: {  	s0 =	rddreg [dreg:$0x0]  }
0x2: {  	s8 =	rddreg [dreg:$0x1]  }
0x3: {  	s1 =	rddreg [dreg:$0x2];
	s2 =	simm.s32 $0x0;
	s3 =	srdreg.scid  }
0x4: {  	s9 =	stileid.u32;
	s29 =	simm.s32 $0x6C00;
	s18 =	simm.s32 $0x8C00  }
0x5: {  	s16 =	simm.s32 $0xAC00;
	[smem:$0x7FF] =	sst s2;
	s4 =	sadd.s32 $0xC00, s1  }
0x6: {  	s3 =	sand.u32 $0x1, s3;
	s6 =	sadd.s32 $0x4F6600, s1;
	s1 =	sadd.s32 $0x503600, s1  }
0x7: {  	s7 =	sshll.u32 s9, $0x1;
	p0 =	sgt.u32 s9, $0xC;
	_ =	strace $0x80000047  }
0x8: {  	s5 =	ssub.s32 $0x2, s3;
	[dreg:$0x4] =	wrdreg s6;
	s7 =	sor.u32 s3, s7  }
0x9: {  	[dreg:$0x5] =	wrdreg s1;
	s1 =	simm.s32 $0x0;
	s10 =	sor.u32 $0x80, s7  }
0xa: {  	s20 =	sshrl.u32 s5, $0x1;
	s11 =	sor.u32 $0xA0, s7;
	[dreg:$0xc] =	wrdreg s10  }
0xb: {  	s3 =	sshll.u32 s7, $0x9;
	s15 =	sor.u32 $0xC0, s7;
	[dreg:$0xd] =	wrdreg s11  }
0xc: {  	s22 =	smul.u32 $0x3400, s7;
	s17 =	sor.u32 $0xE0, s7;
	[dreg:$0xe] =	wrdreg s15  }
0xd: {  	s23 =	sshll.u32 s7, $0x7;
	s24 =	smul.u32 $0x187000, s7;
	[dreg:$0xf] =	wrdreg s17  }
0xe: {  	s28 =	smul.u32 $0x186A00, s7;
	s0 =	sadd.s32 s0, s3;
	[dreg:$0x6] =	wrdreg s22  }
0xf: {  	s21 =	ssub.s32 s5, s20;
	s5 =	sadd.s32 s8, s23;
	[dreg:$0x7] =	wrdreg s0  }
0x10: {  	s25 =	sadd.s32 $0x1000, s5;
	s26 =	sadd.s32 $0x2000, s5;
	[dreg:$0x8] =	wrdreg s5  }
0x11: {  	s5 =	sadd.s32 $0x3000, s5;
	s0 =	sshrl.u32 s24, $0x3;
	[dreg:$0x9] =	wrdreg s25  }
.Ltmp0:
0x12: {  	s3 =	sshrl.u32 s28, $0x3;
	[dreg:$0xa] =	wrdreg s26;
	(pc) =	sbr.rel .LBB2_1-.Ltmp0, $4  }
0x13: {  	v0 =	vlaneseq.u32;
	s31 =	smax.u32 s21, $0x1;
	[dreg:$0xb] =	wrdreg s5;
	s0 =	sadd.s32 s8, s0  }
0x14: {  	v1 =	vmul.u32 $0x80, v0;
	s3 =	sadd.s32 s4, s3;
	[dreg:$0x12] =	wrdreg s31;
	s0 =	sadd.s32 $0x18680, s0  }
0x15: {  	v2 =	vmul.u32 $0x1A, v0;
	v4 =	vor.u32 $0x80, v0;
	v7 =	vor.u32 $0x180, v0;
	s23 =	simm.s32 $0x9;
	s30 =	sadd.s32 $0x30D00, s3;
	[dreg:$0x10] =	wrdreg s0  }
0x16: {  	v3 =	vor.u32 $0x800, v1;
	v5 =	vor.u32 $0x1000, v1;
	v6 =	vor.u32 $0x1800, v1;
	s24 =	simm.s32 $0x5200;
	s21 =	simm.s32 $0xB400;
	[dreg:$0x11] =	wrdreg s30  }
.LBB2_34:
0x17: {  	s1 =	sadd.s32 $0x1, s1;
	s0 =	rddreg [dreg:$0x12]  }
0x18: {  	p1 =	sne.s32 s1, s0  }
.Ltmp1:
0x19: {  	_ = 	snop;
	(pc) =	sbr.rel @!p1 .LBB2_35-.Ltmp1, $1  }
0x1a: {  	_ =	sdelay $0x3  }
.LBB2_1:
0x1b: {  	[dreg:$0x13] =	wrdreg s1;
	p2 =	por $0x1, $0x1;
	s0 =	simm.s32 $0x0  }
.LBB2_2:
0x1c: {  	s1 =	sshll.u32 s0, $0x8;
	s3 =	rddreg [dreg:$0x7]  }
0x1d: {  	s5 =	simm.s32 $0x0;
	s9 =	simm.s32 $0x800;
	s6 =	simm.s32 $0x20000  }
0x1e: {  	s10 =	simm.s32 $0x0;
	s20 =	simm.s32 $0x0;
	s8 =	simm.s32 $0x30  }
0x1f: {  	s22 =	simm.s32 $0x0;
	s11 =	simm.s32 $0x10;
	s12 =	simm.s32 $0x20  }
0x20: {  	s1 =	sadd.s32 s1, s3;
	s19 =	sand.u32 $0x1800, s10;
	s15 =	sand.u32 $0x400, s5  }
0x21: {  	[tilespmem:s5], [sflag:$0x9] =	stream.strided.gather [hbm4b:s1+s9], $0x3800, s6, s9, $0x38;
	[tilespmem:$0xB600] =	vst v63  }
0x22: {  	s6 =	sand.u32 $0x380, s20;
	s3 =	sor.u32 s15, s19;
	_ =	swait.ge [sflag:s23], $0x3800  }
0x23: {  	s14 =	sand.u32 $0x70, s8;
	s3 =	sor.u32 s6, s3;
	[sflag:s23] =	ssyncset.done $0x0  }
0x24: {  	s28 =	simm.s32 $0x0;
	s20 =	sor.u32 s14, s3;
	[sflag:s23] =	ssyncadd.s32 $0xFFFFC800  }
0x25: {  	p1 =	por p2, p2;
	s17 =	sand.u32 $0x40, s22;
	s13 =	sand.u32 $0x50, s11;
	v11 =	vld [tilespmem:s20+$0x0]  }
0x26: {  	s31 =	sand.u32 $0xD0, s11;
	s11 =	smul.u32 $0x186A0, s28;
	s25 =	sor.u32 s17, s3  }
0x27: {  	s1 =	sand.u32 $0x3FFFFF00, s10;
	s26 =	sor.u32 s13, s3;
	s20 =	sand.u32 $0x60, s12;
	v10 =	vld [tilespmem:s25+$0x0]  }
0x28: {  	s9 =	simm.s32 $0x0;
	s28 =	sadd.s32 $0x3800, s1;
	v9 =	vld [tilespmem:s26+$0x0];
	s3 =	sor.u32 s20, s3  }
0x29: {  	s6 =	sand.u32 $0xC0, s22;
	s1 =	sand.u32 $0xF0, s8;
	s30 =	sor.u32 s31, s28;
	v8 =	vld [tilespmem:s3+$0x0]  }
0x2a: {  	s26 =	sand.u32 $0xE0, s12;
	s25 =	sor.u32 s6, s28;
	s3 =	sor.u32 s1, s28;
	v11 =	vadd.s32 s11, v11  }
.LBB2_3:
0x2b: {  	s9 =	sadd.s32 $0x4, s9;
	s26 =	sor.u32 s26, s28;
	[tilespmem:s3+$0x0] =	vst v11;
	s5 =	sadd.s32 $0x200, s5  }
0x2c: {  	s8 =	sadd.s32 $0x40, s8;
	s3 =	sshll.u32 s9, $0x4;
	p2 =	slt.u32 s9, $0x19C;
	v10 =	vadd.s32 s11, v10  }
0x2d: {  	s19 =	sand.u32 $0x400, s5;
	s10 =	sshll.u32 s9, $0x3;
	s28 =	sand.u32 $0x1800, s3;
	[tilespmem:s25+$0x0] =	vst v10;
	v9 =	vadd.s32 s11, v9  }
0x2e: {  	s10 =	sand.u32 $0x380, s10;
	s25 =	sadd.s32 $0xFFFFFFE0, s8;
	s19 =	sor.u32 s19, s28;
	[tilespmem:s30+$0x0] =	vst v9;
	v8 =	vadd.s32 s11, v8  }
0x2f: {  	s11 =	sadd.s32 $0xFFFFFFD0, s8;
	s10 =	sor.u32 s10, s19;
	s19 =	sand.u32 $0x70, s8;
	[tilespmem:s26+$0x0] =	vst v8  }
0x30: {  	s26 =	sadd.s32 $0xFFFFFFF0, s8;
	s28 =	sand.u32 $0x40, s11;
	s19 =	sor.u32 s19, s10  }
0x31: {  	s30 =	sand.u32 $0x50, s25;
	s22 =	sand.u32 $0x60, s26;
	v11 =	vld [tilespmem:s19+$0x0];
	s19 =	sor.u32 s28, s10  }
.Ltmp2:
0x32: {  	s28 =	sor.u32 s30, s10;
	s10 =	sor.u32 s22, s10;
	(pc) =	sbr.rel @p2 .LBB2_3-.Ltmp2, $4  }
0x33: {  	s22 =	sshrl.u32 s9, $0x4;
	s30 =	sand.u32 $0xC0, s11;
	v10 =	vld [tilespmem:s19+$0x0];
	s19 =	sand.u32 $0xD0, s25  }
0x34: {  	s3 =	sand.u32 $0x3FFFFF00, s3;
	s26 =	sand.u32 $0xE0, s26;
	s11 =	smul.u32 $0x186A0, s22;
	v9 =	vld [tilespmem:s28+$0x0]  }
0x35: {  	s28 =	sadd.s32 $0x3800, s3;
	s3 =	sand.u32 $0xF0, s8;
	v8 =	vld [tilespmem:s10+$0x0]  }
0x36: {  	s25 =	sor.u32 s30, s28;
	s30 =	sor.u32 s19, s28;
	s3 =	sor.u32 s3, s28;
	v11 =	vadd.s32 s11, v11  }
0x37: {  	s5 =	simm.s32 $0x1A00  }
0x38: {  	[tilespmem:s3+$0x0] =	vst v11;
	s8 =	simm.s32 $0xD00;
	v10 =	vadd.s32 s11, v10;
	s22 =	sand.u32 $0x3800, s5  }
0x39: {  	s5 =	sand.u32 $0x380, s8;
	[tilespmem:s25+$0x0] =	vst v10;
	v9 =	vadd.s32 s11, v9;
	s3 =	sor.u32 s15, s22  }
0x3a: {  	s8 =	sor.u32 s26, s28;
	[tilespmem:s30+$0x0] =	vst v9;
	v8 =	vadd.s32 s11, v8;
	v9 =	vmov s1;
	s9 =	sor.u32 s5, s3  }
0x3b: {  	[tilespmem:s8+$0x0] =	vst v8;
	v8 =	vmul.u32 $0x1A, v9;
	s3 =	sor.u32 s14, s9  }
0x3c: {  	s10 =	simm.s32 $0x0;
	v9 =	vld [tilespmem:s3+$0x0]  }
0x3d: {  	v13 =	vmov s31;
	s26 =	simm.s32 $0x40;
	v8 =	vadd.s32 s10, v8  }
0x3e: {  	v11 =	vmov s6;
	v13 =	vmul.u32 $0x1A, v13;
	s15 =	sand.u32 $0xE0, s12;
	s12 =	simm.s32 $0x0;
	s14 =	sor.u32 s13, s9;
	v8 =	vbroadcast v8, $0x0  }
0x3f: {  	v11 =	vmul.u32 $0x1A, v11;
	s11 =	sor.u32 s17, s9;
	s1 =	sor.u32 s20, s9;
	v12 =	vld [tilespmem:s14+$0x0];
	s14 =	simm.s32 $0x70  }
0x40: {  	v14 =	vmov s15;
	v13 =	vadd.s32 s10, v13;
	s17 =	simm.s32 $0x1A00;
	s20 =	simm.s32 $0x200;
	v15 =	vld [tilespmem:s1+$0x0];
	s19 =	sand.u32 $0xF0, s14;
	v8 =	vadd.s32 v2, v8  }
0x41: {  	s25 =	simm.s32 $0xD00;
	v14 =	vmul.u32 $0x1A, v14;
	v10 =	vld [tilespmem:s11+$0x0];
	s1 =	sand.u32 $0x3800, s17;
	s22 =	sand.u32 $0x400, s20;
	v16 =	vcvt.s32.f32 v9;
	v9 =	vmov s19  }
0x42: {  	v11 =	vadd.s32 s10, v11;
	s5 =	simm.s32 $0x60;
	s8 =	sand.u32 $0x380, s25;
	v13 =	vbroadcast v13, $0x0;
	s1 =	sor.u32 s22, s1;
	v17 =	vmul.u32 $0x1A, v9  }
0x43: {  	s13 =	simm.s32 $0x4;
	v11 =	vbroadcast v11, $0x0;
	v14 =	vadd.s32 s10, v14;
	s28 =	sand.u32 $0x70, s14;
	s6 =	sor.u32 s8, s1  }
0x44: {  	s9 =	sand.u32 $0x40, s26;
	v13 =	vadd.s32 v2, v13;
	s1 =	simm.s32 $0x50;
	v18 =	vbroadcast v14, $0x0;
	s8 =	sor.u32 s28, s6;
	v17 =	vadd.s32 s12, v17  }
0x45: {  	s31 =	sand.u32 $0x60, s5;
	s10 =	sor.u32 s9, s6;
	s30 =	sand.u32 $0x50, s1;
	v14 =	vld [tilespmem:s8+$0x0];
	[tilespmem:v8+s24+$0x0] =	vst.idx.msk $0xffff, v16;
	v8 =	vcvt.s32.f32 v15;
	v16 =	vbroadcast v17, $0x0;
	v15 =	vadd.s32 v2, v11  }
0x46: {  	s9 =	sand.u32 $0xC0, s26;
	s8 =	sor.u32 s30, s6;
	s6 =	sor.u32 s31, s6;
	v9 =	vcvt.s32.f32 v10;
	v10 =	vcvt.s32.f32 v12;
	v12 =	vadd.s32 v2, v18;
	v11 =	vld [tilespmem:s10+$0x0]  }
.LBB2_5:
0x47: {  	s13 =	sadd.s32 $0x4, s13;
	v17 =	vmov s9;
	s1 =	sand.u32 $0xD0, s1;
	v18 =	vld [tilespmem:s8+$0x0];
	s3 =	sand.u32 $0xE0, s5;
	v16 =	vadd.s32 v2, v16  }
0x48: {  	p2 =	slt.u32 s13, $0x19C;
	v17 =	vmul.u32 $0x1A, v17;
	v19 =	vmov s1;
	v20 =	vld [tilespmem:s6+$0x0];
	v21 =	vmov s3;
	s1 =	smov.u32 s12;
	s12 =	sshrl.u32 s13, $0x4  }
0x49: {  	s14 =	sadd.s32 $0x40, s14;
	s20 =	sadd.s32 $0x200, s20;
	s3 =	sadd.s32 $0x1A, s12;
	v19 =	vmul.u32 $0x1A, v19;
	v21 =	vmul.u32 $0x1A, v21  }
0x4a: {  	s6 =	sand.u32 $0xF0, s14;
	s8 =	sand.u32 $0x400, s20;
	s5 =	sshll.u32 s3, $0x8;
	v17 =	vadd.s32 s1, v17;
	v14 =	vcvt.s32.f32 v14;
	[tilespmem:v15+s24+$0x0] =	vst.idx.msk $0xffff, v9  }
0x4b: {  	s3 =	sshll.u32 s3, $0x7;
	v9 =	vmov s6;
	s6 =	sadd.s32 $0xFFFFFFD0, s14;
	s5 =	sand.u32 $0x3800, s5;
	v15 =	vadd.s32 s1, v19;
	v19 =	vadd.s32 s1, v21;
	[tilespmem:v13+s24+$0x0] =	vst.idx.msk $0xffff, v10  }
.Ltmp3:
0x4c: {  	s1 =	sand.u32 $0x380, s3;
	v10 =	vmul.u32 $0x1A, v9;
	v13 =	vbroadcast v17, $0x0;
	s3 =	sor.u32 s8, s5;
	v17 =	vbroadcast v15, $0x0;
	[tilespmem:v16+s24+$0x0] =	vst.idx.msk $0xffff, v14;
	(pc) =	sbr.rel @p2 .LBB2_5-.Ltmp3, $4  }
0x4d: {  	v9 =	vcvt.s32.f32 v11;
	s8 =	sand.u32 $0x70, s14;
	v19 =	vbroadcast v19, $0x0;
	s3 =	sor.u32 s1, s3;
	s1 =	sadd.s32 $0xFFFFFFE0, s14;
	[tilespmem:v12+s24+$0x0] =	vst.idx.msk $0xffff, v8  }
0x4e: {  	s9 =	sand.u32 $0x40, s6;
	s5 =	sadd.s32 $0xFFFFFFF0, s14;
	v11 =	vadd.s32 s12, v10;
	v10 =	vcvt.s32.f32 v18;
	v8 =	vcvt.s32.f32 v20;
	s8 =	sor.u32 s8, s3  }
0x4f: {  	s15 =	sand.u32 $0x60, s5;
	v15 =	vadd.s32 v2, v13;
	s10 =	sor.u32 s9, s3;
	s11 =	sand.u32 $0x50, s1;
	v16 =	vbroadcast v11, $0x0;
	v13 =	vadd.s32 v2, v17;
	v14 =	vld [tilespmem:s8+$0x0]  }
0x50: {  	s9 =	sand.u32 $0xC0, s6;
	s6 =	sor.u32 s15, s3;
	v12 =	vadd.s32 v2, v19;
	s8 =	sor.u32 s11, s3;
	v11 =	vld [tilespmem:s10+$0x0]  }
0x51: {  	v17 =	vmov s9;
	s1 =	sand.u32 $0xD0, s1  }
0x52: {  	s3 =	sand.u32 $0xE0, s5;
	v17 =	vmul.u32 $0x1A, v17;
	v18 =	vmov s1  }
0x53: {  	v19 =	vmov s3;
	v18 =	vmul.u32 $0x1A, v18  }
0x54: {  	v19 =	vmul.u32 $0x1A, v19;
	v17 =	vadd.s32 s12, v17  }
0x55: {  	v18 =	vadd.s32 s12, v18;
	v17 =	vbroadcast v17, $0x0  }
0x56: {  	v16 =	vadd.s32 v2, v16;
	v20 =	vld [tilespmem:s8+$0x0];
	v19 =	vadd.s32 s12, v19;
	v18 =	vbroadcast v18, $0x0  }
0x57: {  	v21 =	vld [tilespmem:s6+$0x0];
	v19 =	vbroadcast v19, $0x0;
	v17 =	vadd.s32 v2, v17  }
0x58: {  	[tilespmem:v15+s24+$0x0] =	vst.idx.msk $0xffff, v9;
	v61 =	vadd.s32 v2, v18  }
0x59: {  	[tilespmem:v13+s24+$0x0] =	vst.idx.msk $0xffff, v10;
	v14 =	vcvt.s32.f32 v14;
	v62 =	vadd.s32 v2, v19  }
0x5a: {  	[tilespmem:v12+s24+$0x0] =	vst.idx.msk $0xffff, v8;
	v11 =	vcvt.s32.f32 v11  }
0x5b: {  	[tilespmem:v16+s24+$0x0] =	vst.idx.msk $0xffff, v14;
	v8 =	vcvt.s32.f32 v20  }
0x5c: {  	s0 =	smul.u32 $0x1A00, s0;
	v63 =	vcvt.s32.f32 v21;
	[tilespmem:v17+s24+$0x0] =	vst.idx.msk $0xffff, v11  }
0x5d: {  	s26 =	rddreg [dreg:$0x6];
	[tilespmem:v61+s24+$0x0] =	vst.idx.msk $0xffff, v8  }
0x5e: {  	[tilespmem:v62+s24+$0x0] =	vst.idx.msk $0xffff, v63;
	s0 =	sadd.s32 s26, s0  }
0x5f: {  	s28 =	rddreg [dreg:$0x4];
	s0 =	sshrl.u32 s0, $0x3  }
0x60: {  	s30 =	simm.s32 $0x3800;
	s1 =	sadd.s32 s28, s0  }
0x61: {  	[hbm4b:s1+s2] =	stream.linear.scatter [tilespmem:s30], [sflag:$0x9], $0x1A00, $0x38;
	[tilespmem:$0xB600] =	vst v63  }
0x62: {  	_ =	swait.ge [sflag:s23], $0x1A00  }
0x63: {  	[sflag:s23] =	ssyncset.done $0x0;
	s31 =	rddreg [dreg:$0x5]  }
.Ltmp4:
0x64: {  	[sflag:s23] =	ssyncadd.s32 $0xFFFFE600;
	s0 =	sadd.s32 s31, s0;
	(pc) =	sbr.rel @p1 .LBB2_2-.Ltmp4, $4  }
0x65: {  	[hbm4b:s0+s2] =	stream.linear.scatter [tilespmem:s24], [sflag:$0x9], $0x1A00, $0x38;
	[tilespmem:$0xB600] =	vst v63  }
0x66: {  	_ =	swait.ge [sflag:s23], $0x1A00  }
0x67: {  	[sflag:s23] =	ssyncset.done $0x0  }
0x68: {  	p2 =	por $0x0, $0x0;
	s0 =	simm.s32 $0x1;
	[sflag:s23] =	ssyncadd.s32 $0xFFFFE600  }
0x69: {  	s0 =	rddreg [dreg:$0x8]  }
0x6a: {  	s25 =	rddreg [dreg:$0x9]  }
0x6b: {  	s26 =	rddreg [dreg:$0xa]  }
0x6c: {  	s31 =	rddreg [dreg:$0xb]  }
0x6d: {  	s8 =	rddreg [dreg:$0x1]  }
0x6e: {  	s10 =	rddreg [dreg:$0xc]  }
0x6f: {  	s9 =	simm.s32 $0x400;
	s19 =	simm.s32 $0xC3800;
	s11 =	rddreg [dreg:$0xd]  }
0x70: {  	[tilespmem:s29], [sflag:$0x1] =	stream.strided.gather [hbm4b:s0+s9], $0x800, s19, s9, $0x38;
	[tilespmem:$0xB600] =	vst v63  }
0x71: {  	s22 =	simm.s32 $0x7400;
	s12 =	simm.s32 $0x0;
	s15 =	rddreg [dreg:$0xe]  }
0x72: {  	[tilespmem:s22], [sflag:$0x2] =	stream.strided.gather [hbm4b:s25+s9], $0x800, s19, s9, $0x38;
	[tilespmem:$0xB600] =	vst v63  }
0x73: {  	s17 =	rddreg [dreg:$0xf];
	s28 =	simm.s32 $0x1;
	s25 =	simm.s32 $0x7C00  }
0x74: {  	[tilespmem:s25], [sflag:$0x3] =	stream.strided.gather [hbm4b:s26+s9], $0x800, s19, s9, $0x38;
	[tilespmem:$0xB600] =	vst v63  }
0x75: {  	s30 =	simm.s32 $0x8E00;
	s0 =	simm.s32 $0x0;
	s26 =	simm.s32 $0x8400  }
0x76: {  	[tilespmem:s26], [sflag:$0x4] =	stream.strided.gather [hbm4b:s31+s9], $0x800, s19, s9, $0x38;
	[tilespmem:$0xB600] =	vst v63  }
.LBB2_8:
0x77: {  	v8 =	vadd.s32 s0, v0;
	s1 =	simm.s32 $0x1  }
0x78: {  	s14 =	simm.s32 $0x2;
	s3 =	simm.s32 $0x3;
	s5 =	simm.s32 $0x4;
	v9 =	vand.u32 $0xF, v8;
	v8 =	vshll.u32 v8, $0x4;
	v10 =	vadd.s32 s1, v0  }
0x79: {  	s20 =	simm.s32 $0x5;
	s31 =	simm.s32 $0x6;
	v11 =	vadd.s32 s14, v0;
	v12 =	vadd.s32 s3, v0;
	v13 =	vadd.s32 s5, v0  }
0x7a: {  	v17 =	vadd.s32 s20, v0;
	v19 =	vadd.s32 s31, v0;
	v8 =	vor.u32 v0, v8  }
0x7b: {  	v16 =	vshll.u32 v10, $0x4;
	v18 =	vshll.u32 v11, $0x4;
	v20 =	vshll.u32 v12, $0x4  }
0x7c: {  	_ =	swait.ge [sflag:s28], $0x800;
	v21 =	vshll.u32 v13, $0x4;
	v22 =	vshll.u32 v17, $0x4;
	v23 =	vshll.u32 v19, $0x4  }
0x7d: {  	p1 =	seq.s32 s12, $0x0;
	[sflag:s28] =	ssyncset.done $0x0;
	v14 =	vand.u32 $0xF, v10;
	v15 =	vand.u32 $0xF, v11;
	v12 =	vand.u32 $0xF, v12  }
0x7e: {  	s1 =	simm.s32 @!p1 $0x5;
	[sflag:s28] =	ssyncadd.s32 $0xFFFFF800;
	v10 =	vor.u32 v0, v16;
	v16 =	vand.u32 $0xF, v13;
	v13 =	vand.u32 $0xF, v17  }
0x7f: {  	_ =	swait.ge @!p1 [sflag:s1], $0x800;
	v24 =	vor.u32 v0, v18;
	v18 =	vor.u32 v0, v20;
	v17 =	vand.u32 $0xF, v19  }
0x80: {  	s13 =	simm.s32 $0x8;
	v8 =	vand.u32 $0x7F, v8;
	v20 =	vor.u32 v0, v21;
	v19 =	vor.u32 v0, v22;
	[sflag:s1] =	ssyncset.done @!p1 $0x0  }
0x81: {  	s14 =	simm.s32 $0x0;
	v21 =	vor.u32 v0, v23;
	v11 =	vand.u32 $0x7F, v10;
	v10 =	vand.u32 $0x7F, v24;
	[sflag:s1] =	ssyncadd.s32 @!p1 $0xFFFFF800;
	s1 =	simm.s32 $0x7  }
.LBB2_9:
0x82: {  	p2 =	slt.u32 s13, $0x78;
	v18 =	vand.u32 $0x7F, v18;
	v20 =	vand.u32 $0x7F, v20;
	v22 =	vadd.s32 s1, v0  }
0x83: {  	s1 =	sand.u32 $0x70, s14;
	v19 =	vand.u32 $0x7F, v19;
	v21 =	vand.u32 $0x7F, v21;
	s14 =	smov.u32 s13;
	v23 =	vand.u32 $0xF, v22  }
0x84: {  	v14 =	vor.u32 s1, v14;
	v15 =	vor.u32 s1, v15;
	v23 =	vor.u32 s1, v23  }
0x85: {  	v12 =	vor.u32 s1, v12;
	v16 =	vor.u32 s1, v16;
	v24 =	vor.u32 v1, v23  }
0x86: {  	v9 =	vor.u32 s1, v9;
	v13 =	vor.u32 s1, v13;
	v17 =	vor.u32 s1, v17  }
0x87: {  	v25 =	vor.u32 v1, v14;
	v26 =	vor.u32 v1, v15;
	v27 =	vor.u32 v1, v12  }
0x88: {  	v22 =	vshll.u32 v22, $0x4;
	v28 =	vor.u32 v1, v16;
	v29 =	vor.u32 v1, v13  }
0x89: {  	v30 =	vor.u32 v1, v17;
	v22 =	vor.u32 v0, v22;
	v23 =	vshll.u32 v23, $0x6  }
0x8a: {  	v31 =	vor.u32 v1, v9;
	v22 =	vand.u32 $0x7F, v22;
	v23 =	vand.u32 $0x1E00, v23;
	v24 =	vld.idx.msk [tilespmem:v24+s29+$0x0], $0xffff  }
0x8b: {  	v14 =	vshll.u32 v14, $0x6;
	v15 =	vshll.u32 v15, $0x6;
	v22 =	vor.u32 v22, v23  }
0x8c: {  	v12 =	vshll.u32 v12, $0x6;
	v16 =	vshll.u32 v16, $0x6;
	v13 =	vshll.u32 v13, $0x6;
	v23 =	vld.idx.msk [tilespmem:v25+s29+$0x0], $0xffff  }
0x8d: {  	v9 =	vshll.u32 v9, $0x6;
	v17 =	vshll.u32 v17, $0x6;
	v14 =	vand.u32 $0x1E00, v14;
	v25 =	vld.idx.msk [tilespmem:v26+s29+$0x0], $0xffff  }
0x8e: {  	v15 =	vand.u32 $0x1E00, v15;
	v12 =	vand.u32 $0x1E00, v12;
	v16 =	vand.u32 $0x1E00, v16;
	v26 =	vld.idx.msk [tilespmem:v27+s29+$0x0], $0xffff  }
0x8f: {  	v9 =	vand.u32 $0x1E00, v9;
	v13 =	vand.u32 $0x1E00, v13;
	v17 =	vand.u32 $0x1E00, v17;
	v27 =	vld.idx.msk [tilespmem:v28+s29+$0x0], $0xffff  }
0x90: {  	v11 =	vor.u32 v11, v14;
	v10 =	vor.u32 v10, v15;
	v28 =	vld.idx.msk [tilespmem:v29+s29+$0x0], $0xffff;
	[tilespmem:v22+s18+$0x0] =	vst.idx.msk $0xffff, v24  }
0x91: {  	v12 =	vor.u32 v18, v12;
	v16 =	vor.u32 v20, v16;
	v18 =	vor.u32 v19, v13;
	v19 =	vld.idx.msk [tilespmem:v30+s29+$0x0], $0xffff  }
0x92: {  	s1 =	sadd.s32 $0x1, s13;
	v13 =	vadd.s32 s13, v0;
	v24 =	vor.u32 v8, v9;
	v8 =	vor.u32 v21, v17;
	v22 =	vld.idx.msk [tilespmem:v31+s29+$0x0], $0xffff  }
0x93: {  	s3 =	sadd.s32 $0x3, s13;
	s5 =	sadd.s32 $0x4, s13;
	v14 =	vadd.s32 s1, v0;
	s1 =	sadd.s32 $0x2, s13;
	v9 =	vand.u32 $0xF, v13;
	v13 =	vshll.u32 v13, $0x4  }
0x94: {  	v20 =	vadd.s32 s5, v0;
	v15 =	vadd.s32 s1, v0;
	s1 =	sadd.s32 $0x5, s13;
	v17 =	vadd.s32 s3, v0;
	s3 =	sadd.s32 $0x6, s13  }
0x95: {  	v21 =	vor.u32 v0, v13;
	v13 =	vadd.s32 s1, v0;
	v29 =	vadd.s32 s3, v0;
	[tilespmem:v11+s18+$0x0] =	vst.idx.msk $0xffff, v23  }
0x96: {  	v30 =	vshll.u32 v17, $0x4;
	v11 =	vshll.u32 v14, $0x4;
	v23 =	vshll.u32 v15, $0x4;
	[tilespmem:v10+s18+$0x0] =	vst.idx.msk $0xffff, v25  }
0x97: {  	v31 =	vshll.u32 v29, $0x4;
	v10 =	vshll.u32 v20, $0x4;
	v25 =	vshll.u32 v13, $0x4;
	[tilespmem:v12+s18+$0x0] =	vst.idx.msk $0xffff, v26  }
.Ltmp5:
0x98: {  	v14 =	vand.u32 $0xF, v14;
	v15 =	vand.u32 $0xF, v15;
	v12 =	vand.u32 $0xF, v17;
	[tilespmem:v16+s18+$0x0] =	vst.idx.msk $0xffff, v27;
	(pc) =	sbr.rel @p2 .LBB2_9-.Ltmp5, $4  }
0x99: {  	v11 =	vor.u32 v0, v11;
	v13 =	vand.u32 $0xF, v13;
	v16 =	vand.u32 $0xF, v20;
	[tilespmem:v18+s18+$0x0] =	vst.idx.msk $0xffff, v28  }
0x9a: {  	v23 =	vor.u32 v0, v23;
	v17 =	vand.u32 $0xF, v29;
	v18 =	vor.u32 v0, v30;
	[tilespmem:v8+s18+$0x0] =	vst.idx.msk $0xffff, v19  }
0x9b: {  	v20 =	vor.u32 v0, v10;
	v8 =	vand.u32 $0x7F, v21;
	v19 =	vor.u32 v0, v25;
	[tilespmem:v24+s18+$0x0] =	vst.idx.msk $0xffff, v22  }
0x9c: {  	s13 =	sadd.s32 $0x8, s13;
	s1 =	sadd.s32 $0x7, s14;
	v11 =	vand.u32 $0x7F, v11;
	v10 =	vand.u32 $0x7F, v23;
	v21 =	vor.u32 v0, v31  }
0x9d: {  	v18 =	vand.u32 $0x7F, v18;
	v20 =	vand.u32 $0x7F, v20;
	v22 =	vadd.s32 s1, v0  }
0x9e: {  	s31 =	sand.u32 $0x70, s14;
	v19 =	vand.u32 $0x7F, v19;
	v21 =	vand.u32 $0x7F, v21;
	v23 =	vand.u32 $0xF, v22  }
0x9f: {  	v14 =	vor.u32 s31, v14;
	v15 =	vor.u32 s31, v15;
	v12 =	vor.u32 s31, v12  }
0xa0: {  	v16 =	vor.u32 s31, v16;
	v9 =	vor.u32 s31, v9;
	v13 =	vor.u32 s31, v13  }
0xa1: {  	v17 =	vor.u32 s31, v17;
	v22 =	vshll.u32 v22, $0x4;
	v25 =	vor.u32 v1, v14  }
0xa2: {  	v23 =	vor.u32 s31, v23;
	v26 =	vor.u32 v1, v15;
	v27 =	vor.u32 v1, v12  }
0xa3: {  	v28 =	vor.u32 v1, v16;
	v29 =	vor.u32 v1, v13;
	v30 =	vor.u32 v1, v17  }
0xa4: {  	v22 =	vor.u32 v0, v22;
	v31 =	vor.u32 v1, v9;
	v14 =	vshll.u32 v14, $0x6  }
0xa5: {  	v15 =	vshll.u32 v15, $0x6;
	v12 =	vshll.u32 v12, $0x6;
	v14 =	vand.u32 $0x1E00, v14  }
0xa6: {  	v57 =	vshll.u32 v16, $0x6;
	v15 =	vand.u32 $0x1E00, v15;
	v11 =	vor.u32 v11, v14;
	v56 =	vld.idx.msk [tilespmem:v25+s29+$0x0], $0xffff  }
0xa7: {  	s13 =	sshll.u32 s12, $0x7;
	v13 =	vshll.u32 v13, $0x6;
	v12 =	vand.u32 $0x1E00, v12;
	v10 =	vor.u32 v10, v15;
	v58 =	vld.idx.msk [tilespmem:v26+s29+$0x0], $0xffff  }
0xa8: {  	s20 =	sor.u32 s7, s13;
	v24 =	vor.u32 v1, v23;
	v14 =	vand.u32 $0x1E00, v57;
	v12 =	vor.u32 v18, v12;
	v59 =	vld.idx.msk [tilespmem:v27+s29+$0x0], $0xffff  }
0xa9: {  	s3 =	smulhi.u32 $0x14FA6D7B, s20;
	v17 =	vshll.u32 v17, $0x6;
	v13 =	vand.u32 $0x1E00, v13;
	v14 =	vor.u32 v20, v14;
	v60 =	vld.idx.msk [tilespmem:v28+s29+$0x0], $0xffff  }
0xaa: {  	v9 =	vshll.u32 v9, $0x6;
	v17 =	vand.u32 $0x1E00, v17;
	v13 =	vor.u32 v19, v13;
	v61 =	vld.idx.msk [tilespmem:v29+s29+$0x0], $0xffff  }
0xab: {  	v23 =	vshll.u32 v23, $0x6;
	v9 =	vand.u32 $0x1E00, v9;
	s1 =	sshrl.u32 s3, $0x6;
	v17 =	vor.u32 v21, v17;
	v62 =	vld.idx.msk [tilespmem:v30+s29+$0x0], $0xffff;
	[tilespmem:v11+s18+$0x0] =	vst.idx.msk $0xffff, v56  }
0xac: {  	v22 =	vand.u32 $0x7F, v22;
	v23 =	vand.u32 $0x1E00, v23;
	v8 =	vor.u32 v8, v9;
	s3 =	smul.u32 $0x30D, s1;
	v63 =	vld.idx.msk [tilespmem:v31+s29+$0x0], $0xffff;
	[tilespmem:v10+s18+$0x0] =	vst.idx.msk $0xffff, v58  }
0xad: {  	v22 =	vor.u32 v22, v23;
	v24 =	vld.idx.msk [tilespmem:v24+s29+$0x0], $0xffff;
	[tilespmem:v12+s18+$0x0] =	vst.idx.msk $0xffff, v59  }
0xae: {  	s1 =	smul.u32 $0x30D40, s1;
	s3 =	ssub.s32 s20, s3;
	[tilespmem:v14+s18+$0x0] =	vst.idx.msk $0xffff, v60  }
0xaf: {  	s3 =	sshll.u32 s3, $0x8;
	[tilespmem:v13+s18+$0x0] =	vst.idx.msk $0xffff, v61  }
0xb0: {  	s1 =	sadd.s32 s1, s3;
	[tilespmem:v17+s18+$0x0] =	vst.idx.msk $0xffff, v62  }
0xb1: {  	s1 =	sand.u32 $0x1FFFFFC0, s1;
	[tilespmem:v8+s18+$0x0] =	vst.idx.msk $0xffff, v63  }
0xb2: {  	s1 =	sadd.s32 s4, s1;
	[tilespmem:v22+s18+$0x0] =	vst.idx.msk $0xffff, v24  }
0xb3: {  	[hbm4b:s1+s2] =	stream.linear.scatter [tilespmem:s18], [sflag:$0x5], $0x80, $0x38;
	[tilespmem:$0xB600] =	vst v63  }
0xb4: {  	s5 =	sadd.s32 $0x10, s1  }
0xb5: {  	[hbm4b:s5+s2] =	stream.linear.scatter [tilespmem:s30], [sflag:$0x5], $0x80, $0x38;
	[tilespmem:$0xB600] =	vst v63  }
0xb6: {  	s6 =	sadd.s32 $0x20, s1;
	s5 =	simm.s32 $0x9000  }
0xb7: {  	[hbm4b:s6+s2] =	stream.linear.scatter [tilespmem:s5], [sflag:$0x5], $0x80, $0x38;
	[tilespmem:$0xB600] =	vst v63  }
0xb8: {  	s31 =	simm.s32 $0x9200;
	s14 =	sadd.s32 $0x30, s1  }
0xb9: {  	[hbm4b:s14+s2] =	stream.linear.scatter [tilespmem:s31], [sflag:$0x5], $0x80, $0x38;
	[tilespmem:$0xB600] =	vst v63  }
0xba: {  	s5 =	sadd.s32 $0x40, s1;
	s6 =	simm.s32 $0x9400  }
0xbb: {  	[hbm4b:s5+s2] =	stream.linear.scatter [tilespmem:s6], [sflag:$0x5], $0x80, $0x38;
	[tilespmem:$0xB600] =	vst v63  }
0xbc: {  	s14 =	sadd.s32 $0x50, s1;
	s31 =	simm.s32 $0x9600  }
0xbd: {  	[hbm4b:s14+s2] =	stream.linear.scatter [tilespmem:s31], [sflag:$0x5], $0x80, $0x38;
	[tilespmem:$0xB600] =	vst v63  }
0xbe: {  	s5 =	sadd.s32 $0x60, s1;
	s6 =	simm.s32 $0x9800  }
0xbf: {  	[hbm4b:s5+s2] =	stream.linear.scatter [tilespmem:s6], [sflag:$0x5], $0x80, $0x38;
	[tilespmem:$0xB600] =	vst v63  }
0xc0: {  	s14 =	sadd.s32 $0x70, s1;
	s31 =	simm.s32 $0x9A00  }
0xc1: {  	[hbm4b:s14+s2] =	stream.linear.scatter [tilespmem:s31], [sflag:$0x5], $0x80, $0x38;
	[tilespmem:$0xB600] =	vst v63  }
0xc2: {  	s5 =	sadd.s32 $0x80, s1;
	s6 =	simm.s32 $0x9C00  }
0xc3: {  	[hbm4b:s5+s2] =	stream.linear.scatter [tilespmem:s6], [sflag:$0x5], $0x80, $0x38;
	[tilespmem:$0xB600] =	vst v63  }
0xc4: {  	s14 =	sadd.s32 $0x90, s1;
	s31 =	simm.s32 $0x9E00  }
0xc5: {  	[hbm4b:s14+s2] =	stream.linear.scatter [tilespmem:s31], [sflag:$0x5], $0x80, $0x38;
	[tilespmem:$0xB600] =	vst v63  }
0xc6: {  	s5 =	sadd.s32 $0xA0, s1;
	s6 =	simm.s32 $0xA000  }
0xc7: {  	[hbm4b:s5+s2] =	stream.linear.scatter [tilespmem:s6], [sflag:$0x5], $0x80, $0x38;
	[tilespmem:$0xB600] =	vst v63  }
0xc8: {  	s14 =	sadd.s32 $0xB0, s1;
	s31 =	simm.s32 $0xA200  }
0xc9: {  	[hbm4b:s14+s2] =	stream.linear.scatter [tilespmem:s31], [sflag:$0x5], $0x80, $0x38;
	[tilespmem:$0xB600] =	vst v63  }
0xca: {  	s5 =	sadd.s32 $0xC0, s1;
	s6 =	simm.s32 $0xA400  }
0xcb: {  	[hbm4b:s5+s2] =	stream.linear.scatter [tilespmem:s6], [sflag:$0x5], $0x80, $0x38;
	[tilespmem:$0xB600] =	vst v63  }
0xcc: {  	p2 =	sne.s32 s12, $0x9E;
	s14 =	sadd.s32 $0xD0, s1;
	s31 =	simm.s32 $0xA600  }
0xcd: {  	[hbm4b:s14+s2] =	stream.linear.scatter [tilespmem:s31], [sflag:$0x5], $0x80, $0x38;
	[tilespmem:$0xB600] =	vst v63  }
.Ltmp6:
0xce: {  	_ = 	snop;
	(pc) =	sbr.rel @p2 .LBB2_12-.Ltmp6, $4  }
0xcf: {  	s6 =	sadd.s32 $0xE0, s1;
	s14 =	simm.s32 $0xA800  }
0xd0: {  	[hbm4b:s6+s2] =	stream.linear.scatter [tilespmem:s14], [sflag:$0x5], $0x80, $0x38;
	[tilespmem:$0xB600] =	vst v63  }
0xd1: {  	s1 =	sadd.s32 $0xF0, s1;
	s31 =	simm.s32 $0xAA00  }
0xd2: {  	[hbm4b:s1+s2] =	stream.linear.scatter [tilespmem:s31], [sflag:$0x5], $0x80, $0x38;
	[tilespmem:$0xB600] =	vst v63  }
.Ltmp7:
0xd3: {  	(pc) =	sbr.rel .LBB2_13-.Ltmp7, $4  }
0xd4: {  	s1 =	simm.s32 $0x2  }
0xd5: {  	_ =	swait.ge [sflag:s1], $0x800  }
0xd6: {  	[sflag:s1] =	ssyncset.done $0x0  }
0xd7: {  	[sflag:s1] =	ssyncadd.s32 $0xFFFFF800  }
.LBB2_12:
0xd8: {  	s1 =	sadd.s32 s10, s13  }
0xd9: {  	s3 =	smov.u32 s7;
	p3 =	slt.u32 s1, $0x4F52  }
0xda: {  	s3 =	smov.u32 @p3 s1  }
0xdb: {  	s1 =	smulhi.u32 $0x14FA6D7B, s3;
	_ =	sdelay $0x1  }
0xdc: {  	s1 =	sshrl.u32 s1, $0x6  }
0xdd: {  	s5 =	smul.u32 $0x30D, s1;
	_ =	sdelay $0x1  }
0xde: {  	s1 =	smul.u32 $0x187000, s1;
	s3 =	ssub.s32 s3, s5  }
0xdf: {  	s3 =	sshll.u32 s3, $0xA  }
0xe0: {  	s1 =	sadd.s32 s3, s1  }
0xe1: {  	s1 =	sshrl.u32 s1, $0x3  }
.Ltmp8:
0xe2: {  	s31 =	simm.s32 $0x2;
	s1 =	sadd.s32 s8, s1;
	(pc) =	sbr.rel @p1 .LBB2_14-.Ltmp8, $4  }
0xe3: {  	[tilespmem:s29], [sflag:$0x1] =	stream.strided.gather [hbm4b:s1+s9], $0x800, s19, s9, $0x38;
	[tilespmem:$0xB600] =	vst v63  }
0xe4: {  	_ =	swait.ge [sflag:s31], $0x800  }
0xe5: {  	[sflag:s31] =	ssyncset.done $0x0  }
0xe6: {  	[sflag:s31] =	ssyncadd.s32 $0xFFFFF800  }
.LBB2_13:
0xe7: {  	s1 =	simm.s32 $0x6  }
0xe8: {  	_ =	swait.ge [sflag:s1], $0x800  }
0xe9: {  	[sflag:s1] =	ssyncset.done $0x0  }
0xea: {  	[sflag:s1] =	ssyncadd.s32 $0xFFFFF800  }
.LBB2_14:
0xeb: {  	s1 =	simm.s32 $0x0;
	s3 =	simm.s32 $0x1;
	s5 =	simm.s32 $0x2  }
0xec: {  	s6 =	simm.s32 $0x3;
	s31 =	simm.s32 $0x5;
	s14 =	simm.s32 $0x6;
	v8 =	vadd.s32 s1, v0;
	v9 =	vadd.s32 s3, v0;
	v10 =	vadd.s32 s5, v0  }
0xed: {  	s5 =	simm.s32 $0x4;
	v11 =	vadd.s32 s6, v0;
	v13 =	vadd.s32 s31, v0;
	s31 =	simm.s32 $0x7;
	v14 =	vadd.s32 s14, v0  }
0xee: {  	v12 =	vadd.s32 s5, v0;
	v9 =	vand.u32 $0xF, v9;
	v15 =	vadd.s32 s31, v0  }
0xef: {  	v10 =	vand.u32 $0xF, v10;
	v11 =	vand.u32 $0xF, v11;
	v13 =	vand.u32 $0xF, v13  }
0xf0: {  	s1 =	sand.u32 $0x70, s1;
	v14 =	vand.u32 $0xF, v14;
	v8 =	vand.u32 $0xF, v8;
	v15 =	vand.u32 $0xF, v15  }
0xf1: {  	v19 =	vshll.u32 v10, $0x4;
	v16 =	vor.u32 s1, v11;
	v21 =	vshll.u32 v9, $0x4  }
0xf2: {  	v11 =	vshll.u32 v11, $0x4;
	v22 =	vor.u32 s1, v14;
	v12 =	vand.u32 $0xF, v12  }
0xf3: {  	v9 =	vor.u32 s1, v9;
	v17 =	vor.u32 s1, v15;
	v20 =	vor.u32 v3, v16  }
0xf4: {  	v24 =	vshll.u32 v15, $0x4;
	v15 =	vor.u32 s1, v13;
	v25 =	vor.u32 v3, v22  }
0xf5: {  	v26 =	vshll.u32 v12, $0x4;
	v28 =	vshll.u32 v22, $0x6;
	v16 =	vshll.u32 v16, $0x6  }
0xf6: {  	v12 =	vor.u32 s1, v12;
	v32 =	vor.u32 v3, v9;
	v9 =	vshll.u32 v9, $0x6  }
0xf7: {  	v18 =	vor.u32 v3, v17;
	v23 =	vor.u32 v3, v15;
	v27 =	vshll.u32 v15, $0x6  }
0xf8: {  	v29 =	vshll.u32 v17, $0x6;
	v15 =	vor.u32 s1, v8;
	v17 =	vor.u32 s1, v10  }
0xf9: {  	v8 =	vshll.u32 v8, $0x4;
	v33 =	vor.u32 v3, v12;
	v9 =	vand.u32 $0x1E00, v9  }
0xfa: {  	v16 =	vand.u32 $0x1E00, v16;
	v22 =	vor.u32 v3, v15;
	v10 =	vshll.u32 v15, $0x6  }
0xfb: {  	v30 =	vshll.u32 v17, $0x6;
	v15 =	vshll.u32 v14, $0x4;
	v10 =	vand.u32 $0x1E00, v10  }
0xfc: {  	v21 =	vor.u32 v9, v21;
	v31 =	vor.u32 v10, v8;
	v10 =	vshll.u32 v12, $0x6;
	v9 =	vld.idx.msk [tilespmem:v25+s29+$0x0], $0xffff  }
0xfd: {  	v27 =	vand.u32 $0x1E00, v27;
	v14 =	vor.u32 v3, v17;
	v12 =	vand.u32 $0x1E00, v10;
	v8 =	vld.idx.msk [tilespmem:v18+s29+$0x0], $0xffff  }
0xfe: {  	v21 =	vor.u32 v4, v21;
	v10 =	vld.idx.msk [tilespmem:v23+s29+$0x0], $0xffff;
	v12 =	vor.u32 v12, v26;
	v18 =	vor.u32 v4, v31  }
0xff: {  	v23 =	vor.u32 v16, v11;
	v26 =	vand.u32 $0x1E00, v29;
	v16 =	vld.idx.msk [tilespmem:v22+s29+$0x0], $0xffff;
	v22 =	vand.u32 $0x1E00, v30  }
0x100: {  	v17 =	vld.idx.msk [tilespmem:v20+s29+$0x0], $0xffff;
	v11 =	vor.u32 v4, v12;
	v12 =	vshll.u32 v13, $0x4;
	v24 =	vor.u32 v26, v24  }
0x101: {  	v13 =	vld.idx.msk [tilespmem:v33+s29+$0x0], $0xffff;
	v25 =	vor.u32 v22, v19;
	v22 =	vor.u32 v4, v23;
	v12 =	vor.u32 v27, v12  }
0x102: {  	s14 =	simm.s32 $0x8;
	v23 =	vand.u32 $0x1E00, v28;
	v19 =	vld.idx.msk [tilespmem:v32+s29+$0x0], $0xffff;
	v20 =	vor.u32 v4, v12;
	v12 =	vor.u32 v4, v25  }
.LBB2_15:
0x103: {  	s1 =	sadd.s32 $0x1, s14  }
0x104: {  	v25 =	vadd.s32 s14, v0;
	s3 =	sadd.s32 $0x2, s14;
	s5 =	sadd.s32 $0x3, s14;
	v15 =	vor.u32 v23, v15;
	v23 =	vor.u32 v4, v24;
	s6 =	smov.u32 s14  }
0x105: {  	v24 =	vadd.s32 s1, v0;
	v26 =	vadd.s32 s3, v0;
	v27 =	vadd.s32 s5, v0;
	s1 =	sadd.s32 $0x4, s14;
	s3 =	sadd.s32 $0x5, s14;
	s5 =	sadd.s32 $0x6, s14;
	[tilespmem:v18+s18+$0x0] =	vst.idx.msk $0xffff, v16  }
0x106: {  	p3 =	slt.u32 s14, $0x78;
	s14 =	sadd.s32 $0x8, s14;
	v15 =	vor.u32 v4, v15;
	v16 =	vadd.s32 s1, v0;
	v18 =	vadd.s32 s3, v0;
	s1 =	sadd.s32 $0x7, s6;
	v14 =	vld.idx.msk [tilespmem:v14+s29+$0x0], $0xffff;
	[tilespmem:v22+s18+$0x0] =	vst.idx.msk $0xffff, v17  }
0x107: {  	v17 =	vand.u32 $0xF, v24;
	v22 =	vadd.s32 s5, v0;
	v24 =	vadd.s32 s1, v0;
	[tilespmem:v20+s18+$0x0] =	vst.idx.msk $0xffff, v10  }
0x108: {  	s1 =	sand.u32 $0x70, s6;
	v10 =	vand.u32 $0xF, v26;
	v20 =	vand.u32 $0xF, v27;
	v24 =	vand.u32 $0xF, v24;
	[tilespmem:v21+s18+$0x0] =	vst.idx.msk $0xffff, v19  }
0x109: {  	v19 =	vshll.u32 v10, $0x4;
	v21 =	vor.u32 s1, v20;
	v26 =	vor.u32 s1, v24;
	[tilespmem:v11+s18+$0x0] =	vst.idx.msk $0xffff, v13  }
0x10a: {  	v11 =	vor.u32 v3, v21;
	v24 =	vshll.u32 v24, $0x4;
	v13 =	vor.u32 v3, v26;
	[tilespmem:v23+s18+$0x0] =	vst.idx.msk $0xffff, v8  }
0x10b: {  	v27 =	vand.u32 $0xF, v18;
	v18 =	vand.u32 $0xF, v22;
	v23 =	vshll.u32 v17, $0x4;
	[tilespmem:v15+s18+$0x0] =	vst.idx.msk $0xffff, v9  }
0x10c: {  	v20 =	vshll.u32 v20, $0x4;
	v8 =	vor.u32 s1, v27;
	v9 =	vor.u32 s1, v18  }
0x10d: {  	v15 =	vand.u32 $0xF, v16;
	v16 =	vor.u32 v3, v8;
	v22 =	vor.u32 v3, v9;
	[tilespmem:v12+s18+$0x0] =	vst.idx.msk $0xffff, v14  }
0x10e: {  	v28 =	vshll.u32 v9, $0x6;
	v12 =	vshll.u32 v15, $0x4;
	v14 =	vshll.u32 v8, $0x6  }
0x10f: {  	v17 =	vor.u32 s1, v17;
	v9 =	vand.u32 $0xF, v25;
	v25 =	vshll.u32 v26, $0x6;
	v8 =	vld.idx.msk [tilespmem:v13+s29+$0x0], $0xffff  }
0x110: {  	v21 =	vshll.u32 v21, $0x6;
	v26 =	vor.u32 s1, v10;
	v13 =	vor.u32 s1, v9  }
0x111: {  	v29 =	vor.u32 v3, v13;
	v10 =	vshll.u32 v13, $0x6;
	v13 =	vshll.u32 v26, $0x6  }
0x112: {  	v15 =	vor.u32 s1, v15;
	v9 =	vshll.u32 v9, $0x4;
	v30 =	vand.u32 $0x1E00, v10;
	v10 =	vld.idx.msk [tilespmem:v16+s29+$0x0], $0xffff  }
0x113: {  	v31 =	vor.u32 v3, v17;
	v32 =	vor.u32 v3, v15;
	v30 =	vor.u32 v30, v9;
	v9 =	vld.idx.msk [tilespmem:v22+s29+$0x0], $0xffff  }
0x114: {  	v16 =	vshll.u32 v17, $0x6;
	v17 =	vshll.u32 v15, $0x6;
	v15 =	vshll.u32 v18, $0x4  }
0x115: {  	v33 =	vand.u32 $0x1E00, v14;
	v18 =	vand.u32 $0x1E00, v16;
	v17 =	vand.u32 $0x1E00, v17  }
0x116: {  	v21 =	vand.u32 $0x1E00, v21;
	v12 =	vor.u32 v17, v12;
	v16 =	vld.idx.msk [tilespmem:v29+s29+$0x0], $0xffff;
	v29 =	vor.u32 v18, v23  }
.Ltmp9:
0x117: {  	v20 =	vor.u32 v21, v20;
	v14 =	vor.u32 v3, v26;
	v18 =	vor.u32 v4, v30;
	v17 =	vld.idx.msk [tilespmem:v11+s29+$0x0], $0xffff;
	(pc) =	sbr.rel @p3 .LBB2_15-.Ltmp9, $4  }
0x118: {  	v21 =	vand.u32 $0x1E00, v13;
	v11 =	vor.u32 v4, v12;
	v12 =	vshll.u32 v27, $0x4;
	v13 =	vld.idx.msk [tilespmem:v32+s29+$0x0], $0xffff  }
0x119: {  	v26 =	vor.u32 v21, v19;
	v22 =	vor.u32 v4, v20;
	v12 =	vor.u32 v33, v12  }
0x11a: {  	v25 =	vand.u32 $0x1E00, v25;
	v23 =	vand.u32 $0x1E00, v28;
	v20 =	vor.u32 v4, v12;
	v19 =	vld.idx.msk [tilespmem:v31+s29+$0x0], $0xffff  }
0x11b: {  	v24 =	vor.u32 v25, v24;
	v21 =	vor.u32 v4, v29;
	v12 =	vor.u32 v4, v26  }
0x11c: {  	_ = 	snop  }
0x11d: {  	s1 =	sor.u32 $0x20, s20  }
0x11e: {  	s3 =	smulhi.u32 $0x14FA6D7B, s1;
	_ =	sdelay $0x1  }
0x11f: {  	v63 =	vor.u32 v4, v24;
	[tilespmem:v18+s18+$0x0] =	vst.idx.msk $0xffff, v16;
	s3 =	sshrl.u32 s3, $0x6  }
0x120: {  	v15 =	vor.u32 v23, v15;
	[tilespmem:v22+s18+$0x0] =	vst.idx.msk $0xffff, v17;
	v14 =	vld.idx.msk [tilespmem:v14+s29+$0x0], $0xffff;
	s5 =	smul.u32 $0x30D, s3  }
0x121: {  	[tilespmem:v20+s18+$0x0] =	vst.idx.msk $0xffff, v10;
	v15 =	vor.u32 v4, v15  }
0x122: {  	[tilespmem:v11+s18+$0x0] =	vst.idx.msk $0xffff, v13;
	s3 =	smul.u32 $0x30D40, s3;
	s1 =	ssub.s32 s1, s5  }
0x123: {  	[tilespmem:v21+s18+$0x0] =	vst.idx.msk $0xffff, v19;
	s1 =	sshll.u32 s1, $0x8  }
0x124: {  	[tilespmem:v63+s18+$0x0] =	vst.idx.msk $0xffff, v8;
	s1 =	sadd.s32 s3, s1  }
0x125: {  	[tilespmem:v12+s18+$0x0] =	vst.idx.msk $0xffff, v14;
	s1 =	sand.u32 $0x1FFFFFC0, s1  }
0x126: {  	s6 =	simm.s32 $0x8C80;
	[tilespmem:v15+s18+$0x0] =	vst.idx.msk $0xffff, v9;
	s1 =	sadd.s32 s4, s1  }
0x127: {  	[hbm4b:s1+s2] =	stream.linear.scatter [tilespmem:s6], [sflag:$0x6], $0x80, $0x38;
	[tilespmem:$0xB600] =	vst v63  }
0x128: {  	s31 =	simm.s32 $0x8E80;
	s14 =	sadd.s32 $0x10, s1  }
0x129: {  	[hbm4b:s14+s2] =	stream.linear.scatter [tilespmem:s31], [sflag:$0x6], $0x80, $0x38;
	[tilespmem:$0xB600] =	vst v63  }
0x12a: {  	s5 =	sadd.s32 $0x20, s1;
	s6 =	simm.s32 $0x9080  }
0x12b: {  	[hbm4b:s5+s2] =	stream.linear.scatter [tilespmem:s6], [sflag:$0x6], $0x80, $0x38;
	[tilespmem:$0xB600] =	vst v63  }
0x12c: {  	s14 =	sadd.s32 $0x30, s1;
	s31 =	simm.s32 $0x9280  }
0x12d: {  	[hbm4b:s14+s2] =	stream.linear.scatter [tilespmem:s31], [sflag:$0x6], $0x80, $0x38;
	[tilespmem:$0xB600] =	vst v63  }
0x12e: {  	s5 =	sadd.s32 $0x40, s1;
	s6 =	simm.s32 $0x9480  }
0x12f: {  	[hbm4b:s5+s2] =	stream.linear.scatter [tilespmem:s6], [sflag:$0x6], $0x80, $0x38;
	[tilespmem:$0xB600] =	vst v63  }
0x130: {  	s14 =	sadd.s32 $0x50, s1;
	s31 =	simm.s32 $0x9680  }
0x131: {  	[hbm4b:s14+s2] =	stream.linear.scatter [tilespmem:s31], [sflag:$0x6], $0x80, $0x38;
	[tilespmem:$0xB600] =	vst v63  }
0x132: {  	s5 =	sadd.s32 $0x60, s1;
	s6 =	simm.s32 $0x9880  }
0x133: {  	[hbm4b:s5+s2] =	stream.linear.scatter [tilespmem:s6], [sflag:$0x6], $0x80, $0x38;
	[tilespmem:$0xB600] =	vst v63  }
0x134: {  	s14 =	sadd.s32 $0x70, s1;
	s31 =	simm.s32 $0x9A80  }
0x135: {  	[hbm4b:s14+s2] =	stream.linear.scatter [tilespmem:s31], [sflag:$0x6], $0x80, $0x38;
	[tilespmem:$0xB600] =	vst v63  }
0x136: {  	s5 =	sadd.s32 $0x80, s1;
	s6 =	simm.s32 $0x9C80  }
0x137: {  	[hbm4b:s5+s2] =	stream.linear.scatter [tilespmem:s6], [sflag:$0x6], $0x80, $0x38;
	[tilespmem:$0xB600] =	vst v63  }
0x138: {  	s14 =	sadd.s32 $0x90, s1;
	s31 =	simm.s32 $0x9E80  }
0x139: {  	[hbm4b:s14+s2] =	stream.linear.scatter [tilespmem:s31], [sflag:$0x6], $0x80, $0x38;
	[tilespmem:$0xB600] =	vst v63  }
0x13a: {  	s5 =	sadd.s32 $0xA0, s1;
	s6 =	simm.s32 $0xA080  }
0x13b: {  	[hbm4b:s5+s2] =	stream.linear.scatter [tilespmem:s6], [sflag:$0x6], $0x80, $0x38;
	[tilespmem:$0xB600] =	vst v63  }
0x13c: {  	s14 =	sadd.s32 $0xB0, s1;
	s31 =	simm.s32 $0xA280  }
0x13d: {  	[hbm4b:s14+s2] =	stream.linear.scatter [tilespmem:s31], [sflag:$0x6], $0x80, $0x38;
	[tilespmem:$0xB600] =	vst v63  }
0x13e: {  	s5 =	sadd.s32 $0xC0, s1;
	s6 =	simm.s32 $0xA480  }
0x13f: {  	[hbm4b:s5+s2] =	stream.linear.scatter [tilespmem:s6], [sflag:$0x6], $0x80, $0x38;
	[tilespmem:$0xB600] =	vst v63  }
0x140: {  	s14 =	sadd.s32 $0xD0, s1;
	s31 =	simm.s32 $0xA680  }
0x141: {  	[hbm4b:s14+s2] =	stream.linear.scatter [tilespmem:s31], [sflag:$0x6], $0x80, $0x38;
	[tilespmem:$0xB600] =	vst v63  }
.Ltmp10:
0x142: {  	_ = 	snop;
	(pc) =	sbr.rel @p2 .LBB2_18-.Ltmp10, $4  }
0x143: {  	s6 =	sadd.s32 $0xE0, s1;
	s14 =	simm.s32 $0xA880  }
0x144: {  	[hbm4b:s6+s2] =	stream.linear.scatter [tilespmem:s14], [sflag:$0x6], $0x80, $0x38;
	[tilespmem:$0xB600] =	vst v63  }
0x145: {  	s1 =	sadd.s32 $0xF0, s1;
	s31 =	simm.s32 $0xAA80  }
0x146: {  	[hbm4b:s1+s2] =	stream.linear.scatter [tilespmem:s31], [sflag:$0x6], $0x80, $0x38;
	[tilespmem:$0xB600] =	vst v63  }
.Ltmp11:
0x147: {  	(pc) =	sbr.rel .LBB2_19-.Ltmp11, $4  }
0x148: {  	s1 =	simm.s32 $0x3  }
0x149: {  	_ =	swait.ge [sflag:s1], $0x800  }
0x14a: {  	[sflag:s1] =	ssyncset.done $0x0  }
0x14b: {  	[sflag:s1] =	ssyncadd.s32 $0xFFFFF800  }
.LBB2_18:
0x14c: {  	s1 =	sadd.s32 s11, s13  }
0x14d: {  	s3 =	smov.u32 s7;
	p3 =	slt.u32 s1, $0x4F52  }
0x14e: {  	s3 =	smov.u32 @p3 s1  }
0x14f: {  	s1 =	smulhi.u32 $0x14FA6D7B, s3;
	_ =	sdelay $0x1  }
0x150: {  	s1 =	sshrl.u32 s1, $0x6  }
0x151: {  	s5 =	smul.u32 $0x30D, s1;
	_ =	sdelay $0x1  }
0x152: {  	s1 =	smul.u32 $0x187000, s1;
	s3 =	ssub.s32 s3, s5  }
0x153: {  	s3 =	sshll.u32 s3, $0xA  }
0x154: {  	s1 =	sadd.s32 s3, s1  }
0x155: {  	s1 =	sshrl.u32 s1, $0x3  }
.Ltmp12:
0x156: {  	s31 =	simm.s32 $0x3;
	s1 =	sadd.s32 s8, s1;
	(pc) =	sbr.rel @p1 .LBB2_20-.Ltmp12, $4  }
0x157: {  	[tilespmem:s22], [sflag:$0x2] =	stream.strided.gather [hbm4b:s1+s9], $0x800, s19, s9, $0x38;
	[tilespmem:$0xB600] =	vst v63  }
0x158: {  	_ =	swait.ge [sflag:s31], $0x800  }
0x159: {  	[sflag:s31] =	ssyncset.done $0x0  }
0x15a: {  	[sflag:s31] =	ssyncadd.s32 $0xFFFFF800  }
.LBB2_19:
0x15b: {  	s1 =	simm.s32 $0x7  }
0x15c: {  	_ =	swait.ge [sflag:s1], $0x800  }
0x15d: {  	[sflag:s1] =	ssyncset.done $0x0  }
0x15e: {  	[sflag:s1] =	ssyncadd.s32 $0xFFFFF800  }
.LBB2_20:
0x15f: {  	s31 =	simm.s32 $0x0;
	s1 =	simm.s32 $0x1;
	s3 =	simm.s32 $0x2  }
0x160: {  	s5 =	simm.s32 $0x3;
	s6 =	simm.s32 $0x5;
	s14 =	simm.s32 $0x6;
	v8 =	vadd.s32 s31, v0;
	v9 =	vadd.s32 s1, v0;
	v11 =	vadd.s32 s3, v0  }
0x161: {  	v12 =	vadd.s32 s5, v0;
	s5 =	simm.s32 $0x4;
	v17 =	vadd.s32 s6, v0;
	v19 =	vadd.s32 s14, v0  }
0x162: {  	v10 =	vand.u32 $0xF, v8;
	v8 =	vshll.u32 v8, $0x4;
	v16 =	vadd.s32 s5, v0  }
0x163: {  	v18 =	vshll.u32 v9, $0x4;
	v20 =	vshll.u32 v11, $0x4;
	v21 =	vshll.u32 v12, $0x4  }
0x164: {  	v23 =	vshll.u32 v17, $0x4;
	v13 =	vand.u32 $0xF, v9;
	v14 =	vand.u32 $0xF, v11  }
0x165: {  	v9 =	vshll.u32 v19, $0x4;
	v15 =	vand.u32 $0xF, v12;
	v12 =	vand.u32 $0xF, v17  }
0x166: {  	v17 =	vand.u32 $0xF, v19;
	v8 =	vor.u32 v0, v8;
	v22 =	vshll.u32 v16, $0x4  }
0x167: {  	v16 =	vand.u32 $0xF, v16;
	v11 =	vor.u32 v0, v18;
	v18 =	vor.u32 v0, v20  }
0x168: {  	v21 =	vor.u32 v0, v21;
	v20 =	vor.u32 v0, v23;
	v9 =	vor.u32 v0, v9  }
0x169: {  	s1 =	simm.s32 $0x7;
	s14 =	simm.s32 $0x8;
	v8 =	vand.u32 $0x7F, v8;
	v19 =	vor.u32 v0, v22;
	v11 =	vand.u32 $0x7F, v11  }
.LBB2_21:
0x16a: {  	p3 =	slt.u32 s14, $0x78;
	v18 =	vand.u32 $0x7F, v18;
	v21 =	vand.u32 $0x7F, v21;
	v22 =	vadd.s32 s1, v0  }
0x16b: {  	s1 =	sand.u32 $0x70, s31;
	v19 =	vand.u32 $0x7F, v19;
	v20 =	vand.u32 $0x7F, v20;
	s31 =	smov.u32 s14;
	v23 =	vand.u32 $0xF, v22  }
0x16c: {  	v13 =	vor.u32 s1, v13;
	v14 =	vor.u32 s1, v14;
	v23 =	vor.u32 s1, v23  }
0x16d: {  	v15 =	vor.u32 s1, v15;
	v16 =	vor.u32 s1, v16;
	v24 =	vor.u32 v5, v23  }
0x16e: {  	v10 =	vor.u32 s1, v10;
	v12 =	vor.u32 s1, v12;
	v17 =	vor.u32 s1, v17  }
0x16f: {  	v22 =	vshll.u32 v22, $0x4;
	v25 =	vor.u32 v5, v13;
	v26 =	vor.u32 v5, v14  }
0x170: {  	v27 =	vor.u32 v5, v15;
	v22 =	vor.u32 v0, v22;
	v23 =	vshll.u32 v23, $0x6  }
0x171: {  	v28 =	vor.u32 v5, v16;
	v22 =	vand.u32 $0x7F, v22;
	v23 =	vand.u32 $0x1E00, v23  }
0x172: {  	v29 =	vor.u32 v5, v12;
	v30 =	vor.u32 v5, v17;
	v22 =	vor.u32 v22, v23;
	v24 =	vld.idx.msk [tilespmem:v24+s29+$0x0], $0xffff  }
0x173: {  	v13 =	vshll.u32 v13, $0x6;
	v23 =	vor.u32 v5, v10;
	v22 =	vor.u32 $0x100, v22  }
0x174: {  	v14 =	vshll.u32 v14, $0x6;
	v15 =	vshll.u32 v15, $0x6;
	v16 =	vshll.u32 v16, $0x6;
	v25 =	vld.idx.msk [tilespmem:v25+s29+$0x0], $0xffff  }
0x175: {  	v12 =	vshll.u32 v12, $0x6;
	v17 =	vshll.u32 v17, $0x6;
	v10 =	vshll.u32 v10, $0x6;
	v26 =	vld.idx.msk [tilespmem:v26+s29+$0x0], $0xffff  }
0x176: {  	v13 =	vand.u32 $0x1E00, v13;
	v14 =	vand.u32 $0x1E00, v14;
	v15 =	vand.u32 $0x1E00, v15;
	v27 =	vld.idx.msk [tilespmem:v27+s29+$0x0], $0xffff  }
0x177: {  	v16 =	vand.u32 $0x1E00, v16;
	v12 =	vand.u32 $0x1E00, v12;
	v17 =	vand.u32 $0x1E00, v17;
	v28 =	vld.idx.msk [tilespmem:v28+s29+$0x0], $0xffff  }
0x178: {  	v9 =	vand.u32 $0x7F, v9;
	v11 =	vor.u32 v11, v13;
	v10 =	vand.u32 $0x1E00, v10;
	v29 =	vld.idx.msk [tilespmem:v29+s29+$0x0], $0xffff;
	[tilespmem:v22+s18+$0x0] =	vst.idx.msk $0xffff, v24  }
0x179: {  	v13 =	vor.u32 v18, v14;
	v14 =	vor.u32 v21, v15;
	v15 =	vor.u32 v19, v16;
	v19 =	vld.idx.msk [tilespmem:v30+s29+$0x0], $0xffff  }
0x17a: {  	v9 =	vor.u32 v9, v17;
	v8 =	vor.u32 v8, v10;
	v10 =	vor.u32 v20, v12;
	v22 =	vld.idx.msk [tilespmem:v23+s29+$0x0], $0xffff  }
0x17b: {  	v11 =	vor.u32 $0x100, v11;
	v12 =	vor.u32 $0x100, v13;
	v13 =	vor.u32 $0x100, v14  }
0x17c: {  	v15 =	vor.u32 $0x100, v15;
	v9 =	vor.u32 $0x100, v9;
	v17 =	vor.u32 $0x100, v10  }
0x17d: {  	v14 =	vadd.s32 s14, v0;
	v20 =	vor.u32 $0x100, v8  }
0x17e: {  	s3 =	sadd.s32 $0x2, s14;
	s5 =	sadd.s32 $0x3, s14;
	s1 =	sadd.s32 $0x1, s14;
	v10 =	vand.u32 $0xF, v14;
	v8 =	vshll.u32 v14, $0x4  }
0x17f: {  	v16 =	vadd.s32 s3, v0;
	v18 =	vadd.s32 s5, v0;
	s3 =	sadd.s32 $0x5, s14;
	s5 =	sadd.s32 $0x6, s14;
	v14 =	vadd.s32 s1, v0;
	s1 =	sadd.s32 $0x4, s14  }
0x180: {  	v21 =	vadd.s32 s1, v0;
	v24 =	vadd.s32 s5, v0;
	v23 =	vadd.s32 s3, v0;
	[tilespmem:v11+s18+$0x0] =	vst.idx.msk $0xffff, v25  }
0x181: {  	v8 =	vor.u32 v0, v8;
	v11 =	vshll.u32 v14, $0x4;
	v25 =	vshll.u32 v16, $0x4;
	[tilespmem:v12+s18+$0x0] =	vst.idx.msk $0xffff, v26  }
0x182: {  	v30 =	vshll.u32 v21, $0x4;
	v31 =	vshll.u32 v23, $0x4;
	v26 =	vshll.u32 v18, $0x4;
	[tilespmem:v13+s18+$0x0] =	vst.idx.msk $0xffff, v27  }
.Ltmp13:
0x183: {  	v13 =	vand.u32 $0xF, v14;
	v14 =	vand.u32 $0xF, v16;
	v27 =	vshll.u32 v24, $0x4;
	[tilespmem:v15+s18+$0x0] =	vst.idx.msk $0xffff, v28;
	(pc) =	sbr.rel @p3 .LBB2_21-.Ltmp13, $4  }
0x184: {  	v12 =	vand.u32 $0xF, v23;
	v16 =	vand.u32 $0xF, v21;
	v15 =	vand.u32 $0xF, v18;
	[tilespmem:v17+s18+$0x0] =	vst.idx.msk $0xffff, v29  }
0x185: {  	v11 =	vor.u32 v0, v11;
	v18 =	vor.u32 v0, v25;
	v17 =	vand.u32 $0xF, v24;
	[tilespmem:v9+s18+$0x0] =	vst.idx.msk $0xffff, v19  }
0x186: {  	v8 =	vand.u32 $0x7F, v8;
	v21 =	vor.u32 v0, v26;
	v19 =	vor.u32 v0, v30;
	[tilespmem:v20+s18+$0x0] =	vst.idx.msk $0xffff, v22  }
0x187: {  	s14 =	sadd.s32 $0x8, s14;
	s1 =	sadd.s32 $0x7, s31;
	v11 =	vand.u32 $0x7F, v11;
	v9 =	vor.u32 v0, v27;
	v20 =	vor.u32 v0, v31  }
0x188: {  	v18 =	vand.u32 $0x7F, v18  }
0x189: {  	v21 =	vand.u32 $0x7F, v21;
	v22 =	vadd.s32 s1, v0;
	v19 =	vand.u32 $0x7F, v19  }
0x18a: {  	s5 =	sand.u32 $0x70, s31;
	v20 =	vand.u32 $0x7F, v20;
	v9 =	vand.u32 $0x7F, v9;
	v23 =	vand.u32 $0xF, v22  }
0x18b: {  	v13 =	vor.u32 s5, v13;
	v14 =	vor.u32 s5, v14;
	v15 =	vor.u32 s5, v15  }
0x18c: {  	v16 =	vor.u32 s5, v16;
	v10 =	vor.u32 s5, v10;
	v12 =	vor.u32 s5, v12  }
0x18d: {  	v17 =	vor.u32 s5, v17;
	v22 =	vshll.u32 v22, $0x4;
	v23 =	vor.u32 s5, v23  }
0x18e: {  	v25 =	vor.u32 v5, v13;
	v26 =	vor.u32 v5, v14;
	v27 =	vor.u32 v5, v15  }
0x18f: {  	v22 =	vor.u32 v0, v22;
	v28 =	vor.u32 v5, v16;
	v29 =	vor.u32 v5, v12  }
0x190: {  	v30 =	vor.u32 v5, v17;
	v56 =	vor.u32 v5, v10;
	v13 =	vshll.u32 v13, $0x6  }
0x191: {  	v14 =	vshll.u32 v14, $0x6;
	v15 =	vshll.u32 v15, $0x6;
	v16 =	vshll.u32 v16, $0x6  }
0x192: {  	v10 =	vshll.u32 v10, $0x6;
	v12 =	vshll.u32 v12, $0x6;
	v17 =	vshll.u32 v17, $0x6  }
0x193: {  	v24 =	vor.u32 v5, v23;
	v23 =	vshll.u32 v23, $0x6;
	v13 =	vand.u32 $0x1E00, v13  }
0x194: {  	v22 =	vand.u32 $0x7F, v22;
	v14 =	vand.u32 $0x1E00, v14;
	v11 =	vor.u32 v11, v13  }
0x195: {  	s1 =	sor.u32 $0x40, s20;
	v15 =	vand.u32 $0x1E00, v15;
	v14 =	vor.u32 v18, v14;
	v11 =	vor.u32 $0x100, v11;
	v57 =	vld.idx.msk [tilespmem:v25+s29+$0x0], $0xffff  }
0x196: {  	s3 =	smov.u32 s7;
	p3 =	slt.u32 s1, $0x4F52;
	v16 =	vand.u32 $0x1E00, v16;
	v15 =	vor.u32 v21, v15;
	v14 =	vor.u32 $0x100, v14;
	v58 =	vld.idx.msk [tilespmem:v26+s29+$0x0], $0xffff  }
0x197: {  	s3 =	smov.u32 @p3 s1;
	v12 =	vand.u32 $0x1E00, v12;
	v16 =	vor.u32 v19, v16;
	v15 =	vor.u32 $0x100, v15;
	v59 =	vld.idx.msk [tilespmem:v27+s29+$0x0], $0xffff  }
0x198: {  	v17 =	vand.u32 $0x1E00, v17;
	s1 =	smulhi.u32 $0x14FA6D7B, s3;
	v12 =	vor.u32 v20, v12;
	v16 =	vor.u32 $0x100, v16;
	v60 =	vld.idx.msk [tilespmem:v28+s29+$0x0], $0xffff  }
0x199: {  	v10 =	vand.u32 $0x1E00, v10;
	v9 =	vor.u32 v9, v17;
	v12 =	vor.u32 $0x100, v12;
	v61 =	vld.idx.msk [tilespmem:v29+s29+$0x0], $0xffff  }
0x19a: {  	v23 =	vand.u32 $0x1E00, v23;
	v8 =	vor.u32 v8, v10;
	s1 =	sshrl.u32 s1, $0x6;
	v9 =	vor.u32 $0x100, v9;
	v62 =	vld.idx.msk [tilespmem:v30+s29+$0x0], $0xffff;
	[tilespmem:v11+s18+$0x0] =	vst.idx.msk $0xffff, v57  }
0x19b: {  	v22 =	vor.u32 v22, v23;
	v8 =	vor.u32 $0x100, v8;
	s5 =	smul.u32 $0x30D, s1;
	v63 =	vld.idx.msk [tilespmem:v56+s29+$0x0], $0xffff;
	[tilespmem:v14+s18+$0x0] =	vst.idx.msk $0xffff, v58  }
0x19c: {  	v22 =	vor.u32 $0x100, v22;
	v24 =	vld.idx.msk [tilespmem:v24+s29+$0x0], $0xffff;
	[tilespmem:v15+s18+$0x0] =	vst.idx.msk $0xffff, v59  }
0x19d: {  	s1 =	smul.u32 $0x30D40, s1;
	s3 =	ssub.s32 s3, s5;
	[tilespmem:v16+s18+$0x0] =	vst.idx.msk $0xffff, v60  }
0x19e: {  	s3 =	sshll.u32 s3, $0x8;
	[tilespmem:v12+s18+$0x0] =	vst.idx.msk $0xffff, v61  }
0x19f: {  	s1 =	sadd.s32 s1, s3;
	[tilespmem:v9+s18+$0x0] =	vst.idx.msk $0xffff, v62  }
0x1a0: {  	s1 =	sand.u32 $0x1FFFFFC0, s1;
	[tilespmem:v8+s18+$0x0] =	vst.idx.msk $0xffff, v63  }
0x1a1: {  	s6 =	simm.s32 $0x8D00;
	s1 =	sadd.s32 s4, s1;
	[tilespmem:v22+s18+$0x0] =	vst.idx.msk $0xffff, v24  }
0x1a2: {  	[hbm4b:s1+s2] =	stream.linear.scatter [tilespmem:s6], [sflag:$0x7], $0x80, $0x38;
	[tilespmem:$0xB600] =	vst v63  }
0x1a3: {  	s31 =	simm.s32 $0x8F00;
	s14 =	sadd.s32 $0x10, s1  }
0x1a4: {  	[hbm4b:s14+s2] =	stream.linear.scatter [tilespmem:s31], [sflag:$0x7], $0x80, $0x38;
	[tilespmem:$0xB600] =	vst v63  }
0x1a5: {  	s5 =	sadd.s32 $0x20, s1;
	s6 =	simm.s32 $0x9100  }
0x1a6: {  	[hbm4b:s5+s2] =	stream.linear.scatter [tilespmem:s6], [sflag:$0x7], $0x80, $0x38;
	[tilespmem:$0xB600] =	vst v63  }
0x1a7: {  	s14 =	sadd.s32 $0x30, s1;
	s31 =	simm.s32 $0x9300  }
0x1a8: {  	[hbm4b:s14+s2] =	stream.linear.scatter [tilespmem:s31], [sflag:$0x7], $0x80, $0x38;
	[tilespmem:$0xB600] =	vst v63  }
0x1a9: {  	s5 =	sadd.s32 $0x40, s1;
	s6 =	simm.s32 $0x9500  }
0x1aa: {  	[hbm4b:s5+s2] =	stream.linear.scatter [tilespmem:s6], [sflag:$0x7], $0x80, $0x38;
	[tilespmem:$0xB600] =	vst v63  }
0x1ab: {  	s14 =	sadd.s32 $0x50, s1;
	s31 =	simm.s32 $0x9700  }
0x1ac: {  	[hbm4b:s14+s2] =	stream.linear.scatter [tilespmem:s31], [sflag:$0x7], $0x80, $0x38;
	[tilespmem:$0xB600] =	vst v63  }
0x1ad: {  	s5 =	sadd.s32 $0x60, s1;
	s6 =	simm.s32 $0x9900  }
0x1ae: {  	[hbm4b:s5+s2] =	stream.linear.scatter [tilespmem:s6], [sflag:$0x7], $0x80, $0x38;
	[tilespmem:$0xB600] =	vst v63  }
0x1af: {  	s14 =	sadd.s32 $0x70, s1;
	s31 =	simm.s32 $0x9B00  }
0x1b0: {  	[hbm4b:s14+s2] =	stream.linear.scatter [tilespmem:s31], [sflag:$0x7], $0x80, $0x38;
	[tilespmem:$0xB600] =	vst v63  }
0x1b1: {  	s5 =	sadd.s32 $0x80, s1;
	s6 =	simm.s32 $0x9D00  }
0x1b2: {  	[hbm4b:s5+s2] =	stream.linear.scatter [tilespmem:s6], [sflag:$0x7], $0x80, $0x38;
	[tilespmem:$0xB600] =	vst v63  }
0x1b3: {  	s14 =	sadd.s32 $0x90, s1;
	s31 =	simm.s32 $0x9F00  }
0x1b4: {  	[hbm4b:s14+s2] =	stream.linear.scatter [tilespmem:s31], [sflag:$0x7], $0x80, $0x38;
	[tilespmem:$0xB600] =	vst v63  }
0x1b5: {  	s5 =	sadd.s32 $0xA0, s1;
	s6 =	simm.s32 $0xA100  }
0x1b6: {  	[hbm4b:s5+s2] =	stream.linear.scatter [tilespmem:s6], [sflag:$0x7], $0x80, $0x38;
	[tilespmem:$0xB600] =	vst v63  }
0x1b7: {  	s14 =	sadd.s32 $0xB0, s1;
	s31 =	simm.s32 $0xA300  }
0x1b8: {  	[hbm4b:s14+s2] =	stream.linear.scatter [tilespmem:s31], [sflag:$0x7], $0x80, $0x38;
	[tilespmem:$0xB600] =	vst v63  }
0x1b9: {  	s5 =	sadd.s32 $0xC0, s1;
	s6 =	simm.s32 $0xA500  }
0x1ba: {  	[hbm4b:s5+s2] =	stream.linear.scatter [tilespmem:s6], [sflag:$0x7], $0x80, $0x38;
	[tilespmem:$0xB600] =	vst v63  }
0x1bb: {  	s14 =	sadd.s32 $0xD0, s1;
	s31 =	simm.s32 $0xA700  }
0x1bc: {  	[hbm4b:s14+s2] =	stream.linear.scatter [tilespmem:s31], [sflag:$0x7], $0x80, $0x38;
	[tilespmem:$0xB600] =	vst v63  }
.Ltmp14:
0x1bd: {  	_ = 	snop;
	(pc) =	sbr.rel @p2 .LBB2_24-.Ltmp14, $4  }
0x1be: {  	s6 =	sadd.s32 $0xE0, s1;
	s14 =	simm.s32 $0xA900  }
0x1bf: {  	[hbm4b:s6+s2] =	stream.linear.scatter [tilespmem:s14], [sflag:$0x7], $0x80, $0x38;
	[tilespmem:$0xB600] =	vst v63  }
0x1c0: {  	s1 =	sadd.s32 $0xF0, s1;
	s31 =	simm.s32 $0xAB00  }
0x1c1: {  	[hbm4b:s1+s2] =	stream.linear.scatter [tilespmem:s31], [sflag:$0x7], $0x80, $0x38;
	[tilespmem:$0xB600] =	vst v63  }
.Ltmp15:
0x1c2: {  	(pc) =	sbr.rel .LBB2_25-.Ltmp15, $4  }
0x1c3: {  	s1 =	simm.s32 $0x4  }
0x1c4: {  	_ =	swait.ge [sflag:s1], $0x800  }
0x1c5: {  	[sflag:s1] =	ssyncset.done $0x0  }
0x1c6: {  	[sflag:s1] =	ssyncadd.s32 $0xFFFFF800  }
.LBB2_24:
0x1c7: {  	s1 =	sadd.s32 s15, s13  }
0x1c8: {  	s3 =	smov.u32 s7;
	p2 =	slt.u32 s1, $0x4F52  }
0x1c9: {  	s3 =	smov.u32 @p2 s1  }
0x1ca: {  	s1 =	smulhi.u32 $0x14FA6D7B, s3;
	_ =	sdelay $0x1  }
0x1cb: {  	s1 =	sshrl.u32 s1, $0x6  }
0x1cc: {  	s5 =	smul.u32 $0x30D, s1;
	_ =	sdelay $0x1  }
0x1cd: {  	s1 =	smul.u32 $0x187000, s1;
	s3 =	ssub.s32 s3, s5  }
0x1ce: {  	s3 =	sshll.u32 s3, $0xA  }
0x1cf: {  	s1 =	sadd.s32 s3, s1  }
0x1d0: {  	s1 =	sshrl.u32 s1, $0x3  }
.Ltmp16:
0x1d1: {  	s31 =	simm.s32 $0x4;
	s1 =	sadd.s32 s8, s1;
	(pc) =	sbr.rel @p1 .LBB2_26-.Ltmp16, $4  }
0x1d2: {  	[tilespmem:s25], [sflag:$0x3] =	stream.strided.gather [hbm4b:s1+s9], $0x800, s19, s9, $0x38;
	[tilespmem:$0xB600] =	vst v63  }
0x1d3: {  	_ =	swait.ge [sflag:s31], $0x800  }
0x1d4: {  	[sflag:s31] =	ssyncset.done $0x0  }
0x1d5: {  	[sflag:s31] =	ssyncadd.s32 $0xFFFFF800  }
.LBB2_25:
0x1d6: {  	s1 =	simm.s32 $0x8  }
0x1d7: {  	_ =	swait.ge [sflag:s1], $0x800  }
0x1d8: {  	[sflag:s1] =	ssyncset.done $0x0  }
0x1d9: {  	[sflag:s1] =	ssyncadd.s32 $0xFFFFF800  }
.LBB2_26:
0x1da: {  	s1 =	simm.s32 $0x0;
	s3 =	simm.s32 $0x1;
	s5 =	simm.s32 $0x2  }
0x1db: {  	s6 =	simm.s32 $0x3;
	s31 =	simm.s32 $0x5;
	s14 =	simm.s32 $0x6;
	v8 =	vadd.s32 s1, v0;
	v9 =	vadd.s32 s3, v0;
	v10 =	vadd.s32 s5, v0  }
0x1dc: {  	s5 =	simm.s32 $0x4;
	v11 =	vadd.s32 s6, v0;
	v13 =	vadd.s32 s31, v0;
	s31 =	simm.s32 $0x7;
	v14 =	vadd.s32 s14, v0  }
0x1dd: {  	v12 =	vadd.s32 s5, v0;
	v9 =	vand.u32 $0xF, v9;
	v15 =	vadd.s32 s31, v0  }
0x1de: {  	v10 =	vand.u32 $0xF, v10;
	v11 =	vand.u32 $0xF, v11;
	v13 =	vand.u32 $0xF, v13  }
0x1df: {  	s1 =	sand.u32 $0x70, s1;
	v14 =	vand.u32 $0xF, v14;
	v8 =	vand.u32 $0xF, v8;
	v15 =	vand.u32 $0xF, v15  }
0x1e0: {  	v19 =	vshll.u32 v10, $0x4;
	v16 =	vor.u32 s1, v11;
	v21 =	vshll.u32 v9, $0x4  }
0x1e1: {  	v11 =	vshll.u32 v11, $0x4;
	v22 =	vor.u32 s1, v14;
	v12 =	vand.u32 $0xF, v12  }
0x1e2: {  	v9 =	vor.u32 s1, v9;
	v17 =	vor.u32 s1, v15;
	v20 =	vor.u32 v6, v16  }
0x1e3: {  	v24 =	vshll.u32 v15, $0x4;
	v15 =	vor.u32 s1, v13;
	v25 =	vor.u32 v6, v22  }
0x1e4: {  	v26 =	vshll.u32 v12, $0x4;
	v28 =	vshll.u32 v22, $0x6;
	v16 =	vshll.u32 v16, $0x6  }
0x1e5: {  	v12 =	vor.u32 s1, v12;
	v32 =	vor.u32 v6, v9;
	v9 =	vshll.u32 v9, $0x6  }
0x1e6: {  	v18 =	vor.u32 v6, v17;
	v23 =	vor.u32 v6, v15;
	v27 =	vshll.u32 v15, $0x6  }
0x1e7: {  	v29 =	vshll.u32 v17, $0x6;
	v15 =	vor.u32 s1, v8;
	v17 =	vor.u32 s1, v10  }
0x1e8: {  	v8 =	vshll.u32 v8, $0x4;
	v33 =	vor.u32 v6, v12;
	v9 =	vand.u32 $0x1E00, v9  }
0x1e9: {  	v16 =	vand.u32 $0x1E00, v16;
	v22 =	vor.u32 v6, v15;
	v10 =	vshll.u32 v15, $0x6  }
0x1ea: {  	v30 =	vshll.u32 v17, $0x6;
	v15 =	vshll.u32 v14, $0x4;
	v10 =	vand.u32 $0x1E00, v10  }
0x1eb: {  	v21 =	vor.u32 v9, v21;
	v31 =	vor.u32 v10, v8;
	v10 =	vshll.u32 v12, $0x6;
	v9 =	vld.idx.msk [tilespmem:v25+s29+$0x0], $0xffff  }
0x1ec: {  	v27 =	vand.u32 $0x1E00, v27;
	v14 =	vor.u32 v6, v17;
	v12 =	vand.u32 $0x1E00, v10;
	v8 =	vld.idx.msk [tilespmem:v18+s29+$0x0], $0xffff  }
0x1ed: {  	v21 =	vor.u32 v7, v21;
	v10 =	vld.idx.msk [tilespmem:v23+s29+$0x0], $0xffff;
	v12 =	vor.u32 v12, v26;
	v18 =	vor.u32 v7, v31  }
0x1ee: {  	v23 =	vor.u32 v16, v11;
	v26 =	vand.u32 $0x1E00, v29;
	v16 =	vld.idx.msk [tilespmem:v22+s29+$0x0], $0xffff;
	v22 =	vand.u32 $0x1E00, v30  }
0x1ef: {  	v17 =	vld.idx.msk [tilespmem:v20+s29+$0x0], $0xffff;
	v11 =	vor.u32 v7, v12;
	v12 =	vshll.u32 v13, $0x4;
	v24 =	vor.u32 v26, v24  }
0x1f0: {  	v13 =	vld.idx.msk [tilespmem:v33+s29+$0x0], $0xffff;
	v25 =	vor.u32 v22, v19;
	v22 =	vor.u32 v7, v23;
	v12 =	vor.u32 v27, v12  }
0x1f1: {  	s14 =	simm.s32 $0x8;
	v23 =	vand.u32 $0x1E00, v28;
	v19 =	vld.idx.msk [tilespmem:v32+s29+$0x0], $0xffff;
	v20 =	vor.u32 v7, v12;
	v12 =	vor.u32 v7, v25  }
.LBB2_27:
0x1f2: {  	s1 =	sadd.s32 $0x1, s14  }
0x1f3: {  	v25 =	vadd.s32 s14, v0;
	s3 =	sadd.s32 $0x2, s14;
	s5 =	sadd.s32 $0x3, s14;
	v15 =	vor.u32 v23, v15;
	v23 =	vor.u32 v7, v24;
	s6 =	smov.u32 s14  }
0x1f4: {  	v24 =	vadd.s32 s1, v0;
	v26 =	vadd.s32 s3, v0;
	v27 =	vadd.s32 s5, v0;
	s1 =	sadd.s32 $0x4, s14;
	s3 =	sadd.s32 $0x5, s14;
	s5 =	sadd.s32 $0x6, s14;
	[tilespmem:v18+s18+$0x0] =	vst.idx.msk $0xffff, v16  }
0x1f5: {  	p1 =	slt.u32 s14, $0x78;
	s14 =	sadd.s32 $0x8, s14;
	v15 =	vor.u32 v7, v15;
	v16 =	vadd.s32 s1, v0;
	v18 =	vadd.s32 s3, v0;
	s1 =	sadd.s32 $0x7, s6;
	v14 =	vld.idx.msk [tilespmem:v14+s29+$0x0], $0xffff;
	[tilespmem:v22+s18+$0x0] =	vst.idx.msk $0xffff, v17  }
0x1f6: {  	v17 =	vand.u32 $0xF, v24;
	v22 =	vadd.s32 s5, v0;
	v24 =	vadd.s32 s1, v0;
	[tilespmem:v20+s18+$0x0] =	vst.idx.msk $0xffff, v10  }
0x1f7: {  	s1 =	sand.u32 $0x70, s6;
	v10 =	vand.u32 $0xF, v26;
	v20 =	vand.u32 $0xF, v27;
	v24 =	vand.u32 $0xF, v24;
	[tilespmem:v21+s18+$0x0] =	vst.idx.msk $0xffff, v19  }
0x1f8: {  	v19 =	vshll.u32 v10, $0x4;
	v21 =	vor.u32 s1, v20;
	v26 =	vor.u32 s1, v24;
	[tilespmem:v11+s18+$0x0] =	vst.idx.msk $0xffff, v13  }
0x1f9: {  	v11 =	vor.u32 v6, v21;
	v24 =	vshll.u32 v24, $0x4;
	v13 =	vor.u32 v6, v26;
	[tilespmem:v23+s18+$0x0] =	vst.idx.msk $0xffff, v8  }
0x1fa: {  	v27 =	vand.u32 $0xF, v18;
	v18 =	vand.u32 $0xF, v22;
	v23 =	vshll.u32 v17, $0x4;
	[tilespmem:v15+s18+$0x0] =	vst.idx.msk $0xffff, v9  }
0x1fb: {  	v20 =	vshll.u32 v20, $0x4;
	v8 =	vor.u32 s1, v27;
	v9 =	vor.u32 s1, v18  }
0x1fc: {  	v15 =	vand.u32 $0xF, v16;
	v16 =	vor.u32 v6, v8;
	v22 =	vor.u32 v6, v9;
	[tilespmem:v12+s18+$0x0] =	vst.idx.msk $0xffff, v14  }
0x1fd: {  	v28 =	vshll.u32 v9, $0x6;
	v12 =	vshll.u32 v15, $0x4;
	v14 =	vshll.u32 v8, $0x6  }
0x1fe: {  	v17 =	vor.u32 s1, v17;
	v9 =	vand.u32 $0xF, v25;
	v25 =	vshll.u32 v26, $0x6;
	v8 =	vld.idx.msk [tilespmem:v13+s29+$0x0], $0xffff  }
0x1ff: {  	v21 =	vshll.u32 v21, $0x6;
	v26 =	vor.u32 s1, v10;
	v13 =	vor.u32 s1, v9  }
0x200: {  	v29 =	vor.u32 v6, v13;
	v10 =	vshll.u32 v13, $0x6;
	v13 =	vshll.u32 v26, $0x6  }
0x201: {  	v15 =	vor.u32 s1, v15;
	v9 =	vshll.u32 v9, $0x4;
	v30 =	vand.u32 $0x1E00, v10;
	v10 =	vld.idx.msk [tilespmem:v16+s29+$0x0], $0xffff  }
0x202: {  	v31 =	vor.u32 v6, v17;
	v32 =	vor.u32 v6, v15;
	v30 =	vor.u32 v30, v9;
	v9 =	vld.idx.msk [tilespmem:v22+s29+$0x0], $0xffff  }
0x203: {  	v16 =	vshll.u32 v17, $0x6;
	v17 =	vshll.u32 v15, $0x6;
	v15 =	vshll.u32 v18, $0x4  }
0x204: {  	v33 =	vand.u32 $0x1E00, v14;
	v18 =	vand.u32 $0x1E00, v16;
	v17 =	vand.u32 $0x1E00, v17  }
0x205: {  	v21 =	vand.u32 $0x1E00, v21;
	v12 =	vor.u32 v17, v12;
	v16 =	vld.idx.msk [tilespmem:v29+s29+$0x0], $0xffff;
	v29 =	vor.u32 v18, v23  }
.Ltmp17:
0x206: {  	v20 =	vor.u32 v21, v20;
	v14 =	vor.u32 v6, v26;
	v18 =	vor.u32 v7, v30;
	v17 =	vld.idx.msk [tilespmem:v11+s29+$0x0], $0xffff;
	(pc) =	sbr.rel @p1 .LBB2_27-.Ltmp17, $4  }
0x207: {  	v21 =	vand.u32 $0x1E00, v13;
	v11 =	vor.u32 v7, v12;
	v12 =	vshll.u32 v27, $0x4;
	v13 =	vld.idx.msk [tilespmem:v32+s29+$0x0], $0xffff  }
0x208: {  	v26 =	vor.u32 v21, v19;
	v22 =	vor.u32 v7, v20;
	v12 =	vor.u32 v33, v12  }
0x209: {  	v25 =	vand.u32 $0x1E00, v25;
	v23 =	vand.u32 $0x1E00, v28;
	v20 =	vor.u32 v7, v12;
	v19 =	vld.idx.msk [tilespmem:v31+s29+$0x0], $0xffff  }
0x20a: {  	v24 =	vor.u32 v25, v24;
	v21 =	vor.u32 v7, v29;
	v12 =	vor.u32 v7, v26  }
0x20b: {  	s1 =	sor.u32 $0x60, s20  }
0x20c: {  	s3 =	smov.u32 s7;
	p1 =	slt.u32 s1, $0x4F52  }
0x20d: {  	s3 =	smov.u32 @p1 s1  }
0x20e: {  	s1 =	smulhi.u32 $0x14FA6D7B, s3;
	_ =	sdelay $0x1  }
0x20f: {  	v63 =	vor.u32 v7, v24;
	[tilespmem:v18+s18+$0x0] =	vst.idx.msk $0xffff, v16;
	s1 =	sshrl.u32 s1, $0x6  }
0x210: {  	v15 =	vor.u32 v23, v15;
	[tilespmem:v22+s18+$0x0] =	vst.idx.msk $0xffff, v17;
	v14 =	vld.idx.msk [tilespmem:v14+s29+$0x0], $0xffff;
	s5 =	smul.u32 $0x30D, s1  }
0x211: {  	[tilespmem:v20+s18+$0x0] =	vst.idx.msk $0xffff, v10;
	v15 =	vor.u32 v7, v15  }
0x212: {  	[tilespmem:v11+s18+$0x0] =	vst.idx.msk $0xffff, v13;
	s1 =	smul.u32 $0x30D40, s1;
	s3 =	ssub.s32 s3, s5  }
0x213: {  	[tilespmem:v21+s18+$0x0] =	vst.idx.msk $0xffff, v19;
	s3 =	sshll.u32 s3, $0x8  }
0x214: {  	[tilespmem:v63+s18+$0x0] =	vst.idx.msk $0xffff, v8;
	s1 =	sadd.s32 s1, s3  }
0x215: {  	[tilespmem:v12+s18+$0x0] =	vst.idx.msk $0xffff, v14;
	s1 =	sand.u32 $0x1FFFFFC0, s1  }
0x216: {  	[tilespmem:v15+s18+$0x0] =	vst.idx.msk $0xffff, v9;
	s5 =	simm.s32 $0x8D80;
	s1 =	sadd.s32 s4, s1  }
0x217: {  	[hbm4b:s1+s2] =	stream.linear.scatter [tilespmem:s5], [sflag:$0x8], $0x80, $0x38;
	[tilespmem:$0xB600] =	vst v63  }
0x218: {  	s14 =	simm.s32 $0x8F80;
	s6 =	sadd.s32 $0x10, s1  }
0x219: {  	[hbm4b:s6+s2] =	stream.linear.scatter [tilespmem:s14], [sflag:$0x8], $0x80, $0x38;
	[tilespmem:$0xB600] =	vst v63  }
0x21a: {  	s31 =	simm.s32 $0x9180;
	s20 =	sadd.s32 $0x20, s1  }
0x21b: {  	[hbm4b:s20+s2] =	stream.linear.scatter [tilespmem:s31], [sflag:$0x8], $0x80, $0x38;
	[tilespmem:$0xB600] =	vst v63  }
0x21c: {  	s6 =	sadd.s32 $0x30, s1;
	s14 =	simm.s32 $0x9380  }
0x21d: {  	[hbm4b:s6+s2] =	stream.linear.scatter [tilespmem:s14], [sflag:$0x8], $0x80, $0x38;
	[tilespmem:$0xB600] =	vst v63  }
0x21e: {  	s20 =	sadd.s32 $0x40, s1;
	s31 =	simm.s32 $0x9580  }
0x21f: {  	[hbm4b:s20+s2] =	stream.linear.scatter [tilespmem:s31], [sflag:$0x8], $0x80, $0x38;
	[tilespmem:$0xB600] =	vst v63  }
0x220: {  	s6 =	sadd.s32 $0x50, s1;
	s14 =	simm.s32 $0x9780  }
0x221: {  	[hbm4b:s6+s2] =	stream.linear.scatter [tilespmem:s14], [sflag:$0x8], $0x80, $0x38;
	[tilespmem:$0xB600] =	vst v63  }
0x222: {  	s20 =	sadd.s32 $0x60, s1;
	s31 =	simm.s32 $0x9980  }
0x223: {  	[hbm4b:s20+s2] =	stream.linear.scatter [tilespmem:s31], [sflag:$0x8], $0x80, $0x38;
	[tilespmem:$0xB600] =	vst v63  }
0x224: {  	s6 =	sadd.s32 $0x70, s1;
	s14 =	simm.s32 $0x9B80  }
0x225: {  	[hbm4b:s6+s2] =	stream.linear.scatter [tilespmem:s14], [sflag:$0x8], $0x80, $0x38;
	[tilespmem:$0xB600] =	vst v63  }
0x226: {  	s20 =	sadd.s32 $0x80, s1;
	s31 =	simm.s32 $0x9D80  }
0x227: {  	[hbm4b:s20+s2] =	stream.linear.scatter [tilespmem:s31], [sflag:$0x8], $0x80, $0x38;
	[tilespmem:$0xB600] =	vst v63  }
0x228: {  	s6 =	sadd.s32 $0x90, s1;
	s14 =	simm.s32 $0x9F80  }
0x229: {  	[hbm4b:s6+s2] =	stream.linear.scatter [tilespmem:s14], [sflag:$0x8], $0x80, $0x38;
	[tilespmem:$0xB600] =	vst v63  }
0x22a: {  	s20 =	sadd.s32 $0xA0, s1;
	s31 =	simm.s32 $0xA180  }
0x22b: {  	[hbm4b:s20+s2] =	stream.linear.scatter [tilespmem:s31], [sflag:$0x8], $0x80, $0x38;
	[tilespmem:$0xB600] =	vst v63  }
0x22c: {  	s6 =	sadd.s32 $0xB0, s1;
	s14 =	simm.s32 $0xA380  }
0x22d: {  	[hbm4b:s6+s2] =	stream.linear.scatter [tilespmem:s14], [sflag:$0x8], $0x80, $0x38;
	[tilespmem:$0xB600] =	vst v63  }
0x22e: {  	s20 =	sadd.s32 $0xC0, s1;
	s31 =	simm.s32 $0xA580  }
0x22f: {  	[hbm4b:s20+s2] =	stream.linear.scatter [tilespmem:s31], [sflag:$0x8], $0x80, $0x38;
	[tilespmem:$0xB600] =	vst v63  }
0x230: {  	p1 =	seq.s32 s12, $0x9E;
	s5 =	sadd.s32 $0xD0, s1;
	s6 =	simm.s32 $0xA780  }
0x231: {  	[hbm4b:s5+s2] =	stream.linear.scatter [tilespmem:s6], [sflag:$0x8], $0x80, $0x38;
	[tilespmem:$0xB600] =	vst v63  }
.Ltmp18:
0x232: {  	_ = 	snop;
	(pc) =	sbr.rel @p1 .LBB2_30-.Ltmp18, $4  }
0x233: {  	s14 =	sadd.s32 $0xE0, s1;
	s20 =	simm.s32 $0xA980  }
0x234: {  	[hbm4b:s14+s2] =	stream.linear.scatter [tilespmem:s20], [sflag:$0x8], $0x80, $0x38;
	[tilespmem:$0xB600] =	vst v63  }
0x235: {  	s1 =	sadd.s32 $0xF0, s1;
	s31 =	simm.s32 $0xAB80  }
0x236: {  	[hbm4b:s1+s2] =	stream.linear.scatter [tilespmem:s31], [sflag:$0x8], $0x80, $0x38;
	[tilespmem:$0xB600] =	vst v63  }
0x237: {  	s1 =	sadd.s32 s17, s13  }
0x238: {  	s3 =	smov.u32 s7;
	p1 =	slt.u32 s1, $0x4F52  }
0x239: {  	s3 =	smov.u32 @p1 s1  }
0x23a: {  	s1 =	smulhi.u32 $0x14FA6D7B, s3;
	_ =	sdelay $0x1  }
0x23b: {  	s1 =	sshrl.u32 s1, $0x6  }
0x23c: {  	s5 =	smul.u32 $0x30D, s1;
	_ =	sdelay $0x1  }
0x23d: {  	s1 =	smul.u32 $0x187000, s1;
	s3 =	ssub.s32 s3, s5  }
.Ltmp19:
0x23e: {  	s3 =	sshll.u32 s3, $0xA;
	(pc) =	sbr.rel .LBB2_8-.Ltmp19, $4  }
0x23f: {  	s1 =	sadd.s32 s3, s1  }
0x240: {  	s1 =	sshrl.u32 s1, $0x3  }
0x241: {  	s12 =	sadd.s32 $0x1, s12;
	s1 =	sadd.s32 s8, s1  }
0x242: {  	[tilespmem:s26], [sflag:$0x4] =	stream.strided.gather [hbm4b:s1+s9], $0x800, s19, s9, $0x38;
	[tilespmem:$0xB600] =	vst v63  }
.LBB2_30:
0x243: {  	s0 =	simm.s32 $0x5  }
0x244: {  	_ =	swait.ge [sflag:s0], $0x800  }
0x245: {  	[sflag:s0] =	ssyncset.done $0x0  }
0x246: {  	s28 =	simm.s32 $0x6;
	[sflag:s0] =	ssyncadd.s32 $0xFFFFF800  }
0x247: {  	_ =	swait.ge [sflag:s28], $0x800  }
0x248: {  	[sflag:s28] =	ssyncset.done $0x0  }
0x249: {  	s30 =	simm.s32 $0x7;
	[sflag:s28] =	ssyncadd.s32 $0xFFFFF800  }
0x24a: {  	_ =	swait.ge [sflag:s30], $0x800  }
.Ltmp20:
0x24b: {  	[sflag:s30] =	ssyncset.done $0x0;
	(pc) =	sbr.rel @p0 .LBB2_34-.Ltmp20, $4  }
0x24c: {  	s31 =	simm.s32 $0x8;
	[sflag:s30] =	ssyncadd.s32 $0xFFFFF800  }
0x24d: {  	_ =	swait.ge [sflag:s31], $0x800  }
0x24e: {  	[sflag:s31] =	ssyncset.done $0x0  }
0x24f: {  	s1 =	rddreg [dreg:$0x13];
	[sflag:s31] =	ssyncadd.s32 $0xFFFFF800  }
0x250: {  	s0 =	simm.s32 $0x0  }
0x251: {  	s1 =	sand.u32 $0xC, s0  }
0x252: {  	s3 =	sor.u32 $0x3, s1  }
0x253: {  	v8 =	vadd.s32 s1, v0;
	s5 =	sor.u32 $0x1, s1;
	s1 =	sor.u32 $0x2, s1;
	v9 =	vadd.s32 s3, v0  }
0x254: {  	v10 =	vadd.s32 s5, v0;
	v11 =	vadd.s32 s1, v0;
	v8 =	vand.u32 $0xF, v8  }
0x255: {  	s0 =	sand.u32 $0x10, s0;
	v9 =	vand.u32 $0xF, v9;
	v10 =	vand.u32 $0xF, v10;
	v11 =	vand.u32 $0xF, v11  }
0x256: {  	s25 =	rddreg [dreg:$0x10];
	v8 =	vor.u32 s0, v8;
	v12 =	vor.u32 s0, v9;
	v9 =	vor.u32 s0, v10  }
0x257: {  	[tilespmem:s16], [sflag:$0x9] =	stream.strided.gather [hbm4b:s25+s9], $0x800, s19, s9, $0x38;
	v10 =	vor.u32 s0, v11;
	v17 =	vor.u32 v1, v8;
	v13 =	vor.u32 v1, v12;
	[tilespmem:$0xB600] =	vst v63  }
0x258: {  	s0 =	simm.s32 $0x4;
	v11 =	vshll.u32 v8, $0x4;
	v14 =	vor.u32 v1, v9;
	v9 =	vshll.u32 v9, $0x4  }
0x259: {  	_ =	swait.ge [sflag:s23], $0x800;
	v18 =	vor.u32 v1, v10;
	s26 =	sand.u32 $0xC, s0;
	v10 =	vshll.u32 v10, $0x4;
	v12 =	vshll.u32 v12, $0x4  }
0x25a: {  	[sflag:s23] =	ssyncset.done $0x0;
	v8 =	vor.u32 v0, v9;
	v19 =	vadd.s32 s26, v0;
	s28 =	sor.u32 $0x1, s26;
	s30 =	sor.u32 $0x3, s26;
	v9 =	vor.u32 v0, v11  }
0x25b: {  	[sflag:s23] =	ssyncadd.s32 $0xFFFFF800;
	v10 =	vor.u32 v0, v10;
	v16 =	vadd.s32 s28, v0;
	v15 =	vadd.s32 s30, v0  }
0x25c: {  	s31 =	sand.u32 $0x10, s0;
	s1 =	sor.u32 $0x2, s26;
	v19 =	vand.u32 $0xF, v19;
	v20 =	vand.u32 $0xF, v15;
	v15 =	vor.u32 v0, v12;
	v11 =	vld.idx.msk [tilespmem:v13+s16+$0x0], $0xffff  }
0x25d: {  	v13 =	vadd.s32 s1, v0;
	v12 =	vld.idx.msk [tilespmem:v14+s16+$0x0], $0xffff;
	v14 =	vand.u32 $0xF, v16;
	v16 =	vor.u32 s31, v20  }
0x25e: {  	v21 =	vand.u32 $0xF, v13;
	v13 =	vld.idx.msk [tilespmem:v18+s16+$0x0], $0xffff;
	v20 =	vor.u32 s31, v14;
	v18 =	vor.u32 v1, v16  }
0x25f: {  	v19 =	vor.u32 s31, v19;
	v14 =	vld.idx.msk [tilespmem:v17+s16+$0x0], $0xffff;
	v17 =	vor.u32 v1, v20;
	v21 =	vor.u32 s31, v21  }
.LBB2_32:
0x260: {  	s0 =	sadd.s32 $0x4, s0;
	v22 =	vor.u32 v1, v19;
	v20 =	vshll.u32 v20, $0x4;
	v23 =	vor.u32 v1, v21  }
0x261: {  	v19 =	vshll.u32 v19, $0x4;
	v21 =	vshll.u32 v21, $0x4;
	s1 =	sand.u32 $0xC, s0;
	p1 =	slt.u32 s0, $0x1C;
	v20 =	vor.u32 v0, v20;
	[tilespmem:v15+s21+$0x0] =	vst.idx.msk $0xffff, v11  }
0x262: {  	v19 =	vor.u32 v0, v19;
	v21 =	vor.u32 v0, v21;
	v24 =	vadd.s32 s1, v0;
	s3 =	sor.u32 $0x1, s1;
	s5 =	sor.u32 $0x2, s1;
	s1 =	sor.u32 $0x3, s1;
	[tilespmem:v8+s21+$0x0] =	vst.idx.msk $0xffff, v12  }
.Ltmp21:
0x263: {  	v15 =	vshll.u32 v16, $0x4;
	v8 =	vmovc v20;
	v25 =	vadd.s32 s3, v0;
	v12 =	vadd.s32 s1, v0;
	v11 =	vld.idx.msk [tilespmem:v18+s16+$0x0], $0xffff;
	[tilespmem:v10+s21+$0x0] =	vst.idx.msk $0xffff, v13;
	(pc) =	sbr.rel @p1 .LBB2_32-.Ltmp21, $4  }
0x264: {  	v15 =	vor.u32 v0, v15;
	s1 =	sand.u32 $0x10, s0;
	v18 =	vadd.s32 s5, v0;
	v13 =	vand.u32 $0xF, v12;
	v12 =	vld.idx.msk [tilespmem:v17+s16+$0x0], $0xffff;
	[tilespmem:v9+s21+$0x0] =	vst.idx.msk $0xffff, v14  }
0x265: {  	v10 =	vmovc v21;
	v14 =	vand.u32 $0xF, v25;
	v25 =	vand.u32 $0xF, v18;
	v9 =	vmovc v19;
	v16 =	vor.u32 s1, v13;
	v13 =	vld.idx.msk [tilespmem:v23+s16+$0x0], $0xffff  }
0x266: {  	v17 =	vand.u32 $0xF, v24;
	v20 =	vor.u32 s1, v14;
	v18 =	vor.u32 v1, v16;
	v14 =	vld.idx.msk [tilespmem:v22+s16+$0x0], $0xffff  }
0x267: {  	v19 =	vor.u32 s1, v17;
	v21 =	vor.u32 s1, v25;
	v17 =	vor.u32 v1, v20  }
0x268: {  	_ = 	snop  }
0x269: {  	v22 =	vor.u32 v1, v21  }
0x26a: {  	v23 =	vor.u32 v1, v19  }
0x26b: {  	v16 =	vshll.u32 v16, $0x4  }
0x26c: {  	v20 =	vshll.u32 v20, $0x4;
	v18 =	vld.idx.msk [tilespmem:v18+s16+$0x0], $0xffff;
	v16 =	vor.u32 v0, v16  }
0x26d: {  	v58 =	vshll.u32 v21, $0x4;
	[tilespmem:v15+s21+$0x0] =	vst.idx.msk $0xffff, v11;
	v59 =	vld.idx.msk [tilespmem:v17+s16+$0x0], $0xffff;
	v20 =	vor.u32 v0, v20  }
0x26e: {  	v60 =	vshll.u32 v19, $0x4;
	v61 =	vor.u32 v0, v58;
	[tilespmem:v8+s21+$0x0] =	vst.idx.msk $0xffff, v12;
	v8 =	vld.idx.msk [tilespmem:v22+s16+$0x0], $0xffff  }
0x26f: {  	v62 =	vor.u32 v0, v60;
	[tilespmem:v10+s21+$0x0] =	vst.idx.msk $0xffff, v13;
	v63 =	vld.idx.msk [tilespmem:v23+s16+$0x0], $0xffff  }
0x270: {  	[tilespmem:v9+s21+$0x0] =	vst.idx.msk $0xffff, v14  }
0x271: {  	[tilespmem:v16+s21+$0x0] =	vst.idx.msk $0xffff, v18  }
0x272: {  	[tilespmem:v20+s21+$0x0] =	vst.idx.msk $0xffff, v59  }
0x273: {  	[tilespmem:v61+s21+$0x0] =	vst.idx.msk $0xffff, v8  }
0x274: {  	[tilespmem:v62+s21+$0x0] =	vst.idx.msk $0xffff, v63  }
.Ltmp22:
0x275: {  	s0 =	rddreg [dreg:$0x11];
	(pc) =	sbr.rel .LBB2_34-.Ltmp22, $4  }
0x276: {  	[hbm4b:s0+s2] =	stream.linear.scatter [tilespmem:s21], [sflag:$0x9], $0x200, $0x38;
	[tilespmem:$0xB600] =	vst v63  }
0x277: {  	_ =	swait.ge [sflag:s23], $0x200  }
0x278: {  	[sflag:s23] =	ssyncset.done $0x0  }
0x279: {  	s1 =	rddreg [dreg:$0x13];
	[sflag:s23] =	ssyncadd.s32 $0xFFFFFE00  }
.LBB2_35:
0x27a: {  	_ =	sfence.sel $0x180000  }
0x27b: {  	[bflag:$0x0] =	sbarrier.arrive $0xFFFF  }
0x27c: {  	_ =	strace $0x90000047  }
0x27d: {  	s0 =	stileid.u32;
	[bflag:$0x2] =	sbarrier.arrive $0xFFFF  }
0x27e: {  	p0 =	sne.s32 s0, $0x0;
	s0 =	rddreg [dreg:$0x3]  }
0x27f: {  	s0 =	sadd.s32 @!p0 $0x100000, s0  }
0x280: {  	[sflag:s0] =	ssyncadd.tile.s32 @!p0 $0x1;
	_ =	shalt  }
.Lfunc_end2:
_tile_overlayer_lowered:
.L_overlay_start_2:
0x281: {  	(tag) =	ssettag $0x2  }
0x282: {  	s0 =	rddreg [dreg:$0x0];
	s2 =	stileid.u32  }
0x283: {  	s1 =	rddreg [dreg:$0x1];
	p0 =	sne.s32 s2, $0x0  }
0x284: {  	s3 =	rddreg [dreg:$0x2];
	[bflag:$0x3] =	sbarrier.arrive $0xFFFF;
	s2 =	simm.s32 @!p0 $0x1C09  }
0x285: {  	[timem:s3], [sflag:s2] =	dma.local @!p0 [hbm:s0], s1  }
0x286: {  	s0 =	simm.s32 @!p0 $0x9  }
0x287: {  	_ =	swait.ge @!p0 [sflag:s0], s1  }
0x288: {  	s1 =	ssub.s32 @!p0 $0x0, s1;
	[sflag:s0] =	ssyncset.done @!p0 $0x0  }
0x289: {  	[sflag:s0] =	ssyncadd.s32 @!p0 s1  }
0x28a: {  	[bflag:$0x3] =	sbarrier.arrive $0xFFFF  }
0x28b: {  	_ =	shalt  }

// kernel: kernel.7.cloned.1.call-start
scs
__scs_entry_jumppad:
0x0: {  	(pc) =	sbr.rel $0x88, $3  }
0x1: {  	(tag) =	ssettag $0x0;
	lr =	simm.s32 $0x1  }
0x2: {  	[smem:$0x3F9F] =	sst lr;
	_ =	strace $0xD0000000  }
0x3: {  	_ = 	snop  }
0x4: {  	_ = 	snop  }
0x5: {  	_ = 	snop  }
0x6: {  	_ = 	snop  }
0x7: {  	_ = 	snop  }
__scs_overlays_trampoline_lowered:
0x8: {  	[smem:$0x3FAE] =	sst s0  }
0x9: {  	[smem:$0x3FAF] =	sst s1  }
0xa: {  	[smem:$0x3FB0] =	sst s2  }
0xb: {  	[smem:$0x3FB1] =	sst s3  }
0xc: {  	[smem:$0x3FB2] =	sst s4  }
0xd: {  	[smem:$0x3FB3] =	sst s5  }
0xe: {  	[smem:$0x3FB4] =	sst s6  }
0xf: {  	[smem:$0x3FB5] =	sst s7  }
0x10: {  	[smem:$0x3FB6] =	sst s8  }
0x11: {  	[smem:$0x3FB7] =	sst s9;
	s0 =	simm.s32 @!p0 $0x0  }
0x12: {  	s1 =	sld [smem:$0x3F9D];
	s0 =	simm.s32 @p0 $0x1  }
0x13: {  	[smem:$0x3FB8] =	sst s0;
	s0 =	simm.s32 @!p1 $0x0  }
0x14: {  	s2 =	sld [smem:$0x3F9C];
	s0 =	simm.s32 @p1 $0x1  }
0x15: {  	[smem:$0x3FB9] =	sst s0;
	s0 =	simm.s32 @!p2 $0x0  }
0x16: {  	s3 =	sld [smem:$0x3FDB];
	s0 =	simm.s32 @p2 $0x1  }
0x17: {  	s4 =	simm.s32 $0x1BF5;
	[smem:$0x3FBB] =	sst s0  }
0x18: {  	s0 =	sld [smem:$0x3F9E];
	_ =	swait.ge [sflag:s4], $0x0  }
0x19: {  	s7 =	sld [smem:$0x3F9F]  }
0x1a: {  	s8 =	sadd.s32 $0xFFFFE003, lr  }
0x1b: {  	s9 =	sadd.s32 $0xFFFFFEF7, lr;
	s5 =	simm.s32 $0xFFFFFFFF;
	p2 =	slt.u32 s8, $0xFFFFF086  }
0x1c: {  	p1 =	slt.u32 s9, $0xF7A;
	s5 =	simm.s32 @!p2 $0x0  }
0x1d: {  	s5 =	simm.s32 @p1 $0x1;
	p0 =	seq.s32 s7, s2  }
0x1e: {  	s7 =	smul.u32 @!p0 $0xF7A, s2;
	p2 =	seq.s32 @!p0 s5, $0x0  }
0x1f: {  	s9 =	smul.u32 $0xF7A, s1;
	s8 =	simm.s32 @!p0 $0x1BF5;
	p2 =	por !p2, p0  }
0x20: {  	[sflag:s8] =	ssyncset.s32 @!p0 $0xFFFFF086;
	s6 =	sadd.s32 @!p0 s3, s7;
	s7 =	simm.s32 @!p0 $0x108  }
0x21: {  	s3 =	sadd.s32 s3, s9;
	s6 =	sadd.s32 @!p0 $0x88, s6;
	s7 =	simm.s32 @p2 $0x1082  }
0x22: {  	[simem:s7], [sflag:s8] =	dma.local @!p0 [hbm:s6], $0xF7A  }
0x23: {  	s9 =	sor.u32 $0xD0000000, s2;
	s6 =	simm.s32 $0x108;
	_ =	swait.ge @!p0 [sflag:s8], $0x0  }
0x24: {  	s3 =	sadd.s32 $0x88, s3;
	s6 =	simm.s32 @!p1 $0x1082;
	[sflag:s4] =	ssyncset.s32 $0xFFFFF086  }
0x25: {  	[simem:s6], [sflag:s4] =	dma.local [hbm:s3], $0xF7A  }
0x26: {  	[smem:$0x3F9F] =	sst s1;
	(tag) =	ssettag s2;
	_ =	strace s9  }
0x27: {  	s1 =	sld [smem:$0x3FAF]  }
0x28: {  	s2 =	sld [smem:$0x3FB0]  }
0x29: {  	s4 =	sld [smem:$0x3FB2]  }
0x2a: {  	p0 =	seq.s32 s5, $0x0;
	s5 =	sld [smem:$0x3FB3]  }
0x2b: {  	s6 =	sld [smem:$0x3FB4]  }
0x2c: {  	s7 =	sld [smem:$0x3FB5]  }
0x2d: {  	s3 =	simm.s32 $0x108;
	s8 =	sld [smem:$0x3FB6]  }
0x2e: {  	s3 =	simm.s32 @!p0 $0x1082;
	s9 =	sld [smem:$0x3FB7]  }
0x2f: {  	lr =	sadd.s32 s0, s3;
	s0 =	sld [smem:$0x3FAE]  }
0x30: {  	s3 =	sld [smem:$0x3FB1]  }
0x31: {  	[smem:$0x3FBA] =	sst s10  }
0x32: {  	s10 =	sld [smem:$0x3FB8];
	_ =	sdelay $0x3  }
0x33: {  	p0 =	seq.s32 s10, $0x1;
	s10 =	sld [smem:$0x3FBA];
	_ =	sdelay $0x3  }
0x34: {  	[smem:$0x3FBA] =	sst s10  }
0x35: {  	s10 =	sld [smem:$0x3FB9];
	_ =	sdelay $0x3  }
0x36: {  	p1 =	seq.s32 s10, $0x1;
	s10 =	sld [smem:$0x3FBA];
	_ =	sdelay $0x3  }
0x37: {  	[smem:$0x3FBA] =	sst s10  }
0x38: {  	s10 =	sld [smem:$0x3FBB]  }
0x39: {  	_ = 	snop;
	(pc) =	sbr.ind lr, $3  }
0x3a: {  	_ = 	snop  }
0x3b: {  	_ = 	snop  }
0x3c: {  	p2 =	seq.s32 s10, $0x1;
	s10 =	sld [smem:$0x3FBA]  }
0x3d: {  	_ =	shalt  }
0x3e: {  	_ =	shalt  }
0x3f: {  	_ =	shalt  }
0x40: {  	_ =	shalt  }
0x41: {  	_ =	shalt  }
0x42: {  	_ =	shalt  }
0x43: {  	_ =	shalt  }
0x44: {  	_ =	shalt  }
0x45: {  	_ =	shalt  }
0x46: {  	_ =	shalt  }
0x47: {  	_ =	shalt  }
0x48: {  	_ =	shalt  }
0x49: {  	_ =	shalt  }
0x4a: {  	_ =	shalt  }
0x4b: {  	_ =	shalt  }
0x4c: {  	_ =	shalt  }
0x4d: {  	_ =	shalt  }
0x4e: {  	_ =	shalt  }
0x4f: {  	_ =	shalt  }
0x50: {  	_ =	shalt  }
0x51: {  	_ =	shalt  }
0x52: {  	_ =	shalt  }
0x53: {  	_ =	shalt  }
0x54: {  	_ =	shalt  }
0x55: {  	_ =	shalt  }
0x56: {  	_ =	shalt  }
0x57: {  	_ =	shalt  }
0x58: {  	_ =	shalt  }
0x59: {  	_ =	shalt  }
0x5a: {  	_ =	shalt  }
0x5b: {  	_ =	shalt  }
0x5c: {  	_ =	shalt  }
0x5d: {  	_ =	shalt  }
0x5e: {  	_ =	shalt  }
0x5f: {  	_ =	shalt  }
0x60: {  	_ =	shalt  }
0x61: {  	_ =	shalt  }
0x62: {  	_ =	shalt  }
0x63: {  	_ =	shalt  }
0x64: {  	_ =	shalt  }
0x65: {  	_ =	shalt  }
0x66: {  	_ =	shalt  }
0x67: {  	_ =	shalt  }
0x68: {  	_ =	shalt  }
0x69: {  	_ =	shalt  }
0x6a: {  	_ =	shalt  }
0x6b: {  	_ =	shalt  }
0x6c: {  	_ =	shalt  }
0x6d: {  	_ =	shalt  }
0x6e: {  	_ =	shalt  }
0x6f: {  	_ =	shalt  }
0x70: {  	_ =	shalt  }
0x71: {  	_ =	shalt  }
0x72: {  	_ =	shalt  }
0x73: {  	_ =	shalt  }
0x74: {  	_ =	shalt  }
0x75: {  	_ =	shalt  }
0x76: {  	_ =	shalt  }
0x77: {  	_ =	shalt  }
0x78: {  	_ =	shalt  }
0x79: {  	_ =	shalt  }
0x7a: {  	_ =	shalt  }
0x7b: {  	_ =	shalt  }
0x7c: {  	_ =	shalt  }
0x7d: {  	_ =	shalt  }
0x7e: {  	_ =	shalt  }
0x7f: {  	_ =	shalt  }
0x80: {  	_ =	shalt  }
0x81: {  	_ =	shalt  }
0x82: {  	_ =	shalt  }
0x83: {  	_ =	shalt  }
0x84: {  	_ =	shalt  }
0x85: {  	_ =	shalt  }
0x86: {  	_ =	shalt  }
0x87: {  	_ =	shalt  }
.Lfunc_end0:
.L_simem_size_0:
called_computation.1_lowered:
.L_overlay_start_0:
0x88: {  	s2 =	sld [smem:$0x3FD9]  }
0x89: {  	s3 =	sld [smem:$0x3FFE];
	_ =	sdelay $0x1  }
0x8a: {  	s1 =	srdreg.scid  }
0x8b: {  	s0 =	sand.u32 $0x1, s1  }
0x8c: {  	s17 =	sshll.u32 s0, $0xA;
	s2 =	sadd.s32 s3, s2  }
0x8d: {  	s2 =	sadd.s32 s2, s17  }
0x8e: {  	[smem:$0x3FC6] =	sst s2  }
0x8f: {  	_ = 	snop  }
0x90: {  	s2 =	sld [smem:$0x3FD0];
	(tm) =	ssettm $0x1  }
0x91: {  	s18 =	sld [smem:$0x3FFB];
	_ =	sdelay $0x3  }
0x92: {  	_ =	strace s18  }
0x93: {  	s3 =	sld [smem:$0x3FFC];
	_ =	sdelay $0x3  }
0x94: {  	_ =	strace s3  }
0x95: {  	s3 =	sld [smem:$0x3FFD];
	_ =	sdelay $0x3  }
0x96: {  	_ =	strace s3  }
0x97: {  	_ =	strace $0x8FFFFFFF  }
0x98: {  	s19 =	sld [smem:$0x3FDB];
	_ =	sdelay $0x1  }
0x99: {  	s4 =	simm.s32 $_scs_section_size  }
0x9a: {  	s5 =	simm.s32 $_size__tile_overlayer_lowered;
	s6 =	simm.s32 $_tile_overlayer_lowered  }
0x9b: {  	s22 =	simm.s32 $0x1BFF;
	s21 =	sshll.u32 s6, $0x1;
	s3 =	sadd.s32 s4, s19  }
0x9c: {  	s7 =	simm.s32 $0x0;
	s20 =	sshll.u32 s5, $0x1;
	s5 =	sadd.s32 s21, s3  }
0x9d: {  	[timem:s7], [sflag:s22] =	dma.local [hbm:s5], s20  }
0x9e: {  	_ =	swait.ge [sflag:s22], s20  }
0x9f: {  	s4 =	ssub.s32 $0x0, s20;
	[sflag:s22] =	ssyncset.done $0x0  }
0xa0: {  	[sflag:s22] =	ssyncadd.s32 s4;
	_ =	sdelay $0x1  }
0xa1: {  	s23 =	simm.s32 $0x1B8B  }
0xa2: {  	_ =	swait.ge [sflag:s23], $0x1  }
0xa3: {  	[sflag:s23] =	ssyncset.done $0x0  }
0xa4: {  	s25 =	simm.s32 $0x1B8E;
	s24 =	sld [smem:$0x3FFE];
	[sflag:s23] =	ssyncadd.s32 $0xFFFFFFFF  }
0xa5: {  	s26 =	simm.s32 $execute0_lowered;
	[smem:$0x3FD2] =	sst s25  }
0xa6: {  	s5 =	sshll.u32 s26, $0x1;
	_ =	strace $0x80000049;
	[dreg:$0x1] =	wrdreg $0xFFFFFFFF  }
0xa7: {  	s28 =	simm.s32 $_size_execute0_lowered;
	s3 =	sadd.s32 s3, s5;
	[dreg:$0x0] =	wrdreg $0x0  }
0xa8: {  	s5 =	sshll.u32 s28, $0x1;
	[dreg:$0x2] =	wrdreg s3  }
0xa9: {  	[dreg:$0x3] =	wrdreg s5  }
0xaa: {  	[dreg:$0x4] =	wrdreg $0xC0  }
0xab: {  	_ =	task [dreg:s7], $0x5FFFF  }
0xac: {  	[dreg:$0x1] =	wrdreg $0xFFFFFFFF  }
0xad: {  	[dreg:$0x0] =	wrdreg $0x60  }
0xae: {  	[dreg:$0x2] =	wrdreg s24  }
0xaf: {  	[dreg:$0x3] =	wrdreg s2  }
0xb0: {  	[dreg:$0x4] =	wrdreg $0x9  }
0xb1: {  	_ =	task.clear_ibuf [dreg:s7], $0x5FFFF;
	_ =	strace $0x90000049  }
0xb2: {  	s29 =	simm.s32 $0x9;
	_ =	strace $0x8000004B  }
0xb3: {  	_ =	swait.ge [sflag:s29], $0x1  }
0xb4: {  	[sflag:s29] =	ssyncadd.s32 $0xFFFFFFFF  }
0xb5: {  	_ =	strace $0x9000004B  }
0xb6: {  	_ =	sfence  }
0xb7: {  	s30 =	sld [smem:$0x0];
	_ =	sdelay $0x2  }
0xb8: {  	s31 =	sshll.u32 s1, $0xD;
	s1 =	sshrl.u32 s1, $0x2  }
0xb9: {  	s3 =	sand.u32 $0x4000, s31;
	s1 =	sadd.s32 s1, s30  }
0xba: {  	s0 =	sor.u32 s3, s0;
	s1 =	sshll.u32 s1, $0x11  }
0xbb: {  	s0 =	sor.u32 s1, s0  }
0xbc: {  	s0 =	sadd.s32 $0x8F2B, s0  }
0xbd: {  	[sflag:s0] =	ssyncadd.remote.s32 $0x1  }
0xbe: {  	_ =	sfence.sel $0xFFFF  }
0xbf: {  	[dreg:$0x0] =	wrdreg $0xFFFFFFFF;
	(pc) =	sbr.abs _section_cstart, $3  }
0xc0: {  	[dreg:$0x1] =	wrdreg $0xFFFFFFFF  }
0xc1: {  	_ =	task.clear_ibuf [dreg:s7], $0x2FFFF;
	_ =	strace $0x9FFFFFFF  }
0xc2: {  	(tm) =	ssettm $0x7FFFFFFF  }
0xc3: {  	_ =	shalt  }
tec
execute0_lowered:
.L_overlay_start_1:
0x0: {  	(tag) =	ssettag $0x1  }
0x1: {  	s0 =	rddreg [dreg:$0x0]  }
0x2: {  	s1 =	srdreg.scid;
	s12 =	stileid.u32  }
0x3: {  	s4 =	rddreg [dreg:$0x1];
	s2 =	simm.s32 $0x0;
	s28 =	simm.s32 $0x7  }
0x4: {  	s29 =	simm.s32 $0x1C00;
	s30 =	simm.s32 $0x200;
	s11 =	smul.u32 $0x70000, s12  }
0x5: {  	s31 =	simm.s32 $0x300;
	s1 =	sand.u32 $0x1, s1;
	s14 =	smul.u32 $0x6800, s12  }
0x6: {  	s3 =	sshll.u32 s12, $0x1;
	[smem:$0x7FF] =	sst s2;
	s13 =	smul.u32 $0x38000, s1  }
0x7: {  	s3 =	sor.u32 s1, s3;
	s7 =	ssub.s32 $0x2, s1;
	s1 =	smul.u32 $0x3400, s1  }
0x8: {  	s6 =	sadd.s32 $0x4F6600, s0;
	s12 =	simm.s32 $0x1;
	s5 =	smul.u32 $0x3400, s3  }
0x9: {  	_ =	strace $0x8000004A;
	s8 =	smul.u32 $0x7000, s3;
	s10 =	sshrl.u32 s7, $0x1  }
0xa: {  	s3 =	sadd.s32 $0xC00, s0;
	s10 =	ssub.s32 s7, s10;
	s17 =	sadd.s32 s13, s11  }
0xb: {  	s1 =	sadd.s32 s1, s14;
	s7 =	simm.s32 $0x380;
	s5 =	sshrl.u32 s5, $0x3  }
0xc: {  	s8 =	sadd.s32 s8, s4;
	s19 =	sor.u32 $0x10, s17;
	s21 =	sadd.s32 $0x1C00, s1  }
0xd: {  	s22 =	sshrl.u32 s17, $0x3;
	s24 =	sor.u32 $0x200, s1;
	s25 =	sadd.s32 $0x1D00, s1  }
0xe: {  	s1 =	sor.u32 $0x300, s1;
	s17 =	simm.s32 $0x2;
	s9 =	sadd.s32 s5, s0  }
0xf: {  	s8 =	sadd.s32 $0x34, s8;
	s15 =	sadd.s32 s6, s5;
	s0 =	smax.u32 s10, $0x1  }
0x10: {  	s20 =	sshrl.u32 s19, $0x3;
	s23 =	sshrl.u32 s21, $0x3;
	s26 =	sshrl.u32 s25, $0x3  }
0x11: {  	s1 =	sshrl.u32 s1, $0x3;
	s19 =	simm.s32 $0x2400;
	[dreg:$0x4] =	wrdreg s8  }
0x12: {  	s21 =	simm.s32 $0x280;
	s10 =	simm.s32 $0x5;
	[dreg:$0x5] =	wrdreg s15  }
0x13: {  	s9 =	sadd.s32 $0x503600, s9;
	s5 =	sadd.s32 $0x340, s15;
	[dreg:$0x9] =	wrdreg s0  }
0x14: {  	s16 =	sadd.s32 $0x20, s15;
	s18 =	sadd.s32 $0x360, s15;
	[dreg:$0x3] =	wrdreg s9  }
0x15: {  	s0 =	sadd.s32 s20, s4;
	s13 =	sadd.s32 s23, s6;
	[dreg:$0x6] =	wrdreg s5  }
0x16: {  	s15 =	sadd.s32 s26, s6;
	s20 =	simm.s32 $0x1C0;
	[dreg:$0x7] =	wrdreg s16  }
0x17: {  	s23 =	simm.s32 $0x80;
	s8 =	simm.s32 $0x3C00;
	[dreg:$0x8] =	wrdreg s18  }
.Ltmp0:
0x18: {  	[dreg:$0xa] =	wrdreg s0;
	s0 =	sadd.s32 s22, s4;
	(pc) =	sbr.rel .LBB2_1-.Ltmp0, $4  }
0x19: {  	s16 =	sadd.s32 s1, s6;
	s22 =	simm.s32 $0x100;
	s1 =	simm.s32 $0x3  }
0x1a: {  	s4 =	simm.s32 $0x2C00;
	s5 =	simm.s32 $0x3400;
	s9 =	simm.s32 $0x4  }
0x1b: {  	s18 =	simm.s32 $0x0;
	[dreg:$0xb] =	wrdreg s0;
	s0 =	sshrl.u32 s24, $0x3  }
0x1c: {  	s24 =	simm.s32 $0x400;
	s14 =	sadd.s32 s0, s6;
	s0 =	simm.s32 $0x10  }
.LBB2_6:
0x1d: {  	_ =	swait.ge [sflag:s10], $0x2000  }
0x1e: {  	[sflag:s10] =	ssyncset.done $0x0  }
0x1f: {  	s11 =	simm.s32 $0x6;
	[sflag:s10] =	ssyncadd.s32 $0xFFFFE000  }
0x20: {  	_ =	swait.ge [sflag:s11], $0x2000  }
0x21: {  	s18 =	rddreg [dreg:$0xc]  }
0x22: {  	s6 =	rddreg [dreg:$0x9];
	s18 =	sadd.s32 $0x1, s18  }
0x23: {  	p0 =	sne.s32 s18, s6  }
.Ltmp1:
0x24: {  	_ = 	snop;
	(pc) =	sbr.rel @!p0 .LBB2_7-.Ltmp1, $3  }
0x25: {  	_ =	sdelay $0x1  }
0x26: {  	[sflag:s11] =	ssyncset.done $0x0  }
0x27: {  	s28 =	simm.s32 $0x7;
	[sflag:s11] =	ssyncadd.s32 $0xFFFFE000  }
.LBB2_1:
0x28: {  	[dreg:$0xc] =	wrdreg s18  }
0x29: {  	s6 =	rddreg [dreg:$0x3];
	s11 =	simm.s32 $0x8400  }
0x2a: {  	[tilespmem:s11], [sflag:$0x7] =	stream.linear.gather [hbm4b:s6+s2], $0x3400, $0x38;
	[tilespmem:$0xB800] =	vst v63  }
0x2b: {  	_ =	swait.ge [sflag:s28], $0x3400  }
0x2c: {  	[sflag:s28] =	ssyncset.done $0x0  }
0x2d: {  	s25 =	simm.s32 $0x8434;
	[sflag:s28] =	ssyncadd.s32 $0xFFFFCC00  }
0x2e: {  	v0 =	vld [tilespmem:s25+$0x1A];
	_ =	sdelay $0x1  }
0x2f: {  	v1 =	vld [tilespmem:s25+$0xFFFFFFE6]  }
0x30: {  	v2 =	vld [tilespmem:s25+$0x0]  }
0x31: {  	s6 =	simm.s32 $0x4440;
	s11 =	simm.s32 $0x849C;
	v3 =	vld [tilespmem:s25+$0xFFFFFFCC]  }
0x32: {  	v5 =	vld [tilespmem:s11+$0x1A];
	[tilespmem:s6+$0x20] =	vst v0  }
0x33: {  	v0 =	vld [tilespmem:s25+$0x24]  }
0x34: {  	v6 =	vld [tilespmem:s11+$0xFFFFFFE6];
	[tilespmem:s6+$0xFFFFFFE0] =	vst v1  }
0x35: {  	v7 =	vld [tilespmem:s11+$0x0];
	[tilespmem:s6+$0x0] =	vst v2  }
0x36: {  	s18 =	simm.s32 $0x44C0;
	[tilespmem:s6+$0xFFFFFFC0] =	vst v3;
	v4 =	vld [tilespmem:s25+$0xFFFFFFF0]  }
0x37: {  	v1 =	vld [tilespmem:s11+$0xFFFFFFCC];
	[tilespmem:s18+$0x20] =	vst v5  }
0x38: {  	[tilespmem:s6+$0x2A] =	vst v0;
	v0 =	vld [tilespmem:s25+$0xFFFFFFD6]  }
0x39: {  	[tilespmem:s18+$0xFFFFFFE0] =	vst v6;
	v2 =	vld [tilespmem:s25+$0xA]  }
0x3a: {  	[tilespmem:s18+$0x0] =	vst v7;
	v3 =	vld [tilespmem:s11+$0x24]  }
0x3b: {  	s26 =	simm.s32 $0x8504;
	[tilespmem:s6+$0xFFFFFFEA] =	vst v4;
	s25 =	simm.s32 $0x4;
	v4 =	vld [tilespmem:s11+$0xFFFFFFF0]  }
.LBB2_2:
0x3c: {  	v5 =	vld [tilespmem:s26+$0x1A];
	s25 =	sadd.s32 $0x4, s25;
	[tilespmem:s18+$0xFFFFFFC0] =	vst v1  }
0x3d: {  	v6 =	vld [tilespmem:s26+$0xFFFFFFE6];
	p0 =	slt.u32 s25, $0x1FC;
	[tilespmem:s6+$0xFFFFFFCA] =	vst v0  }
0x3e: {  	v7 =	vld [tilespmem:s26+$0x0];
	[tilespmem:s6+$0xA] =	vst v2;
	s6 =	smov.u32 s18  }
.Ltmp2:
0x3f: {  	v1 =	vld [tilespmem:s26+$0xFFFFFFCC];
	[tilespmem:s18+$0x2A] =	vst v3;
	(pc) =	sbr.rel @p0 .LBB2_2-.Ltmp2, $4  }
0x40: {  	s18 =	sadd.s32 $0x80, s18;
	v0 =	vld [tilespmem:s11+$0xFFFFFFD6];
	[tilespmem:s6+$0xFFFFFFEA] =	vst v4  }
0x41: {  	[tilespmem:s18+$0x20] =	vst v5;
	v2 =	vld [tilespmem:s11+$0xA];
	s11 =	smov.u32 s26  }
0x42: {  	[tilespmem:s18+$0xFFFFFFE0] =	vst v6;
	v3 =	vld [tilespmem:s26+$0x24]  }
0x43: {  	s26 =	sadd.s32 $0x68, s26;
	v4 =	vld [tilespmem:s11+$0xFFFFFFF0];
	[tilespmem:s18+$0x0] =	vst v7  }
0x44: {  	[tilespmem:s18+$0xFFFFFFC0] =	vst v1;
	v63 =	vld [tilespmem:s11+$0xA]  }
0x45: {  	v1 =	vld [tilespmem:s11+$0xFFFFFFD6];
	[tilespmem:s6+$0xFFFFFFCA] =	vst v0  }
0x46: {  	[tilespmem:s6+$0xA] =	vst v2  }
0x47: {  	[tilespmem:s18+$0x2A] =	vst v3  }
0x48: {  	[tilespmem:s18+$0xFFFFFFEA] =	vst v4  }
0x49: {  	[tilespmem:s18+$0xA] =	vst v63  }
0x4a: {  	[tilespmem:s18+$0xFFFFFFCA] =	vst v1  }
0x4b: {  	s25 =	simm.s32 $0x20;
	s26 =	simm.s32 $0x4400;
	s6 =	rddreg [dreg:$0x4]  }
0x4c: {  	[hbm4b:s6+s25] =	stream.strided.scatter [tilespmem:s26], [sflag:$0x7], $0x4000, s20, s25, $0x38;
	[tilespmem:$0xB800] =	vst v63  }
0x4d: {  	_ =	swait.ge [sflag:s28], $0x4000  }
0x4e: {  	[sflag:s28] =	ssyncset.done $0x0  }
0x4f: {  	s11 =	simm.s32 $0x0;
	s25 =	rddreg [dreg:$0x5];
	[sflag:s28] =	ssyncadd.s32 $0xFFFFC000  }
0x50: {  	[tilespmem:s11], [sflag:$0x7] =	stream.linear.gather [hbm4b:s25+s11], $0x100, $0x38;
	[tilespmem:$0xB800] =	vst v63  }
0x51: {  	_ =	swait.ge [sflag:s28], $0x100  }
0x52: {  	[sflag:s28] =	ssyncset.done $0x0  }
0x53: {  	s26 =	rddreg [dreg:$0x6];
	[sflag:s28] =	ssyncadd.s32 $0xFFFFFF00  }
0x54: {  	[tilespmem:s22], [sflag:$0x7] =	stream.linear.gather [hbm4b:s26+s11], $0x100, $0x38;
	[tilespmem:$0xB800] =	vst v63  }
0x55: {  	_ =	swait.ge [sflag:s28], $0x100  }
0x56: {  	[sflag:s28] =	ssyncset.done $0x0  }
0x57: {  	[sflag:s28] =	ssyncadd.s32 $0xFFFFFF00  }
0x58: {  	[tilespmem:s24], [sflag:$0x3] =	stream.indirect.gather [hbm4b:s3+s23], $0x10, s11, s23, $0xb8;
	[tilespmem:$0xB800] =	vst v63  }
0x59: {  	s28 =	simm.s32 $0xC00  }
0x5a: {  	[tilespmem:s28], [sflag:$0x3] =	stream.indirect.gather [hbm4b:s3+s23], $0x10, s23, s23, $0xb8;
	[tilespmem:$0xB800] =	vst v63  }
0x5b: {  	s18 =	simm.s32 $0x1400;
	s26 =	rddreg [dreg:$0x7]  }
0x5c: {  	[tilespmem:s18], [sflag:$0x3] =	stream.indirect.gather [hbm4b:s3+s23], $0x10, s22, s23, $0xb8;
	[tilespmem:$0xB800] =	vst v63  }
0x5d: {  	s25 =	simm.s32 $0x180;
	s6 =	rddreg [dreg:$0xa]  }
0x5e: {  	[tilespmem:s29], [sflag:$0x3] =	stream.indirect.gather [hbm4b:s3+s23], $0x10, s25, s23, $0xb8;
	[tilespmem:$0xB800] =	vst v63  }
0x5f: {  	s28 =	rddreg [dreg:$0x8]  }
0x60: {  	[tilespmem:s30], [sflag:$0x2] =	stream.linear.gather [hbm4b:s26+s11], $0x100, $0x38;
	[tilespmem:$0xB800] =	vst v63  }
0x61: {  	s18 =	rddreg [dreg:$0xb]  }
0x62: {  	[tilespmem:s31], [sflag:$0x2] =	stream.linear.gather [hbm4b:s28+s11], $0x100, $0x38;
	[tilespmem:$0xB800] =	vst v63  }
.LBB2_4:
0x63: {  	_ =	swait.ge [sflag:s1], $0x800  }
0x64: {  	[sflag:s1] =	ssyncset.done $0x0  }
0x65: {  	[sflag:s1] =	ssyncadd.s32 $0xFFFFF800  }
0x66: {  	_ =	swait.ge [sflag:s1], $0x800  }
0x67: {  	[sflag:s1] =	ssyncset.done $0x0  }
0x68: {  	[sflag:s1] =	ssyncadd.s32 $0xFFFFF800  }
0x69: {  	_ =	swait.ge [sflag:s1], $0x800  }
0x6a: {  	[sflag:s1] =	ssyncset.done $0x0  }
0x6b: {  	[sflag:s1] =	ssyncadd.s32 $0xFFFFF800  }
0x6c: {  	_ =	swait.ge [sflag:s1], $0x800  }
0x6d: {  	[sflag:s1] =	ssyncset.done $0x0  }
0x6e: {  	[sflag:s1] =	ssyncadd.s32 $0xFFFFF800  }
0x6f: {  	[hbm4b:s18+s0] =	stream.strided.scatter [tilespmem:s24], [sflag:$0x5], $0x2000, s20, s0, $0x38;
	[tilespmem:$0xB800] =	vst v63  }
0x70: {  	_ =	swait.ge [sflag:s17], $0x100  }
0x71: {  	[sflag:s17] =	ssyncset.done $0x0  }
0x72: {  	[sflag:s17] =	ssyncadd.s32 $0xFFFFFF00  }
0x73: {  	_ =	swait.ge [sflag:s17], $0x100  }
0x74: {  	p0 =	seq.s32 s11, $0x0;
	[sflag:s17] =	ssyncset.done $0x0  }
0x75: {  	s25 =	simm.s32 @!p0 $0x6;
	[sflag:s17] =	ssyncadd.s32 $0xFFFFFF00  }
0x76: {  	_ =	swait.ge @!p0 [sflag:s25], $0x2000  }
0x77: {  	[sflag:s25] =	ssyncset.done @!p0 $0x0  }
0x78: {  	[sflag:s25] =	ssyncadd.s32 @!p0 $0xFFFFE000  }
0x79: {  	[tilespmem:s19], [sflag:$0x4] =	stream.indirect.gather [hbm4b:s3+s23], $0x10, s30, s23, $0xb8;
	[tilespmem:$0xB800] =	vst v63  }
0x7a: {  	_ = 	snop  }
0x7b: {  	[tilespmem:s4], [sflag:$0x4] =	stream.indirect.gather [hbm4b:s3+s23], $0x10, s21, s23, $0xb8;
	[tilespmem:$0xB800] =	vst v63  }
0x7c: {  	_ = 	snop  }
0x7d: {  	[tilespmem:s5], [sflag:$0x4] =	stream.indirect.gather [hbm4b:s3+s23], $0x10, s31, s23, $0xb8;
	[tilespmem:$0xB800] =	vst v63  }
0x7e: {  	p0 =	seq.s32 s11, $0x300  }
0x7f: {  	[tilespmem:s8], [sflag:$0x4] =	stream.indirect.gather [hbm4b:s3+s23], $0x10, s7, s23, $0xb8;
	[tilespmem:$0xB800] =	vst v63  }
0x80: {  	s25 =	sadd.s32 @!p0 s11, s14;
	s26 =	simm.s32 @!p0 $0x0  }
0x81: {  	[tilespmem:s26], [sflag:$0x1] =	stream.linear.gather @!p0 [hbm4b:s25+s26], $0x100, $0x38;
	[tilespmem:$0xB800] =	vst v63  }
0x82: {  	s28 =	simm.s32 @!p0 $0x100;
	s25 =	sadd.s32 @!p0 s11, s13  }
0x83: {  	[tilespmem:s28], [sflag:$0x1] =	stream.linear.gather @!p0 [hbm4b:s25+s26], $0x100, $0x38;
	[tilespmem:$0xB800] =	vst v63  }
0x84: {  	_ =	swait.ge [sflag:s9], $0x800  }
0x85: {  	[sflag:s9] =	ssyncset.done $0x0  }
0x86: {  	[sflag:s9] =	ssyncadd.s32 $0xFFFFF800  }
0x87: {  	_ =	swait.ge [sflag:s9], $0x800  }
0x88: {  	[sflag:s9] =	ssyncset.done $0x0  }
0x89: {  	[sflag:s9] =	ssyncadd.s32 $0xFFFFF800  }
0x8a: {  	_ =	swait.ge [sflag:s9], $0x800  }
0x8b: {  	[sflag:s9] =	ssyncset.done $0x0  }
.Ltmp3:
0x8c: {  	[sflag:s9] =	ssyncadd.s32 $0xFFFFF800;
	(pc) =	sbr.rel @p0 .LBB2_6-.Ltmp3, $4  }
0x8d: {  	_ =	swait.ge [sflag:s9], $0x800  }
0x8e: {  	[sflag:s9] =	ssyncset.done $0x0  }
0x8f: {  	[sflag:s9] =	ssyncadd.s32 $0xFFFFF800  }
0x90: {  	[hbm4b:s6+s0] =	stream.strided.scatter [tilespmem:s19], [sflag:$0x6], $0x2000, s20, s0, $0x38;
	[tilespmem:$0xB800] =	vst v63  }
0x91: {  	_ =	swait.ge [sflag:s12], $0x100  }
0x92: {  	[sflag:s12] =	ssyncset.done $0x0  }
0x93: {  	[sflag:s12] =	ssyncadd.s32 $0xFFFFFF00  }
0x94: {  	_ =	swait.ge [sflag:s12], $0x100  }
0x95: {  	[sflag:s12] =	ssyncset.done $0x0  }
0x96: {  	[sflag:s12] =	ssyncadd.s32 $0xFFFFFF00  }
0x97: {  	_ =	swait.ge [sflag:s10], $0x2000  }
0x98: {  	[sflag:s10] =	ssyncset.done $0x0  }
0x99: {  	[sflag:s10] =	ssyncadd.s32 $0xFFFFE000  }
0x9a: {  	[tilespmem:s24], [sflag:$0x3] =	stream.indirect.gather [hbm4b:s3+s23], $0x10, s2, s23, $0xb8;
	[tilespmem:$0xB800] =	vst v63  }
0x9b: {  	s25 =	simm.s32 $0xC00  }
0x9c: {  	[tilespmem:s25], [sflag:$0x3] =	stream.indirect.gather [hbm4b:s3+s23], $0x10, s23, s23, $0xb8;
	[tilespmem:$0xB800] =	vst v63  }
0x9d: {  	s26 =	simm.s32 $0x1400  }
0x9e: {  	[tilespmem:s26], [sflag:$0x3] =	stream.indirect.gather [hbm4b:s3+s23], $0x10, s22, s23, $0xb8;
	[tilespmem:$0xB800] =	vst v63  }
0x9f: {  	s28 =	simm.s32 $0x180  }
0xa0: {  	[tilespmem:s29], [sflag:$0x3] =	stream.indirect.gather [hbm4b:s3+s23], $0x10, s28, s23, $0xb8;
	[tilespmem:$0xB800] =	vst v63  }
.Ltmp4:
0xa1: {  	_ = 	snop;
	(pc) =	sbr.rel .LBB2_4-.Ltmp4, $4  }
0xa2: {  	s6 =	sadd.s32 $0x4, s6;
	s26 =	sadd.s32 s11, s16  }
0xa3: {  	[tilespmem:s30], [sflag:$0x2] =	stream.linear.gather [hbm4b:s26+s2], $0x100, $0x38;
	[tilespmem:$0xB800] =	vst v63  }
0xa4: {  	s18 =	sadd.s32 $0x4, s18;
	s28 =	sadd.s32 s11, s15;
	s11 =	sadd.s32 $0x40, s11  }
0xa5: {  	[tilespmem:s31], [sflag:$0x2] =	stream.linear.gather [hbm4b:s28+s2], $0x100, $0x38;
	[tilespmem:$0xB800] =	vst v63  }
.LBB2_7:
0xa6: {  	_ =	sfence.sel $0x180000  }
0xa7: {  	[bflag:$0x0] =	sbarrier.arrive $0xFFFF  }
0xa8: {  	_ =	strace $0x9000004A  }
0xa9: {  	s0 =	stileid.u32;
	[bflag:$0x2] =	sbarrier.arrive $0xFFFF  }
0xaa: {  	p0 =	sne.s32 s0, $0x0;
	s0 =	rddreg [dreg:$0x2]  }
0xab: {  	s0 =	sadd.s32 @!p0 $0x100000, s0  }
0xac: {  	[sflag:s0] =	ssyncadd.tile.s32 @!p0 $0x1;
	_ =	shalt  }
.Lfunc_end2:
_tile_overlayer_lowered:
.L_overlay_start_2:
0xad: {  	(tag) =	ssettag $0x2  }
0xae: {  	s0 =	rddreg [dreg:$0x0];
	s2 =	stileid.u32  }
0xaf: {  	s1 =	rddreg [dreg:$0x1];
	p0 =	sne.s32 s2, $0x0  }
0xb0: {  	s3 =	rddreg [dreg:$0x2];
	[bflag:$0x3] =	sbarrier.arrive $0xFFFF;
	s2 =	simm.s32 @!p0 $0x1C07  }
0xb1: {  	[timem:s3], [sflag:s2] =	dma.local @!p0 [hbm:s0], s1  }
0xb2: {  	s0 =	simm.s32 @!p0 $0x7  }
0xb3: {  	_ =	swait.ge @!p0 [sflag:s0], s1  }
0xb4: {  	s1 =	ssub.s32 @!p0 $0x0, s1;
	[sflag:s0] =	ssyncset.done @!p0 $0x0  }
0xb5: {  	[sflag:s0] =	ssyncadd.s32 @!p0 s1  }
0xb6: {  	[bflag:$0x3] =	sbarrier.arrive $0xFFFF  }
0xb7: {  	_ =	shalt  }

</sc_bundles>
